<compile_context>
chip_gen: v7x
topology: tpu7x:2x2x1
jax: 0.10.2.dev20260603
libtpu: 0.0.44.dev20260713+nightly
codegen_flags: <defaults>
</compile_context>

<pallas_src>
import functools

import jax
import jax.numpy as jnp
from jax import lax
from jax.experimental import pallas as pl
from jax.experimental.pallas import tpu as pltpu
from jax.experimental.pallas import tpu_sc as plsc

EPS = 1e-5

_NC = 2
_NS = 16
_NW = _NC * _NS


def _make_gather(B, dims):
    bpw = B // _NW
    T = len(dims)
    D = sum(dims)
    feat = [(t, c) for t, d in enumerate(dims) for c in range(d)]

    mesh = plsc.VectorSubcoreMesh(core_axis_name="c", subcore_axis_name="s")

    @functools.partial(
        pl.kernel,
        mesh=mesh,
        out_type=jax.ShapeDtypeStruct((D, B), jnp.float32),
        scratch_types=[
            pltpu.VMEM((T, bpw), jnp.int32),
            pltpu.VMEM((D, bpw), jnp.float32),
            pltpu.SemaphoreType.DMA,
        ],
        compiler_params=pltpu.CompilerParams(
            use_tc_tiling_on_sc=False, needs_layout_passes=False
        ),
    )
    def gather_k(*refs):
        i_hbms = refs[:T]
        tables = refs[T:2 * T]
        out_hbm = refs[2 * T]
        idxb_v, xt_v, sem = refs[2 * T + 1:]
        wid = lax.axis_index("s") * _NC + lax.axis_index("c")
        base = wid * bpw
        for s, i_hbm in enumerate(i_hbms):
            pltpu.sync_copy(i_hbm.at[pl.ds(base, bpw)], idxb_v.at[s])

        copies = [
            pltpu.async_copy(
                tables[tid].at[c_local].at[idxb_v.at[tid]], xt_v.at[c], sem)
            for c, (tid, c_local) in enumerate(feat)
        ]
        for cp in copies:
            cp.wait()
        pltpu.sync_copy(xt_v, out_hbm.at[:, pl.ds(base, bpw)])

    return gather_k


def _mlp_body(xt, xt2, xt3, g0, b0, w1, b1, g1, be1, w2, b2, g2, be2, wo, bo,
              out):
    n = out.shape[0] * out.shape[1]

    def bn(h, g, b):
        s1 = jnp.sum(h, axis=2)
        m = (jnp.sum(s1, axis=1) / n)[:, None, None]
        d = h - m
        s2 = jnp.sum(d * d, axis=2)
        v = (jnp.sum(s2, axis=1) / n)[:, None, None]
        return d * lax.rsqrt(v + EPS) * g[...][:, None, None] \
            + b[...][:, None, None]

    def mm(w, h):
        return lax.dot_general(
            w[...], h, dimension_numbers=(((1,), (0,)), ((), ())),
            preferred_element_type=jnp.float32)

    x = bn(jnp.concatenate([xt[...], xt2[...], xt3[...]], axis=0), g0, b0)
    h = jnp.maximum(mm(w1, x) + b1[...][:, None, None], 0.0)
    h = bn(h, g1, be1)
    h = jnp.maximum(mm(w2, h) + b2[...][:, None, None], 0.0)
    h = bn(h, g2, be2)
    h = h * wo[...].T[:, :, None]
    out[...] = jnp.sum(h, axis=0) + bo[...][:, None]


def kernel(input, item_emb, cat_emb, shop_emb, g0, b0, W1, b1, g1, be1,
           W2, b2, g2, be2, Wo, bo):
    B = input.shape[0]
    V, D1 = item_emb.shape
    D2 = cat_emb.shape[1]
    D3 = shop_emb.shape[1]
    D = D1 + D2 + D3

    idx = input.astype(jnp.int32)
    i0 = idx[:, 0]
    i1 = idx[:, 1]
    i2 = idx[:, 2]

    itemT = item_emb.T
    Dh = D1 // 2
    gather_ia = _make_gather(B, (Dh,))
    xt_ia = gather_ia(i0, itemT[:Dh])
    gather_ib = _make_gather(B, (D1 - Dh,))
    xt_ib = gather_ib(i0, itemT[Dh:])
    gather_cs = _make_gather(B, (D2, D3))
    xt_cs = gather_cs(i1, i2, cat_emb.T, shop_emb.T)

    xt_ia3 = xt_ia.reshape(Dh, 128, B // 128)
    xt_ib3 = xt_ib.reshape(D1 - Dh, 128, B // 128)
    xt_cs3 = xt_cs.reshape(D2 + D3, 128, B // 128)

    mlp = pl.pallas_call(
        _mlp_body,
        out_shape=jax.ShapeDtypeStruct((128, B // 128), jnp.float32),
    )
    out = mlp(xt_ia3, xt_ib3, xt_cs3, g0, b0, W1, b1, g1, be1, W2, b2, g2,
              be2, Wo, bo)
    return out.reshape(B)

# --- scband reference (transcript-rebuilt; emitter-appended) ---
"""Pipeline reference for scband-embedding-net-36687610642926 (READ-ONLY COPY).

The authoritative reference and input builder live on the scoring server;
editing this copy changes nothing except your own understanding.
"""

import jax, jax.numpy as jnp
import numpy as np

EPS = 1e-5

def _bn(x, g, b):
    # BatchNorm1d in training mode: batch statistics (biased variance)
    m = jnp.mean(x, axis=0)
    v = jnp.var(x, axis=0)
    return (x - m) / jnp.sqrt(v + EPS) * g + b

def setup_inputs(seed: int = 0) -> dict:
    key = jax.random.key(seed)
    ks = jax.random.split(key, 8)
    B = 16384
    V = 100000
    inp = jax.random.randint(ks[0], (B, 3), 0, V)
    item_emb = jax.random.normal(ks[1], (V, 24), dtype=jnp.float32) * 0.05
    cat_emb = jax.random.normal(ks[2], (V, 8), dtype=jnp.float32) * 0.05
    shop_emb = jax.random.normal(ks[3], (V, 8), dtype=jnp.float32) * 0.05
    g0 = jnp.ones((40,), jnp.float32); b0 = jnp.zeros((40,), jnp.float32)
    W1 = jax.random.normal(ks[4], (20, 40), dtype=jnp.float32) * 0.1
    b1 = jnp.zeros((20,), jnp.float32)
    g1 = jnp.ones((20,), jnp.float32); be1 = jnp.zeros((20,), jnp.float32)
    W2 = jax.random.normal(ks[5], (10, 20), dtype=jnp.float32) * 0.1
    b2 = jnp.zeros((10,), jnp.float32)
    g2 = jnp.ones((10,), jnp.float32); be2 = jnp.zeros((10,), jnp.float32)
    Wo = jax.random.normal(ks[6], (1, 10), dtype=jnp.float32) * 0.1
    bo = jnp.zeros((1,), jnp.float32)
    return {"input": inp, "item_emb": item_emb, "cat_emb": cat_emb, "shop_emb": shop_emb,
            "g0": g0, "b0": b0, "W1": W1, "b1": b1, "g1": g1, "be1": be1,
            "W2": W2, "b2": b2, "g2": g2, "be2": be2, "Wo": Wo, "bo": bo}

def reference(input, item_emb, cat_emb, shop_emb, g0, b0, W1, b1, g1, be1, W2, b2, g2, be2, Wo, bo):
    t1 = jnp.take(item_emb, input[:, 0], axis=0)
    t2 = jnp.take(cat_emb, input[:, 1], axis=0)
    t3 = jnp.take(shop_emb, input[:, 2], axis=0)
    t = jnp.concatenate((t1, t2, t3), axis=1)
    # dropout0 omitted (identity at eval / deterministic reference)
    t = _bn(t, g0, b0)
    t = jax.nn.relu(t @ W1.T + b1)
    t = _bn(t, g1, be1)
    t = jax.nn.relu(t @ W2.T + b2)
    t = _bn(t, g2, be2)
    t = t @ Wo.T + bo
    return jnp.squeeze(t, axis=-1)

if __name__ == "__main__":
    import jax
    _d = setup_inputs()
    print(jax.jit(kernel)(*tuple(_d.values())))

</pallas_src>

<mosaic_0001>
#map = affine_map<(d0, d1) -> (0)>
#map1 = affine_map<(d0, d1) -> (0, 0)>
module attributes {stable_mosaic.version = 14 : i64} {
  func.func @gather_k(%arg0: i32, %arg1: i32, %arg2: memref<16384xi32, #tpu.memory_space<hbm>>, %arg3: memref<12x100000xf32, #tpu.memory_space<hbm>>, %arg4: memref<12x16384xf32, #tpu.memory_space<hbm>>, %arg5: memref<1x512xi32, #tpu.memory_space<vmem>>, %arg6: memref<12x512xf32, #tpu.memory_space<vmem>>, %arg7: memref<!tpu.dma_semaphore, #tpu.memory_space<semaphore_mem>>) attributes {dimension_semantics = [#tpu.dimension_semantics<core_parallel>, #tpu.dimension_semantics<subcore_parallel>], iteration_bounds = array<i64: 2, 16>, scalar_prefetch = 0 : i64, scratch_operands = 3 : i64, tpu.core_type = #tpu.core_type<sc_vector_subcore>, window_params = [{transform_indices = #map}, {transform_indices = #map1}, {transform_indices = #map1}]} {
    %mul3A = arith.constant 2 : i32
    %mul3A_0 = arith.muli %arg1, %mul3A : i32
    %add3A = arith.addi %mul3A_0, %arg0 : i32
    %mul3A_1 = arith.constant 512 : i32
    %mul3A_2 = arith.muli %add3A, %mul3A_1 : i32
    %run_scoped3A = arith.constant 0 : i32
    "tpu.region"() ({
      %run_scoped3A_337 = tpu.sem_alloc : memref<!tpu.dma_semaphore, #tpu.memory_space<semaphore_mem>>
      %dma_start3A_338 = arith.constant 0 : i32
      %dma_start3A_339 = tpu.memref_slice %arg5[%run_scoped3A, %dma_start3A_338] : memref<1x512xi32, #tpu.memory_space<vmem>> -> memref<1x512xi32, #tpu.memory_space<vmem>>
      %dma_start3A_340 = tpu.memref_squeeze %dma_start3A_339 : memref<1x512xi32, #tpu.memory_space<vmem>> -> memref<512xi32, #tpu.memory_space<vmem>>
      %dma_start3A_341 = tpu.memref_slice %arg2[%mul3A_2] : memref<16384xi32, #tpu.memory_space<hbm>> -> memref<512xi32, #tpu.memory_space<hbm>>
      %dma_start3A_342 = arith.constant 0 : i32
      %dma_start3A_343 = tpu.memref_slice %arg5[%run_scoped3A, %dma_start3A_342] : memref<1x512xi32, #tpu.memory_space<vmem>> -> memref<1x512xi32, #tpu.memory_space<vmem>>
      %dma_start3A_344 = tpu.memref_squeeze %dma_start3A_343 : memref<1x512xi32, #tpu.memory_space<vmem>> -> memref<512xi32, #tpu.memory_space<vmem>>
      %dma_start3A_345 = tpu.memref_slice %arg2[%mul3A_2] : memref<16384xi32, #tpu.memory_space<hbm>> -> memref<512xi32, #tpu.memory_space<hbm>>
      tpu.enqueue_dma source(%dma_start3A_345 : memref<512xi32, #tpu.memory_space<hbm>>) target(%dma_start3A_344 : memref<512xi32, #tpu.memory_space<vmem>>) target_semaphore(%run_scoped3A_337 : memref<!tpu.dma_semaphore, #tpu.memory_space<semaphore_mem>>)
      %dma_wait3A_346 = arith.constant 0 : i32
      %dma_wait3A_347 = tpu.memref_slice %arg5[%run_scoped3A, %dma_wait3A_346] : memref<1x512xi32, #tpu.memory_space<vmem>> -> memref<1x512xi32, #tpu.memory_space<vmem>>
      %dma_wait3A_348 = tpu.memref_squeeze %dma_wait3A_347 : memref<1x512xi32, #tpu.memory_space<vmem>> -> memref<512xi32, #tpu.memory_space<vmem>>
      %dma_wait3A_349 = tpu.memref_slice %arg2[%mul3A_2] : memref<16384xi32, #tpu.memory_space<hbm>> -> memref<512xi32, #tpu.memory_space<hbm>>
      %dma_wait3A_350 = arith.constant 0 : i32
      %dma_wait3A_351 = tpu.memref_slice %arg5[%run_scoped3A, %dma_wait3A_350] : memref<1x512xi32, #tpu.memory_space<vmem>> -> memref<1x512xi32, #tpu.memory_space<vmem>>
      %dma_wait3A_352 = tpu.memref_squeeze %dma_wait3A_351 : memref<1x512xi32, #tpu.memory_space<vmem>> -> memref<512xi32, #tpu.memory_space<vmem>>
      %dma_wait3A_353 = tpu.memref_slice %arg2[%mul3A_2] : memref<16384xi32, #tpu.memory_space<hbm>> -> memref<512xi32, #tpu.memory_space<hbm>>
      tpu.wait_dma2 semaphore(%run_scoped3A_337 : memref<!tpu.dma_semaphore, #tpu.memory_space<semaphore_mem>>) src(%dma_wait3A_353 : memref<512xi32, #tpu.memory_space<hbm>>) dst(%dma_wait3A_352 : memref<512xi32, #tpu.memory_space<vmem>>)
      tpu.yield
    }) : () -> ()
    %dma_start3A = arith.constant 0 : i32
    %dma_start3A_3 = arith.constant 0 : i32
    %dma_start3A_4 = arith.constant 0 : i32
    %dma_start3A_5 = arith.constant 0 : i32
    %dma_start3A_6 = tpu.memref_slice %arg6[%dma_start3A_4, %dma_start3A_5] : memref<12x512xf32, #tpu.memory_space<vmem>> -> memref<1x512xf32, #tpu.memory_space<vmem>>
    %dma_start3A_7 = tpu.memref_squeeze %dma_start3A_6 : memref<1x512xf32, #tpu.memory_space<vmem>> -> memref<512xf32, #tpu.memory_space<vmem>>
    %dma_start3A_8 = arith.constant 0 : i32
    %dma_start3A_9 = tpu.memref_slice %arg5[%dma_start3A_3, %dma_start3A_8] : memref<1x512xi32, #tpu.memory_space<vmem>> -> memref<1x512xi32, #tpu.memory_space<vmem>>
    %dma_start3A_10 = tpu.memref_squeeze %dma_start3A_9 : memref<1x512xi32, #tpu.memory_space<vmem>> -> memref<512xi32, #tpu.memory_space<vmem>>
    %dma_start3A_11 = arith.constant 0 : i32
    %dma_start3A_12 = tpu.memref_slice %arg3[%dma_start3A, %dma_start3A_11] : memref<12x100000xf32, #tpu.memory_space<hbm>> -> memref<1x100000xf32, #tpu.memory_space<hbm>>
    %dma_start3A_13 = tpu.memref_squeeze %dma_start3A_12 : memref<1x100000xf32, #tpu.memory_space<hbm>> -> memref<100000xf32, #tpu.memory_space<hbm>>
    %dma_start3A_14 = arith.constant 0 : i32
    %dma_start3A_15 = tpu.memref_slice %dma_start3A_13[%dma_start3A_14] : memref<100000xf32, #tpu.memory_space<hbm>> -> memref<100000xf32, #tpu.memory_space<hbm>>
    tpu.enqueue_indirect_dma source(%dma_start3A_15 : memref<100000xf32, #tpu.memory_space<hbm>>) target(%dma_start3A_7 : memref<512xf32, #tpu.memory_space<vmem>>) offsets(%dma_start3A_10 : memref<512xi32, #tpu.memory_space<vmem>>) semaphore(%arg7 : memref<!tpu.dma_semaphore, #tpu.memory_space<semaphore_mem>>)
    %dma_start3A_16 = arith.constant 1 : i32
    %dma_start3A_17 = arith.constant 0 : i32
    %dma_start3A_18 = arith.constant 1 : i32
    %dma_start3A_19 = arith.constant 0 : i32
    %dma_start3A_20 = tpu.memref_slice %arg6[%dma_start3A_18, %dma_start3A_19] : memref<12x512xf32, #tpu.memory_space<vmem>> -> memref<1x512xf32, #tpu.memory_space<vmem>>
    %dma_start3A_21 = tpu.memref_squeeze %dma_start3A_20 : memref<1x512xf32, #tpu.memory_space<vmem>> -> memref<512xf32, #tpu.memory_space<vmem>>
    %dma_start3A_22 = arith.constant 0 : i32
    %dma_start3A_23 = tpu.memref_slice %arg5[%dma_start3A_17, %dma_start3A_22] : memref<1x512xi32, #tpu.memory_space<vmem>> -> memref<1x512xi32, #tpu.memory_space<vmem>>
    %dma_start3A_24 = tpu.memref_squeeze %dma_start3A_23 : memref<1x512xi32, #tpu.memory_space<vmem>> -> memref<512xi32, #tpu.memory_space<vmem>>
    %dma_start3A_25 = arith.constant 0 : i32
    %dma_start3A_26 = tpu.memref_slice %arg3[%dma_start3A_16, %dma_start3A_25] : memref<12x100000xf32, #tpu.memory_space<hbm>> -> memref<1x100000xf32, #tpu.memory_space<hbm>>
    %dma_start3A_27 = tpu.memref_squeeze %dma_start3A_26 : memref<1x100000xf32, #tpu.memory_space<hbm>> -> memref<100000xf32, #tpu.memory_space<hbm>>
    %dma_start3A_28 = arith.constant 0 : i32
    %dma_start3A_29 = tpu.memref_slice %dma_start3A_27[%dma_start3A_28] : memref<100000xf32, #tpu.memory_space<hbm>> -> memref<100000xf32, #tpu.memory_space<hbm>>
    tpu.enqueue_indirect_dma source(%dma_start3A_29 : memref<100000xf32, #tpu.memory_space<hbm>>) target(%dma_start3A_21 : memref<512xf32, #tpu.memory_space<vmem>>) offsets(%dma_start3A_24 : memref<512xi32, #tpu.memory_space<vmem>>) semaphore(%arg7 : memref<!tpu.dma_semaphore, #tpu.memory_space<semaphore_mem>>)
    %dma_start3A_30 = arith.constant 2 : i32
    %dma_start3A_31 = arith.constant 0 : i32
    %dma_start3A_32 = arith.constant 2 : i32
    %dma_start3A_33 = arith.constant 0 : i32
    %dma_start3A_34 = tpu.memref_slice %arg6[%dma_start3A_32, %dma_start3A_33] : memref<12x512xf32, #tpu.memory_space<vmem>> -> memref<1x512xf32, #tpu.memory_space<vmem>>
    %dma_start3A_35 = tpu.memref_squeeze %dma_start3A_34 : memref<1x512xf32, #tpu.memory_space<vmem>> -> memref<512xf32, #tpu.memory_space<vmem>>
    %dma_start3A_36 = arith.constant 0 : i32
    %dma_start3A_37 = tpu.memref_slice %arg5[%dma_start3A_31, %dma_start3A_36] : memref<1x512xi32, #tpu.memory_space<vmem>> -> memref<1x512xi32, #tpu.memory_space<vmem>>
    %dma_start3A_38 = tpu.memref_squeeze %dma_start3A_37 : memref<1x512xi32, #tpu.memory_space<vmem>> -> memref<512xi32, #tpu.memory_space<vmem>>
    %dma_start3A_39 = arith.constant 0 : i32
    %dma_start3A_40 = tpu.memref_slice %arg3[%dma_start3A_30, %dma_start3A_39] : memref<12x100000xf32, #tpu.memory_space<hbm>> -> memref<1x100000xf32, #tpu.memory_space<hbm>>
    %dma_start3A_41 = tpu.memref_squeeze %dma_start3A_40 : memref<1x100000xf32, #tpu.memory_space<hbm>> -> memref<100000xf32, #tpu.memory_space<hbm>>
    %dma_start3A_42 = arith.constant 0 : i32
    %dma_start3A_43 = tpu.memref_slice %dma_start3A_41[%dma_start3A_42] : memref<100000xf32, #tpu.memory_space<hbm>> -> memref<100000xf32, #tpu.memory_space<hbm>>
    tpu.enqueue_indirect_dma source(%dma_start3A_43 : memref<100000xf32, #tpu.memory_space<hbm>>) target(%dma_start3A_35 : memref<512xf32, #tpu.memory_space<vmem>>) offsets(%dma_start3A_38 : memref<512xi32, #tpu.memory_space<vmem>>) semaphore(%arg7 : memref<!tpu.dma_semaphore, #tpu.memory_space<semaphore_mem>>)
    %dma_start3A_44 = arith.constant 3 : i32
    %dma_start3A_45 = arith.constant 0 : i32
    %dma_start3A_46 = arith.constant 3 : i32
    %dma_start3A_47 = arith.constant 0 : i32
    %dma_start3A_48 = tpu.memref_slice %arg6[%dma_start3A_46, %dma_start3A_47] : memref<12x512xf32, #tpu.memory_space<vmem>> -> memref<1x512xf32, #tpu.memory_space<vmem>>
    %dma_start3A_49 = tpu.memref_squeeze %dma_start3A_48 : memref<1x512xf32, #tpu.memory_space<vmem>> -> memref<512xf32, #tpu.memory_space<vmem>>
    %dma_start3A_50 = arith.constant 0 : i32
    %dma_start3A_51 = tpu.memref_slice %arg5[%dma_start3A_45, %dma_start3A_50] : memref<1x512xi32, #tpu.memory_space<vmem>> -> memref<1x512xi32, #tpu.memory_space<vmem>>
    %dma_start3A_52 = tpu.memref_squeeze %dma_start3A_51 : memref<1x512xi32, #tpu.memory_space<vmem>> -> memref<512xi32, #tpu.memory_space<vmem>>
    %dma_start3A_53 = arith.constant 0 : i32
    %dma_start3A_54 = tpu.memref_slice %arg3[%dma_start3A_44, %dma_start3A_53] : memref<12x100000xf32, #tpu.memory_space<hbm>> -> memref<1x100000xf32, #tpu.memory_space<hbm>>
    %dma_start3A_55 = tpu.memref_squeeze %dma_start3A_54 : memref<1x100000xf32, #tpu.memory_space<hbm>> -> memref<100000xf32, #tpu.memory_space<hbm>>
    %dma_start3A_56 = arith.constant 0 : i32
    %dma_start3A_57 = tpu.memref_slice %dma_start3A_55[%dma_start3A_56] : memref<100000xf32, #tpu.memory_space<hbm>> -> memref<100000xf32, #tpu.memory_space<hbm>>
    tpu.enqueue_indirect_dma source(%dma_start3A_57 : memref<100000xf32, #tpu.memory_space<hbm>>) target(%dma_start3A_49 : memref<512xf32, #tpu.memory_space<vmem>>) offsets(%dma_start3A_52 : memref<512xi32, #tpu.memory_space<vmem>>) semaphore(%arg7 : memref<!tpu.dma_semaphore, #tpu.memory_space<semaphore_mem>>)
    %dma_start3A_58 = arith.constant 4 : i32
    %dma_start3A_59 = arith.constant 0 : i32
    %dma_start3A_60 = arith.constant 4 : i32
    %dma_start3A_61 = arith.constant 0 : i32
    %dma_start3A_62 = tpu.memref_slice %arg6[%dma_start3A_60, %dma_start3A_61] : memref<12x512xf32, #tpu.memory_space<vmem>> -> memref<1x512xf32, #tpu.memory_space<vmem>>
    %dma_start3A_63 = tpu.memref_squeeze %dma_start3A_62 : memref<1x512xf32, #tpu.memory_space<vmem>> -> memref<512xf32, #tpu.memory_space<vmem>>
    %dma_start3A_64 = arith.constant 0 : i32
    %dma_start3A_65 = tpu.memref_slice %arg5[%dma_start3A_59, %dma_start3A_64] : memref<1x512xi32, #tpu.memory_space<vmem>> -> memref<1x512xi32, #tpu.memory_space<vmem>>
    %dma_start3A_66 = tpu.memref_squeeze %dma_start3A_65 : memref<1x512xi32, #tpu.memory_space<vmem>> -> memref<512xi32, #tpu.memory_space<vmem>>
    %dma_start3A_67 = arith.constant 0 : i32
    %dma_start3A_68 = tpu.memref_slice %arg3[%dma_start3A_58, %dma_start3A_67] : memref<12x100000xf32, #tpu.memory_space<hbm>> -> memref<1x100000xf32, #tpu.memory_space<hbm>>
    %dma_start3A_69 = tpu.memref_squeeze %dma_start3A_68 : memref<1x100000xf32, #tpu.memory_space<hbm>> -> memref<100000xf32, #tpu.memory_space<hbm>>
    %dma_start3A_70 = arith.constant 0 : i32
    %dma_start3A_71 = tpu.memref_slice %dma_start3A_69[%dma_start3A_70] : memref<100000xf32, #tpu.memory_space<hbm>> -> memref<100000xf32, #tpu.memory_space<hbm>>
    tpu.enqueue_indirect_dma source(%dma_start3A_71 : memref<100000xf32, #tpu.memory_space<hbm>>) target(%dma_start3A_63 : memref<512xf32, #tpu.memory_space<vmem>>) offsets(%dma_start3A_66 : memref<512xi32, #tpu.memory_space<vmem>>) semaphore(%arg7 : memref<!tpu.dma_semaphore, #tpu.memory_space<semaphore_mem>>)
    %dma_start3A_72 = arith.constant 5 : i32
    %dma_start3A_73 = arith.constant 0 : i32
    %dma_start3A_74 = arith.constant 5 : i32
    %dma_start3A_75 = arith.constant 0 : i32
    %dma_start3A_76 = tpu.memref_slice %arg6[%dma_start3A_74, %dma_start3A_75] : memref<12x512xf32, #tpu.memory_space<vmem>> -> memref<1x512xf32, #tpu.memory_space<vmem>>
    %dma_start3A_77 = tpu.memref_squeeze %dma_start3A_76 : memref<1x512xf32, #tpu.memory_space<vmem>> -> memref<512xf32, #tpu.memory_space<vmem>>
    %dma_start3A_78 = arith.constant 0 : i32
    %dma_start3A_79 = tpu.memref_slice %arg5[%dma_start3A_73, %dma_start3A_78] : memref<1x512xi32, #tpu.memory_space<vmem>> -> memref<1x512xi32, #tpu.memory_space<vmem>>
    %dma_start3A_80 = tpu.memref_squeeze %dma_start3A_79 : memref<1x512xi32, #tpu.memory_space<vmem>> -> memref<512xi32, #tpu.memory_space<vmem>>
    %dma_start3A_81 = arith.constant 0 : i32
    %dma_start3A_82 = tpu.memref_slice %arg3[%dma_start3A_72, %dma_start3A_81] : memref<12x100000xf32, #tpu.memory_space<hbm>> -> memref<1x100000xf32, #tpu.memory_space<hbm>>
    %dma_start3A_83 = tpu.memref_squeeze %dma_start3A_82 : memref<1x100000xf32, #tpu.memory_space<hbm>> -> memref<100000xf32, #tpu.memory_space<hbm>>
    %dma_start3A_84 = arith.constant 0 : i32
    %dma_start3A_85 = tpu.memref_slice %dma_start3A_83[%dma_start3A_84] : memref<100000xf32, #tpu.memory_space<hbm>> -> memref<100000xf32, #tpu.memory_space<hbm>>
    tpu.enqueue_indirect_dma source(%dma_start3A_85 : memref<100000xf32, #tpu.memory_space<hbm>>) target(%dma_start3A_77 : memref<512xf32, #tpu.memory_space<vmem>>) offsets(%dma_start3A_80 : memref<512xi32, #tpu.memory_space<vmem>>) semaphore(%arg7 : memref<!tpu.dma_semaphore, #tpu.memory_space<semaphore_mem>>)
    %dma_start3A_86 = arith.constant 6 : i32
    %dma_start3A_87 = arith.constant 0 : i32
    %dma_start3A_88 = arith.constant 6 : i32
    %dma_start3A_89 = arith.constant 0 : i32
    %dma_start3A_90 = tpu.memref_slice %arg6[%dma_start3A_88, %dma_start3A_89] : memref<12x512xf32, #tpu.memory_space<vmem>> -> memref<1x512xf32, #tpu.memory_space<vmem>>
    %dma_start3A_91 = tpu.memref_squeeze %dma_start3A_90 : memref<1x512xf32, #tpu.memory_space<vmem>> -> memref<512xf32, #tpu.memory_space<vmem>>
    %dma_start3A_92 = arith.constant 0 : i32
    %dma_start3A_93 = tpu.memref_slice %arg5[%dma_start3A_87, %dma_start3A_92] : memref<1x512xi32, #tpu.memory_space<vmem>> -> memref<1x512xi32, #tpu.memory_space<vmem>>
    %dma_start3A_94 = tpu.memref_squeeze %dma_start3A_93 : memref<1x512xi32, #tpu.memory_space<vmem>> -> memref<512xi32, #tpu.memory_space<vmem>>
    %dma_start3A_95 = arith.constant 0 : i32
    %dma_start3A_96 = tpu.memref_slice %arg3[%dma_start3A_86, %dma_start3A_95] : memref<12x100000xf32, #tpu.memory_space<hbm>> -> memref<1x100000xf32, #tpu.memory_space<hbm>>
    %dma_start3A_97 = tpu.memref_squeeze %dma_start3A_96 : memref<1x100000xf32, #tpu.memory_space<hbm>> -> memref<100000xf32, #tpu.memory_space<hbm>>
    %dma_start3A_98 = arith.constant 0 : i32
    %dma_start3A_99 = tpu.memref_slice %dma_start3A_97[%dma_start3A_98] : memref<100000xf32, #tpu.memory_space<hbm>> -> memref<100000xf32, #tpu.memory_space<hbm>>
    tpu.enqueue_indirect_dma source(%dma_start3A_99 : memref<100000xf32, #tpu.memory_space<hbm>>) target(%dma_start3A_91 : memref<512xf32, #tpu.memory_space<vmem>>) offsets(%dma_start3A_94 : memref<512xi32, #tpu.memory_space<vmem>>) semaphore(%arg7 : memref<!tpu.dma_semaphore, #tpu.memory_space<semaphore_mem>>)
    %dma_start3A_100 = arith.constant 7 : i32
    %dma_start3A_101 = arith.constant 0 : i32
    %dma_start3A_102 = arith.constant 7 : i32
    %dma_start3A_103 = arith.constant 0 : i32
    %dma_start3A_104 = tpu.memref_slice %arg6[%dma_start3A_102, %dma_start3A_103] : memref<12x512xf32, #tpu.memory_space<vmem>> -> memref<1x512xf32, #tpu.memory_space<vmem>>
    %dma_start3A_105 = tpu.memref_squeeze %dma_start3A_104 : memref<1x512xf32, #tpu.memory_space<vmem>> -> memref<512xf32, #tpu.memory_space<vmem>>
    %dma_start3A_106 = arith.constant 0 : i32
    %dma_start3A_107 = tpu.memref_slice %arg5[%dma_start3A_101, %dma_start3A_106] : memref<1x512xi32, #tpu.memory_space<vmem>> -> memref<1x512xi32, #tpu.memory_space<vmem>>
    %dma_start3A_108 = tpu.memref_squeeze %dma_start3A_107 : memref<1x512xi32, #tpu.memory_space<vmem>> -> memref<512xi32, #tpu.memory_space<vmem>>
    %dma_start3A_109 = arith.constant 0 : i32
    %dma_start3A_110 = tpu.memref_slice %arg3[%dma_start3A_100, %dma_start3A_109] : memref<12x100000xf32, #tpu.memory_space<hbm>> -> memref<1x100000xf32, #tpu.memory_space<hbm>>
    %dma_start3A_111 = tpu.memref_squeeze %dma_start3A_110 : memref<1x100000xf32, #tpu.memory_space<hbm>> -> memref<100000xf32, #tpu.memory_space<hbm>>
    %dma_start3A_112 = arith.constant 0 : i32
    %dma_start3A_113 = tpu.memref_slice %dma_start3A_111[%dma_start3A_112] : memref<100000xf32, #tpu.memory_space<hbm>> -> memref<100000xf32, #tpu.memory_space<hbm>>
    tpu.enqueue_indirect_dma source(%dma_start3A_113 : memref<100000xf32, #tpu.memory_space<hbm>>) target(%dma_start3A_105 : memref<512xf32, #tpu.memory_space<vmem>>) offsets(%dma_start3A_108 : memref<512xi32, #tpu.memory_space<vmem>>) semaphore(%arg7 : memref<!tpu.dma_semaphore, #tpu.memory_space<semaphore_mem>>)
    %dma_start3A_114 = arith.constant 8 : i32
    %dma_start3A_115 = arith.constant 0 : i32
    %dma_start3A_116 = arith.constant 8 : i32
    %dma_start3A_117 = arith.constant 0 : i32
    %dma_start3A_118 = tpu.memref_slice %arg6[%dma_start3A_116, %dma_start3A_117] : memref<12x512xf32, #tpu.memory_space<vmem>> -> memref<1x512xf32, #tpu.memory_space<vmem>>
    %dma_start3A_119 = tpu.memref_squeeze %dma_start3A_118 : memref<1x512xf32, #tpu.memory_space<vmem>> -> memref<512xf32, #tpu.memory_space<vmem>>
    %dma_start3A_120 = arith.constant 0 : i32
    %dma_start3A_121 = tpu.memref_slice %arg5[%dma_start3A_115, %dma_start3A_120] : memref<1x512xi32, #tpu.memory_space<vmem>> -> memref<1x512xi32, #tpu.memory_space<vmem>>
    %dma_start3A_122 = tpu.memref_squeeze %dma_start3A_121 : memref<1x512xi32, #tpu.memory_space<vmem>> -> memref<512xi32, #tpu.memory_space<vmem>>
    %dma_start3A_123 = arith.constant 0 : i32
    %dma_start3A_124 = tpu.memref_slice %arg3[%dma_start3A_114, %dma_start3A_123] : memref<12x100000xf32, #tpu.memory_space<hbm>> -> memref<1x100000xf32, #tpu.memory_space<hbm>>
    %dma_start3A_125 = tpu.memref_squeeze %dma_start3A_124 : memref<1x100000xf32, #tpu.memory_space<hbm>> -> memref<100000xf32, #tpu.memory_space<hbm>>
    %dma_start3A_126 = arith.constant 0 : i32
    %dma_start3A_127 = tpu.memref_slice %dma_start3A_125[%dma_start3A_126] : memref<100000xf32, #tpu.memory_space<hbm>> -> memref<100000xf32, #tpu.memory_space<hbm>>
    tpu.enqueue_indirect_dma source(%dma_start3A_127 : memref<100000xf32, #tpu.memory_space<hbm>>) target(%dma_start3A_119 : memref<512xf32, #tpu.memory_space<vmem>>) offsets(%dma_start3A_122 : memref<512xi32, #tpu.memory_space<vmem>>) semaphore(%arg7 : memref<!tpu.dma_semaphore, #tpu.memory_space<semaphore_mem>>)
    %dma_start3A_128 = arith.constant 9 : i32
    %dma_start3A_129 = arith.constant 0 : i32
    %dma_start3A_130 = arith.constant 9 : i32
    %dma_start3A_131 = arith.constant 0 : i32
    %dma_start3A_132 = tpu.memref_slice %arg6[%dma_start3A_130, %dma_start3A_131] : memref<12x512xf32, #tpu.memory_space<vmem>> -> memref<1x512xf32, #tpu.memory_space<vmem>>
    %dma_start3A_133 = tpu.memref_squeeze %dma_start3A_132 : memref<1x512xf32, #tpu.memory_space<vmem>> -> memref<512xf32, #tpu.memory_space<vmem>>
    %dma_start3A_134 = arith.constant 0 : i32
    %dma_start3A_135 = tpu.memref_slice %arg5[%dma_start3A_129, %dma_start3A_134] : memref<1x512xi32, #tpu.memory_space<vmem>> -> memref<1x512xi32, #tpu.memory_space<vmem>>
    %dma_start3A_136 = tpu.memref_squeeze %dma_start3A_135 : memref<1x512xi32, #tpu.memory_space<vmem>> -> memref<512xi32, #tpu.memory_space<vmem>>
    %dma_start3A_137 = arith.constant 0 : i32
    %dma_start3A_138 = tpu.memref_slice %arg3[%dma_start3A_128, %dma_start3A_137] : memref<12x100000xf32, #tpu.memory_space<hbm>> -> memref<1x100000xf32, #tpu.memory_space<hbm>>
    %dma_start3A_139 = tpu.memref_squeeze %dma_start3A_138 : memref<1x100000xf32, #tpu.memory_space<hbm>> -> memref<100000xf32, #tpu.memory_space<hbm>>
    %dma_start3A_140 = arith.constant 0 : i32
    %dma_start3A_141 = tpu.memref_slice %dma_start3A_139[%dma_start3A_140] : memref<100000xf32, #tpu.memory_space<hbm>> -> memref<100000xf32, #tpu.memory_space<hbm>>
    tpu.enqueue_indirect_dma source(%dma_start3A_141 : memref<100000xf32, #tpu.memory_space<hbm>>) target(%dma_start3A_133 : memref<512xf32, #tpu.memory_space<vmem>>) offsets(%dma_start3A_136 : memref<512xi32, #tpu.memory_space<vmem>>) semaphore(%arg7 : memref<!tpu.dma_semaphore, #tpu.memory_space<semaphore_mem>>)
    %dma_start3A_142 = arith.constant 10 : i32
    %dma_start3A_143 = arith.constant 0 : i32
    %dma_start3A_144 = arith.constant 10 : i32
    %dma_start3A_145 = arith.constant 0 : i32
    %dma_start3A_146 = tpu.memref_slice %arg6[%dma_start3A_144, %dma_start3A_145] : memref<12x512xf32, #tpu.memory_space<vmem>> -> memref<1x512xf32, #tpu.memory_space<vmem>>
    %dma_start3A_147 = tpu.memref_squeeze %dma_start3A_146 : memref<1x512xf32, #tpu.memory_space<vmem>> -> memref<512xf32, #tpu.memory_space<vmem>>
    %dma_start3A_148 = arith.constant 0 : i32
    %dma_start3A_149 = tpu.memref_slice %arg5[%dma_start3A_143, %dma_start3A_148] : memref<1x512xi32, #tpu.memory_space<vmem>> -> memref<1x512xi32, #tpu.memory_space<vmem>>
    %dma_start3A_150 = tpu.memref_squeeze %dma_start3A_149 : memref<1x512xi32, #tpu.memory_space<vmem>> -> memref<512xi32, #tpu.memory_space<vmem>>
    %dma_start3A_151 = arith.constant 0 : i32
    %dma_start3A_152 = tpu.memref_slice %arg3[%dma_start3A_142, %dma_start3A_151] : memref<12x100000xf32, #tpu.memory_space<hbm>> -> memref<1x100000xf32, #tpu.memory_space<hbm>>
    %dma_start3A_153 = tpu.memref_squeeze %dma_start3A_152 : memref<1x100000xf32, #tpu.memory_space<hbm>> -> memref<100000xf32, #tpu.memory_space<hbm>>
    %dma_start3A_154 = arith.constant 0 : i32
    %dma_start3A_155 = tpu.memref_slice %dma_start3A_153[%dma_start3A_154] : memref<100000xf32, #tpu.memory_space<hbm>> -> memref<100000xf32, #tpu.memory_space<hbm>>
    tpu.enqueue_indirect_dma source(%dma_start3A_155 : memref<100000xf32, #tpu.memory_space<hbm>>) target(%dma_start3A_147 : memref<512xf32, #tpu.memory_space<vmem>>) offsets(%dma_start3A_150 : memref<512xi32, #tpu.memory_space<vmem>>) semaphore(%arg7 : memref<!tpu.dma_semaphore, #tpu.memory_space<semaphore_mem>>)
    %dma_start3A_156 = arith.constant 11 : i32
    %dma_start3A_157 = arith.constant 0 : i32
    %dma_start3A_158 = arith.constant 11 : i32
    %dma_start3A_159 = arith.constant 0 : i32
    %dma_start3A_160 = tpu.memref_slice %arg6[%dma_start3A_158, %dma_start3A_159] : memref<12x512xf32, #tpu.memory_space<vmem>> -> memref<1x512xf32, #tpu.memory_space<vmem>>
    %dma_start3A_161 = tpu.memref_squeeze %dma_start3A_160 : memref<1x512xf32, #tpu.memory_space<vmem>> -> memref<512xf32, #tpu.memory_space<vmem>>
    %dma_start3A_162 = arith.constant 0 : i32
    %dma_start3A_163 = tpu.memref_slice %arg5[%dma_start3A_157, %dma_start3A_162] : memref<1x512xi32, #tpu.memory_space<vmem>> -> memref<1x512xi32, #tpu.memory_space<vmem>>
    %dma_start3A_164 = tpu.memref_squeeze %dma_start3A_163 : memref<1x512xi32, #tpu.memory_space<vmem>> -> memref<512xi32, #tpu.memory_space<vmem>>
    %dma_start3A_165 = arith.constant 0 : i32
    %dma_start3A_166 = tpu.memref_slice %arg3[%dma_start3A_156, %dma_start3A_165] : memref<12x100000xf32, #tpu.memory_space<hbm>> -> memref<1x100000xf32, #tpu.memory_space<hbm>>
    %dma_start3A_167 = tpu.memref_squeeze %dma_start3A_166 : memref<1x100000xf32, #tpu.memory_space<hbm>> -> memref<100000xf32, #tpu.memory_space<hbm>>
    %dma_start3A_168 = arith.constant 0 : i32
    %dma_start3A_169 = tpu.memref_slice %dma_start3A_167[%dma_start3A_168] : memref<100000xf32, #tpu.memory_space<hbm>> -> memref<100000xf32, #tpu.memory_space<hbm>>
    tpu.enqueue_indirect_dma source(%dma_start3A_169 : memref<100000xf32, #tpu.memory_space<hbm>>) target(%dma_start3A_161 : memref<512xf32, #tpu.memory_space<vmem>>) offsets(%dma_start3A_164 : memref<512xi32, #tpu.memory_space<vmem>>) semaphore(%arg7 : memref<!tpu.dma_semaphore, #tpu.memory_space<semaphore_mem>>)
    %dma_wait3A = arith.constant 0 : i32
    %dma_wait3A_170 = arith.constant 0 : i32
    %dma_wait3A_171 = arith.constant 0 : i32
    %dma_wait3A_172 = arith.constant 0 : i32
    %dma_wait3A_173 = tpu.memref_slice %arg6[%dma_wait3A_171, %dma_wait3A_172] : memref<12x512xf32, #tpu.memory_space<vmem>> -> memref<1x512xf32, #tpu.memory_space<vmem>>
    %dma_wait3A_174 = tpu.memref_squeeze %dma_wait3A_173 : memref<1x512xf32, #tpu.memory_space<vmem>> -> memref<512xf32, #tpu.memory_space<vmem>>
    %dma_wait3A_175 = arith.constant 0 : i32
    %dma_wait3A_176 = tpu.memref_slice %arg5[%dma_wait3A_170, %dma_wait3A_175] : memref<1x512xi32, #tpu.memory_space<vmem>> -> memref<1x512xi32, #tpu.memory_space<vmem>>
    %dma_wait3A_177 = tpu.memref_squeeze %dma_wait3A_176 : memref<1x512xi32, #tpu.memory_space<vmem>> -> memref<512xi32, #tpu.memory_space<vmem>>
    %dma_wait3A_178 = arith.constant 0 : i32
    %dma_wait3A_179 = tpu.memref_slice %arg3[%dma_wait3A, %dma_wait3A_178] : memref<12x100000xf32, #tpu.memory_space<hbm>> -> memref<1x100000xf32, #tpu.memory_space<hbm>>
    %dma_wait3A_180 = tpu.memref_squeeze %dma_wait3A_179 : memref<1x100000xf32, #tpu.memory_space<hbm>> -> memref<100000xf32, #tpu.memory_space<hbm>>
    %dma_wait3A_181 = arith.constant 0 : i32
    %dma_wait3A_182 = tpu.memref_slice %dma_wait3A_180[%dma_wait3A_181] : memref<100000xf32, #tpu.memory_space<hbm>> -> memref<100000xf32, #tpu.memory_space<hbm>>
    tpu.wait_indirect_dma semaphore(%arg7 : memref<!tpu.dma_semaphore, #tpu.memory_space<semaphore_mem>>) src(%dma_wait3A_182 : memref<100000xf32, #tpu.memory_space<hbm>>) dst(%dma_wait3A_174 : memref<512xf32, #tpu.memory_space<vmem>>)
    %dma_wait3A_183 = arith.constant 1 : i32
    %dma_wait3A_184 = arith.constant 0 : i32
    %dma_wait3A_185 = arith.constant 1 : i32
    %dma_wait3A_186 = arith.constant 0 : i32
    %dma_wait3A_187 = tpu.memref_slice %arg6[%dma_wait3A_185, %dma_wait3A_186] : memref<12x512xf32, #tpu.memory_space<vmem>> -> memref<1x512xf32, #tpu.memory_space<vmem>>
    %dma_wait3A_188 = tpu.memref_squeeze %dma_wait3A_187 : memref<1x512xf32, #tpu.memory_space<vmem>> -> memref<512xf32, #tpu.memory_space<vmem>>
    %dma_wait3A_189 = arith.constant 0 : i32
    %dma_wait3A_190 = tpu.memref_slice %arg5[%dma_wait3A_184, %dma_wait3A_189] : memref<1x512xi32, #tpu.memory_space<vmem>> -> memref<1x512xi32, #tpu.memory_space<vmem>>
    %dma_wait3A_191 = tpu.memref_squeeze %dma_wait3A_190 : memref<1x512xi32, #tpu.memory_space<vmem>> -> memref<512xi32, #tpu.memory_space<vmem>>
    %dma_wait3A_192 = arith.constant 0 : i32
    %dma_wait3A_193 = tpu.memref_slice %arg3[%dma_wait3A_183, %dma_wait3A_192] : memref<12x100000xf32, #tpu.memory_space<hbm>> -> memref<1x100000xf32, #tpu.memory_space<hbm>>
    %dma_wait3A_194 = tpu.memref_squeeze %dma_wait3A_193 : memref<1x100000xf32, #tpu.memory_space<hbm>> -> memref<100000xf32, #tpu.memory_space<hbm>>
    %dma_wait3A_195 = arith.constant 0 : i32
    %dma_wait3A_196 = tpu.memref_slice %dma_wait3A_194[%dma_wait3A_195] : memref<100000xf32, #tpu.memory_space<hbm>> -> memref<100000xf32, #tpu.memory_space<hbm>>
    tpu.wait_indirect_dma semaphore(%arg7 : memref<!tpu.dma_semaphore, #tpu.memory_space<semaphore_mem>>) src(%dma_wait3A_196 : memref<100000xf32, #tpu.memory_space<hbm>>) dst(%dma_wait3A_188 : memref<512xf32, #tpu.memory_space<vmem>>)
    %dma_wait3A_197 = arith.constant 2 : i32
    %dma_wait3A_198 = arith.constant 0 : i32
    %dma_wait3A_199 = arith.constant 2 : i32
    %dma_wait3A_200 = arith.constant 0 : i32
    %dma_wait3A_201 = tpu.memref_slice %arg6[%dma_wait3A_199, %dma_wait3A_200] : memref<12x512xf32, #tpu.memory_space<vmem>> -> memref<1x512xf32, #tpu.memory_space<vmem>>
    %dma_wait3A_202 = tpu.memref_squeeze %dma_wait3A_201 : memref<1x512xf32, #tpu.memory_space<vmem>> -> memref<512xf32, #tpu.memory_space<vmem>>
    %dma_wait3A_203 = arith.constant 0 : i32
    %dma_wait3A_204 = tpu.memref_slice %arg5[%dma_wait3A_198, %dma_wait3A_203] : memref<1x512xi32, #tpu.memory_space<vmem>> -> memref<1x512xi32, #tpu.memory_space<vmem>>
    %dma_wait3A_205 = tpu.memref_squeeze %dma_wait3A_204 : memref<1x512xi32, #tpu.memory_space<vmem>> -> memref<512xi32, #tpu.memory_space<vmem>>
    %dma_wait3A_206 = arith.constant 0 : i32
    %dma_wait3A_207 = tpu.memref_slice %arg3[%dma_wait3A_197, %dma_wait3A_206] : memref<12x100000xf32, #tpu.memory_space<hbm>> -> memref<1x100000xf32, #tpu.memory_space<hbm>>
    %dma_wait3A_208 = tpu.memref_squeeze %dma_wait3A_207 : memref<1x100000xf32, #tpu.memory_space<hbm>> -> memref<100000xf32, #tpu.memory_space<hbm>>
    %dma_wait3A_209 = arith.constant 0 : i32
    %dma_wait3A_210 = tpu.memref_slice %dma_wait3A_208[%dma_wait3A_209] : memref<100000xf32, #tpu.memory_space<hbm>> -> memref<100000xf32, #tpu.memory_space<hbm>>
    tpu.wait_indirect_dma semaphore(%arg7 : memref<!tpu.dma_semaphore, #tpu.memory_space<semaphore_mem>>) src(%dma_wait3A_210 : memref<100000xf32, #tpu.memory_space<hbm>>) dst(%dma_wait3A_202 : memref<512xf32, #tpu.memory_space<vmem>>)
    %dma_wait3A_211 = arith.constant 3 : i32
    %dma_wait3A_212 = arith.constant 0 : i32
    %dma_wait3A_213 = arith.constant 3 : i32
    %dma_wait3A_214 = arith.constant 0 : i32
    %dma_wait3A_215 = tpu.memref_slice %arg6[%dma_wait3A_213, %dma_wait3A_214] : memref<12x512xf32, #tpu.memory_space<vmem>> -> memref<1x512xf32, #tpu.memory_space<vmem>>
    %dma_wait3A_216 = tpu.memref_squeeze %dma_wait3A_215 : memref<1x512xf32, #tpu.memory_space<vmem>> -> memref<512xf32, #tpu.memory_space<vmem>>
    %dma_wait3A_217 = arith.constant 0 : i32
    %dma_wait3A_218 = tpu.memref_slice %arg5[%dma_wait3A_212, %dma_wait3A_217] : memref<1x512xi32, #tpu.memory_space<vmem>> -> memref<1x512xi32, #tpu.memory_space<vmem>>
    %dma_wait3A_219 = tpu.memref_squeeze %dma_wait3A_218 : memref<1x512xi32, #tpu.memory_space<vmem>> -> memref<512xi32, #tpu.memory_space<vmem>>
    %dma_wait3A_220 = arith.constant 0 : i32
    %dma_wait3A_221 = tpu.memref_slice %arg3[%dma_wait3A_211, %dma_wait3A_220] : memref<12x100000xf32, #tpu.memory_space<hbm>> -> memref<1x100000xf32, #tpu.memory_space<hbm>>
    %dma_wait3A_222 = tpu.memref_squeeze %dma_wait3A_221 : memref<1x100000xf32, #tpu.memory_space<hbm>> -> memref<100000xf32, #tpu.memory_space<hbm>>
    %dma_wait3A_223 = arith.constant 0 : i32
    %dma_wait3A_224 = tpu.memref_slice %dma_wait3A_222[%dma_wait3A_223] : memref<100000xf32, #tpu.memory_space<hbm>> -> memref<100000xf32, #tpu.memory_space<hbm>>
    tpu.wait_indirect_dma semaphore(%arg7 : memref<!tpu.dma_semaphore, #tpu.memory_space<semaphore_mem>>) src(%dma_wait3A_224 : memref<100000xf32, #tpu.memory_space<hbm>>) dst(%dma_wait3A_216 : memref<512xf32, #tpu.memory_space<vmem>>)
    %dma_wait3A_225 = arith.constant 4 : i32
    %dma_wait3A_226 = arith.constant 0 : i32
    %dma_wait3A_227 = arith.constant 4 : i32
    %dma_wait3A_228 = arith.constant 0 : i32
    %dma_wait3A_229 = tpu.memref_slice %arg6[%dma_wait3A_227, %dma_wait3A_228] : memref<12x512xf32, #tpu.memory_space<vmem>> -> memref<1x512xf32, #tpu.memory_space<vmem>>
    %dma_wait3A_230 = tpu.memref_squeeze %dma_wait3A_229 : memref<1x512xf32, #tpu.memory_space<vmem>> -> memref<512xf32, #tpu.memory_space<vmem>>
    %dma_wait3A_231 = arith.constant 0 : i32
    %dma_wait3A_232 = tpu.memref_slice %arg5[%dma_wait3A_226, %dma_wait3A_231] : memref<1x512xi32, #tpu.memory_space<vmem>> -> memref<1x512xi32, #tpu.memory_space<vmem>>
    %dma_wait3A_233 = tpu.memref_squeeze %dma_wait3A_232 : memref<1x512xi32, #tpu.memory_space<vmem>> -> memref<512xi32, #tpu.memory_space<vmem>>
    %dma_wait3A_234 = arith.constant 0 : i32
    %dma_wait3A_235 = tpu.memref_slice %arg3[%dma_wait3A_225, %dma_wait3A_234] : memref<12x100000xf32, #tpu.memory_space<hbm>> -> memref<1x100000xf32, #tpu.memory_space<hbm>>
    %dma_wait3A_236 = tpu.memref_squeeze %dma_wait3A_235 : memref<1x100000xf32, #tpu.memory_space<hbm>> -> memref<100000xf32, #tpu.memory_space<hbm>>
    %dma_wait3A_237 = arith.constant 0 : i32
    %dma_wait3A_238 = tpu.memref_slice %dma_wait3A_236[%dma_wait3A_237] : memref<100000xf32, #tpu.memory_space<hbm>> -> memref<100000xf32, #tpu.memory_space<hbm>>
    tpu.wait_indirect_dma semaphore(%arg7 : memref<!tpu.dma_semaphore, #tpu.memory_space<semaphore_mem>>) src(%dma_wait3A_238 : memref<100000xf32, #tpu.memory_space<hbm>>) dst(%dma_wait3A_230 : memref<512xf32, #tpu.memory_space<vmem>>)
    %dma_wait3A_239 = arith.constant 5 : i32
    %dma_wait3A_240 = arith.constant 0 : i32
    %dma_wait3A_241 = arith.constant 5 : i32
    %dma_wait3A_242 = arith.constant 0 : i32
    %dma_wait3A_243 = tpu.memref_slice %arg6[%dma_wait3A_241, %dma_wait3A_242] : memref<12x512xf32, #tpu.memory_space<vmem>> -> memref<1x512xf32, #tpu.memory_space<vmem>>
    %dma_wait3A_244 = tpu.memref_squeeze %dma_wait3A_243 : memref<1x512xf32, #tpu.memory_space<vmem>> -> memref<512xf32, #tpu.memory_space<vmem>>
    %dma_wait3A_245 = arith.constant 0 : i32
    %dma_wait3A_246 = tpu.memref_slice %arg5[%dma_wait3A_240, %dma_wait3A_245] : memref<1x512xi32, #tpu.memory_space<vmem>> -> memref<1x512xi32, #tpu.memory_space<vmem>>
    %dma_wait3A_247 = tpu.memref_squeeze %dma_wait3A_246 : memref<1x512xi32, #tpu.memory_space<vmem>> -> memref<512xi32, #tpu.memory_space<vmem>>
    %dma_wait3A_248 = arith.constant 0 : i32
    %dma_wait3A_249 = tpu.memref_slice %arg3[%dma_wait3A_239, %dma_wait3A_248] : memref<12x100000xf32, #tpu.memory_space<hbm>> -> memref<1x100000xf32, #tpu.memory_space<hbm>>
    %dma_wait3A_250 = tpu.memref_squeeze %dma_wait3A_249 : memref<1x100000xf32, #tpu.memory_space<hbm>> -> memref<100000xf32, #tpu.memory_space<hbm>>
    %dma_wait3A_251 = arith.constant 0 : i32
    %dma_wait3A_252 = tpu.memref_slice %dma_wait3A_250[%dma_wait3A_251] : memref<100000xf32, #tpu.memory_space<hbm>> -> memref<100000xf32, #tpu.memory_space<hbm>>
    tpu.wait_indirect_dma semaphore(%arg7 : memref<!tpu.dma_semaphore, #tpu.memory_space<semaphore_mem>>) src(%dma_wait3A_252 : memref<100000xf32, #tpu.memory_space<hbm>>) dst(%dma_wait3A_244 : memref<512xf32, #tpu.memory_space<vmem>>)
    %dma_wait3A_253 = arith.constant 6 : i32
    %dma_wait3A_254 = arith.constant 0 : i32
    %dma_wait3A_255 = arith.constant 6 : i32
    %dma_wait3A_256 = arith.constant 0 : i32
    %dma_wait3A_257 = tpu.memref_slice %arg6[%dma_wait3A_255, %dma_wait3A_256] : memref<12x512xf32, #tpu.memory_space<vmem>> -> memref<1x512xf32, #tpu.memory_space<vmem>>
    %dma_wait3A_258 = tpu.memref_squeeze %dma_wait3A_257 : memref<1x512xf32, #tpu.memory_space<vmem>> -> memref<512xf32, #tpu.memory_space<vmem>>
    %dma_wait3A_259 = arith.constant 0 : i32
    %dma_wait3A_260 = tpu.memref_slice %arg5[%dma_wait3A_254, %dma_wait3A_259] : memref<1x512xi32, #tpu.memory_space<vmem>> -> memref<1x512xi32, #tpu.memory_space<vmem>>
    %dma_wait3A_261 = tpu.memref_squeeze %dma_wait3A_260 : memref<1x512xi32, #tpu.memory_space<vmem>> -> memref<512xi32, #tpu.memory_space<vmem>>
    %dma_wait3A_262 = arith.constant 0 : i32
    %dma_wait3A_263 = tpu.memref_slice %arg3[%dma_wait3A_253, %dma_wait3A_262] : memref<12x100000xf32, #tpu.memory_space<hbm>> -> memref<1x100000xf32, #tpu.memory_space<hbm>>
    %dma_wait3A_264 = tpu.memref_squeeze %dma_wait3A_263 : memref<1x100000xf32, #tpu.memory_space<hbm>> -> memref<100000xf32, #tpu.memory_space<hbm>>
    %dma_wait3A_265 = arith.constant 0 : i32
    %dma_wait3A_266 = tpu.memref_slice %dma_wait3A_264[%dma_wait3A_265] : memref<100000xf32, #tpu.memory_space<hbm>> -> memref<100000xf32, #tpu.memory_space<hbm>>
    tpu.wait_indirect_dma semaphore(%arg7 : memref<!tpu.dma_semaphore, #tpu.memory_space<semaphore_mem>>) src(%dma_wait3A_266 : memref<100000xf32, #tpu.memory_space<hbm>>) dst(%dma_wait3A_258 : memref<512xf32, #tpu.memory_space<vmem>>)
    %dma_wait3A_267 = arith.constant 7 : i32
    %dma_wait3A_268 = arith.constant 0 : i32
    %dma_wait3A_269 = arith.constant 7 : i32
    %dma_wait3A_270 = arith.constant 0 : i32
    %dma_wait3A_271 = tpu.memref_slice %arg6[%dma_wait3A_269, %dma_wait3A_270] : memref<12x512xf32, #tpu.memory_space<vmem>> -> memref<1x512xf32, #tpu.memory_space<vmem>>
    %dma_wait3A_272 = tpu.memref_squeeze %dma_wait3A_271 : memref<1x512xf32, #tpu.memory_space<vmem>> -> memref<512xf32, #tpu.memory_space<vmem>>
    %dma_wait3A_273 = arith.constant 0 : i32
    %dma_wait3A_274 = tpu.memref_slice %arg5[%dma_wait3A_268, %dma_wait3A_273] : memref<1x512xi32, #tpu.memory_space<vmem>> -> memref<1x512xi32, #tpu.memory_space<vmem>>
    %dma_wait3A_275 = tpu.memref_squeeze %dma_wait3A_274 : memref<1x512xi32, #tpu.memory_space<vmem>> -> memref<512xi32, #tpu.memory_space<vmem>>
    %dma_wait3A_276 = arith.constant 0 : i32
    %dma_wait3A_277 = tpu.memref_slice %arg3[%dma_wait3A_267, %dma_wait3A_276] : memref<12x100000xf32, #tpu.memory_space<hbm>> -> memref<1x100000xf32, #tpu.memory_space<hbm>>
    %dma_wait3A_278 = tpu.memref_squeeze %dma_wait3A_277 : memref<1x100000xf32, #tpu.memory_space<hbm>> -> memref<100000xf32, #tpu.memory_space<hbm>>
    %dma_wait3A_279 = arith.constant 0 : i32
    %dma_wait3A_280 = tpu.memref_slice %dma_wait3A_278[%dma_wait3A_279] : memref<100000xf32, #tpu.memory_space<hbm>> -> memref<100000xf32, #tpu.memory_space<hbm>>
    tpu.wait_indirect_dma semaphore(%arg7 : memref<!tpu.dma_semaphore, #tpu.memory_space<semaphore_mem>>) src(%dma_wait3A_280 : memref<100000xf32, #tpu.memory_space<hbm>>) dst(%dma_wait3A_272 : memref<512xf32, #tpu.memory_space<vmem>>)
    %dma_wait3A_281 = arith.constant 8 : i32
    %dma_wait3A_282 = arith.constant 0 : i32
    %dma_wait3A_283 = arith.constant 8 : i32
    %dma_wait3A_284 = arith.constant 0 : i32
    %dma_wait3A_285 = tpu.memref_slice %arg6[%dma_wait3A_283, %dma_wait3A_284] : memref<12x512xf32, #tpu.memory_space<vmem>> -> memref<1x512xf32, #tpu.memory_space<vmem>>
    %dma_wait3A_286 = tpu.memref_squeeze %dma_wait3A_285 : memref<1x512xf32, #tpu.memory_space<vmem>> -> memref<512xf32, #tpu.memory_space<vmem>>
    %dma_wait3A_287 = arith.constant 0 : i32
    %dma_wait3A_288 = tpu.memref_slice %arg5[%dma_wait3A_282, %dma_wait3A_287] : memref<1x512xi32, #tpu.memory_space<vmem>> -> memref<1x512xi32, #tpu.memory_space<vmem>>
    %dma_wait3A_289 = tpu.memref_squeeze %dma_wait3A_288 : memref<1x512xi32, #tpu.memory_space<vmem>> -> memref<512xi32, #tpu.memory_space<vmem>>
    %dma_wait3A_290 = arith.constant 0 : i32
    %dma_wait3A_291 = tpu.memref_slice %arg3[%dma_wait3A_281, %dma_wait3A_290] : memref<12x100000xf32, #tpu.memory_space<hbm>> -> memref<1x100000xf32, #tpu.memory_space<hbm>>
    %dma_wait3A_292 = tpu.memref_squeeze %dma_wait3A_291 : memref<1x100000xf32, #tpu.memory_space<hbm>> -> memref<100000xf32, #tpu.memory_space<hbm>>
    %dma_wait3A_293 = arith.constant 0 : i32
    %dma_wait3A_294 = tpu.memref_slice %dma_wait3A_292[%dma_wait3A_293] : memref<100000xf32, #tpu.memory_space<hbm>> -> memref<100000xf32, #tpu.memory_space<hbm>>
    tpu.wait_indirect_dma semaphore(%arg7 : memref<!tpu.dma_semaphore, #tpu.memory_space<semaphore_mem>>) src(%dma_wait3A_294 : memref<100000xf32, #tpu.memory_space<hbm>>) dst(%dma_wait3A_286 : memref<512xf32, #tpu.memory_space<vmem>>)
    %dma_wait3A_295 = arith.constant 9 : i32
    %dma_wait3A_296 = arith.constant 0 : i32
    %dma_wait3A_297 = arith.constant 9 : i32
    %dma_wait3A_298 = arith.constant 0 : i32
    %dma_wait3A_299 = tpu.memref_slice %arg6[%dma_wait3A_297, %dma_wait3A_298] : memref<12x512xf32, #tpu.memory_space<vmem>> -> memref<1x512xf32, #tpu.memory_space<vmem>>
    %dma_wait3A_300 = tpu.memref_squeeze %dma_wait3A_299 : memref<1x512xf32, #tpu.memory_space<vmem>> -> memref<512xf32, #tpu.memory_space<vmem>>
    %dma_wait3A_301 = arith.constant 0 : i32
    %dma_wait3A_302 = tpu.memref_slice %arg5[%dma_wait3A_296, %dma_wait3A_301] : memref<1x512xi32, #tpu.memory_space<vmem>> -> memref<1x512xi32, #tpu.memory_space<vmem>>
    %dma_wait3A_303 = tpu.memref_squeeze %dma_wait3A_302 : memref<1x512xi32, #tpu.memory_space<vmem>> -> memref<512xi32, #tpu.memory_space<vmem>>
    %dma_wait3A_304 = arith.constant 0 : i32
    %dma_wait3A_305 = tpu.memref_slice %arg3[%dma_wait3A_295, %dma_wait3A_304] : memref<12x100000xf32, #tpu.memory_space<hbm>> -> memref<1x100000xf32, #tpu.memory_space<hbm>>
    %dma_wait3A_306 = tpu.memref_squeeze %dma_wait3A_305 : memref<1x100000xf32, #tpu.memory_space<hbm>> -> memref<100000xf32, #tpu.memory_space<hbm>>
    %dma_wait3A_307 = arith.constant 0 : i32
    %dma_wait3A_308 = tpu.memref_slice %dma_wait3A_306[%dma_wait3A_307] : memref<100000xf32, #tpu.memory_space<hbm>> -> memref<100000xf32, #tpu.memory_space<hbm>>
    tpu.wait_indirect_dma semaphore(%arg7 : memref<!tpu.dma_semaphore, #tpu.memory_space<semaphore_mem>>) src(%dma_wait3A_308 : memref<100000xf32, #tpu.memory_space<hbm>>) dst(%dma_wait3A_300 : memref<512xf32, #tpu.memory_space<vmem>>)
    %dma_wait3A_309 = arith.constant 10 : i32
    %dma_wait3A_310 = arith.constant 0 : i32
    %dma_wait3A_311 = arith.constant 10 : i32
    %dma_wait3A_312 = arith.constant 0 : i32
    %dma_wait3A_313 = tpu.memref_slice %arg6[%dma_wait3A_311, %dma_wait3A_312] : memref<12x512xf32, #tpu.memory_space<vmem>> -> memref<1x512xf32, #tpu.memory_space<vmem>>
    %dma_wait3A_314 = tpu.memref_squeeze %dma_wait3A_313 : memref<1x512xf32, #tpu.memory_space<vmem>> -> memref<512xf32, #tpu.memory_space<vmem>>
    %dma_wait3A_315 = arith.constant 0 : i32
    %dma_wait3A_316 = tpu.memref_slice %arg5[%dma_wait3A_310, %dma_wait3A_315] : memref<1x512xi32, #tpu.memory_space<vmem>> -> memref<1x512xi32, #tpu.memory_space<vmem>>
    %dma_wait3A_317 = tpu.memref_squeeze %dma_wait3A_316 : memref<1x512xi32, #tpu.memory_space<vmem>> -> memref<512xi32, #tpu.memory_space<vmem>>
    %dma_wait3A_318 = arith.constant 0 : i32
    %dma_wait3A_319 = tpu.memref_slice %arg3[%dma_wait3A_309, %dma_wait3A_318] : memref<12x100000xf32, #tpu.memory_space<hbm>> -> memref<1x100000xf32, #tpu.memory_space<hbm>>
    %dma_wait3A_320 = tpu.memref_squeeze %dma_wait3A_319 : memref<1x100000xf32, #tpu.memory_space<hbm>> -> memref<100000xf32, #tpu.memory_space<hbm>>
    %dma_wait3A_321 = arith.constant 0 : i32
    %dma_wait3A_322 = tpu.memref_slice %dma_wait3A_320[%dma_wait3A_321] : memref<100000xf32, #tpu.memory_space<hbm>> -> memref<100000xf32, #tpu.memory_space<hbm>>
    tpu.wait_indirect_dma semaphore(%arg7 : memref<!tpu.dma_semaphore, #tpu.memory_space<semaphore_mem>>) src(%dma_wait3A_322 : memref<100000xf32, #tpu.memory_space<hbm>>) dst(%dma_wait3A_314 : memref<512xf32, #tpu.memory_space<vmem>>)
    %dma_wait3A_323 = arith.constant 11 : i32
    %dma_wait3A_324 = arith.constant 0 : i32
    %dma_wait3A_325 = arith.constant 11 : i32
    %dma_wait3A_326 = arith.constant 0 : i32
    %dma_wait3A_327 = tpu.memref_slice %arg6[%dma_wait3A_325, %dma_wait3A_326] : memref<12x512xf32, #tpu.memory_space<vmem>> -> memref<1x512xf32, #tpu.memory_space<vmem>>
    %dma_wait3A_328 = tpu.memref_squeeze %dma_wait3A_327 : memref<1x512xf32, #tpu.memory_space<vmem>> -> memref<512xf32, #tpu.memory_space<vmem>>
    %dma_wait3A_329 = arith.constant 0 : i32
    %dma_wait3A_330 = tpu.memref_slice %arg5[%dma_wait3A_324, %dma_wait3A_329] : memref<1x512xi32, #tpu.memory_space<vmem>> -> memref<1x512xi32, #tpu.memory_space<vmem>>
    %dma_wait3A_331 = tpu.memref_squeeze %dma_wait3A_330 : memref<1x512xi32, #tpu.memory_space<vmem>> -> memref<512xi32, #tpu.memory_space<vmem>>
    %dma_wait3A_332 = arith.constant 0 : i32
    %dma_wait3A_333 = tpu.memref_slice %arg3[%dma_wait3A_323, %dma_wait3A_332] : memref<12x100000xf32, #tpu.memory_space<hbm>> -> memref<1x100000xf32, #tpu.memory_space<hbm>>
    %dma_wait3A_334 = tpu.memref_squeeze %dma_wait3A_333 : memref<1x100000xf32, #tpu.memory_space<hbm>> -> memref<100000xf32, #tpu.memory_space<hbm>>
    %dma_wait3A_335 = arith.constant 0 : i32
    %dma_wait3A_336 = tpu.memref_slice %dma_wait3A_334[%dma_wait3A_335] : memref<100000xf32, #tpu.memory_space<hbm>> -> memref<100000xf32, #tpu.memory_space<hbm>>
    tpu.wait_indirect_dma semaphore(%arg7 : memref<!tpu.dma_semaphore, #tpu.memory_space<semaphore_mem>>) src(%dma_wait3A_336 : memref<100000xf32, #tpu.memory_space<hbm>>) dst(%dma_wait3A_328 : memref<512xf32, #tpu.memory_space<vmem>>)
    "tpu.region"() ({
      %run_scoped3A_337 = tpu.sem_alloc : memref<!tpu.dma_semaphore, #tpu.memory_space<semaphore_mem>>
      %dma_start3A_338 = arith.constant 0 : i32
      %dma_start3A_339 = tpu.memref_slice %arg4[%dma_start3A_338, %mul3A_2] : memref<12x16384xf32, #tpu.memory_space<hbm>> -> memref<12x512xf32, #tpu.memory_space<hbm>>
      %dma_start3A_340 = arith.constant 0 : i32
      %dma_start3A_341 = tpu.memref_slice %arg4[%dma_start3A_340, %mul3A_2] : memref<12x16384xf32, #tpu.memory_space<hbm>> -> memref<12x512xf32, #tpu.memory_space<hbm>>
      tpu.enqueue_dma source(%arg6 : memref<12x512xf32, #tpu.memory_space<vmem>>) target(%dma_start3A_341 : memref<12x512xf32, #tpu.memory_space<hbm>>) target_semaphore(%run_scoped3A_337 : memref<!tpu.dma_semaphore, #tpu.memory_space<semaphore_mem>>)
      %dma_wait3A_342 = arith.constant 0 : i32
      %dma_wait3A_343 = tpu.memref_slice %arg4[%dma_wait3A_342, %mul3A_2] : memref<12x16384xf32, #tpu.memory_space<hbm>> -> memref<12x512xf32, #tpu.memory_space<hbm>>
      %dma_wait3A_344 = arith.constant 0 : i32
      %dma_wait3A_345 = tpu.memref_slice %arg4[%dma_wait3A_344, %mul3A_2] : memref<12x16384xf32, #tpu.memory_space<hbm>> -> memref<12x512xf32, #tpu.memory_space<hbm>>
      tpu.wait_dma2 semaphore(%run_scoped3A_337 : memref<!tpu.dma_semaphore, #tpu.memory_space<semaphore_mem>>) src(%arg6 : memref<12x512xf32, #tpu.memory_space<vmem>>) dst(%dma_wait3A_345 : memref<12x512xf32, #tpu.memory_space<hbm>>)
      tpu.yield
    }) : () -> ()
    return
  }
}

#map = affine_map<(d0, d1) -> (0)>
#map1 = affine_map<(d0, d1) -> (0, 0)>
module attributes {stable_mosaic.version = 14 : i64} {
  func.func @gather_k(%arg0: i32, %arg1: i32, %arg2: memref<16384xi32, #tpu.memory_space<hbm>>, %arg3: memref<16384xi32, #tpu.memory_space<hbm>>, %arg4: memref<8x100000xf32, #tpu.memory_space<hbm>>, %arg5: memref<8x100000xf32, #tpu.memory_space<hbm>>, %arg6: memref<16x16384xf32, #tpu.memory_space<hbm>>, %arg7: memref<2x512xi32, #tpu.memory_space<vmem>>, %arg8: memref<16x512xf32, #tpu.memory_space<vmem>>, %arg9: memref<!tpu.dma_semaphore, #tpu.memory_space<semaphore_mem>>) attributes {dimension_semantics = [#tpu.dimension_semantics<core_parallel>, #tpu.dimension_semantics<subcore_parallel>], iteration_bounds = array<i64: 2, 16>, scalar_prefetch = 0 : i64, scratch_operands = 3 : i64, tpu.core_type = #tpu.core_type<sc_vector_subcore>, window_params = [{transform_indices = #map}, {transform_indices = #map}, {transform_indices = #map1}, {transform_indices = #map1}, {transform_indices = #map1}]} {
    %mul3A = arith.constant 2 : i32
    %mul3A_0 = arith.muli %arg1, %mul3A : i32
    %add3A = arith.addi %mul3A_0, %arg0 : i32
    %mul3A_1 = arith.constant 512 : i32
    %mul3A_2 = arith.muli %add3A, %mul3A_1 : i32
    %run_scoped3A = arith.constant 0 : i32
    "tpu.region"() ({
      %run_scoped3A_450 = tpu.sem_alloc : memref<!tpu.dma_semaphore, #tpu.memory_space<semaphore_mem>>
      %dma_start3A_451 = arith.constant 0 : i32
      %dma_start3A_452 = tpu.memref_slice %arg7[%run_scoped3A, %dma_start3A_451] : memref<2x512xi32, #tpu.memory_space<vmem>> -> memref<1x512xi32, #tpu.memory_space<vmem>>
      %dma_start3A_453 = tpu.memref_squeeze %dma_start3A_452 : memref<1x512xi32, #tpu.memory_space<vmem>> -> memref<512xi32, #tpu.memory_space<vmem>>
      %dma_start3A_454 = tpu.memref_slice %arg2[%mul3A_2] : memref<16384xi32, #tpu.memory_space<hbm>> -> memref<512xi32, #tpu.memory_space<hbm>>
      %dma_start3A_455 = arith.constant 0 : i32
      %dma_start3A_456 = tpu.memref_slice %arg7[%run_scoped3A, %dma_start3A_455] : memref<2x512xi32, #tpu.memory_space<vmem>> -> memref<1x512xi32, #tpu.memory_space<vmem>>
      %dma_start3A_457 = tpu.memref_squeeze %dma_start3A_456 : memref<1x512xi32, #tpu.memory_space<vmem>> -> memref<512xi32, #tpu.memory_space<vmem>>
      %dma_start3A_458 = tpu.memref_slice %arg2[%mul3A_2] : memref<16384xi32, #tpu.memory_space<hbm>> -> memref<512xi32, #tpu.memory_space<hbm>>
      tpu.enqueue_dma source(%dma_start3A_458 : memref<512xi32, #tpu.memory_space<hbm>>) target(%dma_start3A_457 : memref<512xi32, #tpu.memory_space<vmem>>) target_semaphore(%run_scoped3A_450 : memref<!tpu.dma_semaphore, #tpu.memory_space<semaphore_mem>>)
      %dma_wait3A_459 = arith.constant 0 : i32
      %dma_wait3A_460 = tpu.memref_slice %arg7[%run_scoped3A, %dma_wait3A_459] : memref<2x512xi32, #tpu.memory_space<vmem>> -> memref<1x512xi32, #tpu.memory_space<vmem>>
      %dma_wait3A_461 = tpu.memref_squeeze %dma_wait3A_460 : memref<1x512xi32, #tpu.memory_space<vmem>> -> memref<512xi32, #tpu.memory_space<vmem>>
      %dma_wait3A_462 = tpu.memref_slice %arg2[%mul3A_2] : memref<16384xi32, #tpu.memory_space<hbm>> -> memref<512xi32, #tpu.memory_space<hbm>>
      %dma_wait3A_463 = arith.constant 0 : i32
      %dma_wait3A_464 = tpu.memref_slice %arg7[%run_scoped3A, %dma_wait3A_463] : memref<2x512xi32, #tpu.memory_space<vmem>> -> memref<1x512xi32, #tpu.memory_space<vmem>>
      %dma_wait3A_465 = tpu.memref_squeeze %dma_wait3A_464 : memref<1x512xi32, #tpu.memory_space<vmem>> -> memref<512xi32, #tpu.memory_space<vmem>>
      %dma_wait3A_466 = tpu.memref_slice %arg2[%mul3A_2] : memref<16384xi32, #tpu.memory_space<hbm>> -> memref<512xi32, #tpu.memory_space<hbm>>
      tpu.wait_dma2 semaphore(%run_scoped3A_450 : memref<!tpu.dma_semaphore, #tpu.memory_space<semaphore_mem>>) src(%dma_wait3A_466 : memref<512xi32, #tpu.memory_space<hbm>>) dst(%dma_wait3A_465 : memref<512xi32, #tpu.memory_space<vmem>>)
      tpu.yield
    }) : () -> ()
    %run_scoped3A_3 = arith.constant 1 : i32
    "tpu.region"() ({
      %run_scoped3A_450 = tpu.sem_alloc : memref<!tpu.dma_semaphore, #tpu.memory_space<semaphore_mem>>
      %dma_start3A_451 = arith.constant 0 : i32
      %dma_start3A_452 = tpu.memref_slice %arg7[%run_scoped3A_3, %dma_start3A_451] : memref<2x512xi32, #tpu.memory_space<vmem>> -> memref<1x512xi32, #tpu.memory_space<vmem>>
      %dma_start3A_453 = tpu.memref_squeeze %dma_start3A_452 : memref<1x512xi32, #tpu.memory_space<vmem>> -> memref<512xi32, #tpu.memory_space<vmem>>
      %dma_start3A_454 = tpu.memref_slice %arg3[%mul3A_2] : memref<16384xi32, #tpu.memory_space<hbm>> -> memref<512xi32, #tpu.memory_space<hbm>>
      %dma_start3A_455 = arith.constant 0 : i32
      %dma_start3A_456 = tpu.memref_slice %arg7[%run_scoped3A_3, %dma_start3A_455] : memref<2x512xi32, #tpu.memory_space<vmem>> -> memref<1x512xi32, #tpu.memory_space<vmem>>
      %dma_start3A_457 = tpu.memref_squeeze %dma_start3A_456 : memref<1x512xi32, #tpu.memory_space<vmem>> -> memref<512xi32, #tpu.memory_space<vmem>>
      %dma_start3A_458 = tpu.memref_slice %arg3[%mul3A_2] : memref<16384xi32, #tpu.memory_space<hbm>> -> memref<512xi32, #tpu.memory_space<hbm>>
      tpu.enqueue_dma source(%dma_start3A_458 : memref<512xi32, #tpu.memory_space<hbm>>) target(%dma_start3A_457 : memref<512xi32, #tpu.memory_space<vmem>>) target_semaphore(%run_scoped3A_450 : memref<!tpu.dma_semaphore, #tpu.memory_space<semaphore_mem>>)
      %dma_wait3A_459 = arith.constant 0 : i32
      %dma_wait3A_460 = tpu.memref_slice %arg7[%run_scoped3A_3, %dma_wait3A_459] : memref<2x512xi32, #tpu.memory_space<vmem>> -> memref<1x512xi32, #tpu.memory_space<vmem>>
      %dma_wait3A_461 = tpu.memref_squeeze %dma_wait3A_460 : memref<1x512xi32, #tpu.memory_space<vmem>> -> memref<512xi32, #tpu.memory_space<vmem>>
      %dma_wait3A_462 = tpu.memref_slice %arg3[%mul3A_2] : memref<16384xi32, #tpu.memory_space<hbm>> -> memref<512xi32, #tpu.memory_space<hbm>>
      %dma_wait3A_463 = arith.constant 0 : i32
      %dma_wait3A_464 = tpu.memref_slice %arg7[%run_scoped3A_3, %dma_wait3A_463] : memref<2x512xi32, #tpu.memory_space<vmem>> -> memref<1x512xi32, #tpu.memory_space<vmem>>
      %dma_wait3A_465 = tpu.memref_squeeze %dma_wait3A_464 : memref<1x512xi32, #tpu.memory_space<vmem>> -> memref<512xi32, #tpu.memory_space<vmem>>
      %dma_wait3A_466 = tpu.memref_slice %arg3[%mul3A_2] : memref<16384xi32, #tpu.memory_space<hbm>> -> memref<512xi32, #tpu.memory_space<hbm>>
      tpu.wait_dma2 semaphore(%run_scoped3A_450 : memref<!tpu.dma_semaphore, #tpu.memory_space<semaphore_mem>>) src(%dma_wait3A_466 : memref<512xi32, #tpu.memory_space<hbm>>) dst(%dma_wait3A_465 : memref<512xi32, #tpu.memory_space<vmem>>)
      tpu.yield
    }) : () -> ()
    %dma_start3A = arith.constant 0 : i32
    %dma_start3A_4 = arith.constant 0 : i32
    %dma_start3A_5 = arith.constant 0 : i32
    %dma_start3A_6 = arith.constant 0 : i32
    %dma_start3A_7 = tpu.memref_slice %arg8[%dma_start3A_5, %dma_start3A_6] : memref<16x512xf32, #tpu.memory_space<vmem>> -> memref<1x512xf32, #tpu.memory_space<vmem>>
    %dma_start3A_8 = tpu.memref_squeeze %dma_start3A_7 : memref<1x512xf32, #tpu.memory_space<vmem>> -> memref<512xf32, #tpu.memory_space<vmem>>
    %dma_start3A_9 = arith.constant 0 : i32
    %dma_start3A_10 = tpu.memref_slice %arg7[%dma_start3A_4, %dma_start3A_9] : memref<2x512xi32, #tpu.memory_space<vmem>> -> memref<1x512xi32, #tpu.memory_space<vmem>>
    %dma_start3A_11 = tpu.memref_squeeze %dma_start3A_10 : memref<1x512xi32, #tpu.memory_space<vmem>> -> memref<512xi32, #tpu.memory_space<vmem>>
    %dma_start3A_12 = arith.constant 0 : i32
    %dma_start3A_13 = tpu.memref_slice %arg4[%dma_start3A, %dma_start3A_12] : memref<8x100000xf32, #tpu.memory_space<hbm>> -> memref<1x100000xf32, #tpu.memory_space<hbm>>
    %dma_start3A_14 = tpu.memref_squeeze %dma_start3A_13 : memref<1x100000xf32, #tpu.memory_space<hbm>> -> memref<100000xf32, #tpu.memory_space<hbm>>
    %dma_start3A_15 = arith.constant 0 : i32
    %dma_start3A_16 = tpu.memref_slice %dma_start3A_14[%dma_start3A_15] : memref<100000xf32, #tpu.memory_space<hbm>> -> memref<100000xf32, #tpu.memory_space<hbm>>
    tpu.enqueue_indirect_dma source(%dma_start3A_16 : memref<100000xf32, #tpu.memory_space<hbm>>) target(%dma_start3A_8 : memref<512xf32, #tpu.memory_space<vmem>>) offsets(%dma_start3A_11 : memref<512xi32, #tpu.memory_space<vmem>>) semaphore(%arg9 : memref<!tpu.dma_semaphore, #tpu.memory_space<semaphore_mem>>)
    %dma_start3A_17 = arith.constant 1 : i32
    %dma_start3A_18 = arith.constant 0 : i32
    %dma_start3A_19 = arith.constant 1 : i32
    %dma_start3A_20 = arith.constant 0 : i32
    %dma_start3A_21 = tpu.memref_slice %arg8[%dma_start3A_19, %dma_start3A_20] : memref<16x512xf32, #tpu.memory_space<vmem>> -> memref<1x512xf32, #tpu.memory_space<vmem>>
    %dma_start3A_22 = tpu.memref_squeeze %dma_start3A_21 : memref<1x512xf32, #tpu.memory_space<vmem>> -> memref<512xf32, #tpu.memory_space<vmem>>
    %dma_start3A_23 = arith.constant 0 : i32
    %dma_start3A_24 = tpu.memref_slice %arg7[%dma_start3A_18, %dma_start3A_23] : memref<2x512xi32, #tpu.memory_space<vmem>> -> memref<1x512xi32, #tpu.memory_space<vmem>>
    %dma_start3A_25 = tpu.memref_squeeze %dma_start3A_24 : memref<1x512xi32, #tpu.memory_space<vmem>> -> memref<512xi32, #tpu.memory_space<vmem>>
    %dma_start3A_26 = arith.constant 0 : i32
    %dma_start3A_27 = tpu.memref_slice %arg4[%dma_start3A_17, %dma_start3A_26] : memref<8x100000xf32, #tpu.memory_space<hbm>> -> memref<1x100000xf32, #tpu.memory_space<hbm>>
    %dma_start3A_28 = tpu.memref_squeeze %dma_start3A_27 : memref<1x100000xf32, #tpu.memory_space<hbm>> -> memref<100000xf32, #tpu.memory_space<hbm>>
    %dma_start3A_29 = arith.constant 0 : i32
    %dma_start3A_30 = tpu.memref_slice %dma_start3A_28[%dma_start3A_29] : memref<100000xf32, #tpu.memory_space<hbm>> -> memref<100000xf32, #tpu.memory_space<hbm>>
    tpu.enqueue_indirect_dma source(%dma_start3A_30 : memref<100000xf32, #tpu.memory_space<hbm>>) target(%dma_start3A_22 : memref<512xf32, #tpu.memory_space<vmem>>) offsets(%dma_start3A_25 : memref<512xi32, #tpu.memory_space<vmem>>) semaphore(%arg9 : memref<!tpu.dma_semaphore, #tpu.memory_space<semaphore_mem>>)
    %dma_start3A_31 = arith.constant 2 : i32
    %dma_start3A_32 = arith.constant 0 : i32
    %dma_start3A_33 = arith.constant 2 : i32
    %dma_start3A_34 = arith.constant 0 : i32
    %dma_start3A_35 = tpu.memref_slice %arg8[%dma_start3A_33, %dma_start3A_34] : memref<16x512xf32, #tpu.memory_space<vmem>> -> memref<1x512xf32, #tpu.memory_space<vmem>>
    %dma_start3A_36 = tpu.memref_squeeze %dma_start3A_35 : memref<1x512xf32, #tpu.memory_space<vmem>> -> memref<512xf32, #tpu.memory_space<vmem>>
    %dma_start3A_37 = arith.constant 0 : i32
    %dma_start3A_38 = tpu.memref_slice %arg7[%dma_start3A_32, %dma_start3A_37] : memref<2x512xi32, #tpu.memory_space<vmem>> -> memref<1x512xi32, #tpu.memory_space<vmem>>
    %dma_start3A_39 = tpu.memref_squeeze %dma_start3A_38 : memref<1x512xi32, #tpu.memory_space<vmem>> -> memref<512xi32, #tpu.memory_space<vmem>>
    %dma_start3A_40 = arith.constant 0 : i32
    %dma_start3A_41 = tpu.memref_slice %arg4[%dma_start3A_31, %dma_start3A_40] : memref<8x100000xf32, #tpu.memory_space<hbm>> -> memref<1x100000xf32, #tpu.memory_space<hbm>>
    %dma_start3A_42 = tpu.memref_squeeze %dma_start3A_41 : memref<1x100000xf32, #tpu.memory_space<hbm>> -> memref<100000xf32, #tpu.memory_space<hbm>>
    %dma_start3A_43 = arith.constant 0 : i32
    %dma_start3A_44 = tpu.memref_slice %dma_start3A_42[%dma_start3A_43] : memref<100000xf32, #tpu.memory_space<hbm>> -> memref<100000xf32, #tpu.memory_space<hbm>>
    tpu.enqueue_indirect_dma source(%dma_start3A_44 : memref<100000xf32, #tpu.memory_space<hbm>>) target(%dma_start3A_36 : memref<512xf32, #tpu.memory_space<vmem>>) offsets(%dma_start3A_39 : memref<512xi32, #tpu.memory_space<vmem>>) semaphore(%arg9 : memref<!tpu.dma_semaphore, #tpu.memory_space<semaphore_mem>>)
    %dma_start3A_45 = arith.constant 3 : i32
    %dma_start3A_46 = arith.constant 0 : i32
    %dma_start3A_47 = arith.constant 3 : i32
    %dma_start3A_48 = arith.constant 0 : i32
    %dma_start3A_49 = tpu.memref_slice %arg8[%dma_start3A_47, %dma_start3A_48] : memref<16x512xf32, #tpu.memory_space<vmem>> -> memref<1x512xf32, #tpu.memory_space<vmem>>
    %dma_start3A_50 = tpu.memref_squeeze %dma_start3A_49 : memref<1x512xf32, #tpu.memory_space<vmem>> -> memref<512xf32, #tpu.memory_space<vmem>>
    %dma_start3A_51 = arith.constant 0 : i32
    %dma_start3A_52 = tpu.memref_slice %arg7[%dma_start3A_46, %dma_start3A_51] : memref<2x512xi32, #tpu.memory_space<vmem>> -> memref<1x512xi32, #tpu.memory_space<vmem>>
    %dma_start3A_53 = tpu.memref_squeeze %dma_start3A_52 : memref<1x512xi32, #tpu.memory_space<vmem>> -> memref<512xi32, #tpu.memory_space<vmem>>
    %dma_start3A_54 = arith.constant 0 : i32
    %dma_start3A_55 = tpu.memref_slice %arg4[%dma_start3A_45, %dma_start3A_54] : memref<8x100000xf32, #tpu.memory_space<hbm>> -> memref<1x100000xf32, #tpu.memory_space<hbm>>
    %dma_start3A_56 = tpu.memref_squeeze %dma_start3A_55 : memref<1x100000xf32, #tpu.memory_space<hbm>> -> memref<100000xf32, #tpu.memory_space<hbm>>
    %dma_start3A_57 = arith.constant 0 : i32
    %dma_start3A_58 = tpu.memref_slice %dma_start3A_56[%dma_start3A_57] : memref<100000xf32, #tpu.memory_space<hbm>> -> memref<100000xf32, #tpu.memory_space<hbm>>
    tpu.enqueue_indirect_dma source(%dma_start3A_58 : memref<100000xf32, #tpu.memory_space<hbm>>) target(%dma_start3A_50 : memref<512xf32, #tpu.memory_space<vmem>>) offsets(%dma_start3A_53 : memref<512xi32, #tpu.memory_space<vmem>>) semaphore(%arg9 : memref<!tpu.dma_semaphore, #tpu.memory_space<semaphore_mem>>)
    %dma_start3A_59 = arith.constant 4 : i32
    %dma_start3A_60 = arith.constant 0 : i32
    %dma_start3A_61 = arith.constant 4 : i32
    %dma_start3A_62 = arith.constant 0 : i32
    %dma_start3A_63 = tpu.memref_slice %arg8[%dma_start3A_61, %dma_start3A_62] : memref<16x512xf32, #tpu.memory_space<vmem>> -> memref<1x512xf32, #tpu.memory_space<vmem>>
    %dma_start3A_64 = tpu.memref_squeeze %dma_start3A_63 : memref<1x512xf32, #tpu.memory_space<vmem>> -> memref<512xf32, #tpu.memory_space<vmem>>
    %dma_start3A_65 = arith.constant 0 : i32
    %dma_start3A_66 = tpu.memref_slice %arg7[%dma_start3A_60, %dma_start3A_65] : memref<2x512xi32, #tpu.memory_space<vmem>> -> memref<1x512xi32, #tpu.memory_space<vmem>>
    %dma_start3A_67 = tpu.memref_squeeze %dma_start3A_66 : memref<1x512xi32, #tpu.memory_space<vmem>> -> memref<512xi32, #tpu.memory_space<vmem>>
    %dma_start3A_68 = arith.constant 0 : i32
    %dma_start3A_69 = tpu.memref_slice %arg4[%dma_start3A_59, %dma_start3A_68] : memref<8x100000xf32, #tpu.memory_space<hbm>> -> memref<1x100000xf32, #tpu.memory_space<hbm>>
    %dma_start3A_70 = tpu.memref_squeeze %dma_start3A_69 : memref<1x100000xf32, #tpu.memory_space<hbm>> -> memref<100000xf32, #tpu.memory_space<hbm>>
    %dma_start3A_71 = arith.constant 0 : i32
    %dma_start3A_72 = tpu.memref_slice %dma_start3A_70[%dma_start3A_71] : memref<100000xf32, #tpu.memory_space<hbm>> -> memref<100000xf32, #tpu.memory_space<hbm>>
    tpu.enqueue_indirect_dma source(%dma_start3A_72 : memref<100000xf32, #tpu.memory_space<hbm>>) target(%dma_start3A_64 : memref<512xf32, #tpu.memory_space<vmem>>) offsets(%dma_start3A_67 : memref<512xi32, #tpu.memory_space<vmem>>) semaphore(%arg9 : memref<!tpu.dma_semaphore, #tpu.memory_space<semaphore_mem>>)
    %dma_start3A_73 = arith.constant 5 : i32
    %dma_start3A_74 = arith.constant 0 : i32
    %dma_start3A_75 = arith.constant 5 : i32
    %dma_start3A_76 = arith.constant 0 : i32
    %dma_start3A_77 = tpu.memref_slice %arg8[%dma_start3A_75, %dma_start3A_76] : memref<16x512xf32, #tpu.memory_space<vmem>> -> memref<1x512xf32, #tpu.memory_space<vmem>>
    %dma_start3A_78 = tpu.memref_squeeze %dma_start3A_77 : memref<1x512xf32, #tpu.memory_space<vmem>> -> memref<512xf32, #tpu.memory_space<vmem>>
    %dma_start3A_79 = arith.constant 0 : i32
    %dma_start3A_80 = tpu.memref_slice %arg7[%dma_start3A_74, %dma_start3A_79] : memref<2x512xi32, #tpu.memory_space<vmem>> -> memref<1x512xi32, #tpu.memory_space<vmem>>
    %dma_start3A_81 = tpu.memref_squeeze %dma_start3A_80 : memref<1x512xi32, #tpu.memory_space<vmem>> -> memref<512xi32, #tpu.memory_space<vmem>>
    %dma_start3A_82 = arith.constant 0 : i32
    %dma_start3A_83 = tpu.memref_slice %arg4[%dma_start3A_73, %dma_start3A_82] : memref<8x100000xf32, #tpu.memory_space<hbm>> -> memref<1x100000xf32, #tpu.memory_space<hbm>>
    %dma_start3A_84 = tpu.memref_squeeze %dma_start3A_83 : memref<1x100000xf32, #tpu.memory_space<hbm>> -> memref<100000xf32, #tpu.memory_space<hbm>>
    %dma_start3A_85 = arith.constant 0 : i32
    %dma_start3A_86 = tpu.memref_slice %dma_start3A_84[%dma_start3A_85] : memref<100000xf32, #tpu.memory_space<hbm>> -> memref<100000xf32, #tpu.memory_space<hbm>>
    tpu.enqueue_indirect_dma source(%dma_start3A_86 : memref<100000xf32, #tpu.memory_space<hbm>>) target(%dma_start3A_78 : memref<512xf32, #tpu.memory_space<vmem>>) offsets(%dma_start3A_81 : memref<512xi32, #tpu.memory_space<vmem>>) semaphore(%arg9 : memref<!tpu.dma_semaphore, #tpu.memory_space<semaphore_mem>>)
    %dma_start3A_87 = arith.constant 6 : i32
    %dma_start3A_88 = arith.constant 0 : i32
    %dma_start3A_89 = arith.constant 6 : i32
    %dma_start3A_90 = arith.constant 0 : i32
    %dma_start3A_91 = tpu.memref_slice %arg8[%dma_start3A_89, %dma_start3A_90] : memref<16x512xf32, #tpu.memory_space<vmem>> -> memref<1x512xf32, #tpu.memory_space<vmem>>
    %dma_start3A_92 = tpu.memref_squeeze %dma_start3A_91 : memref<1x512xf32, #tpu.memory_space<vmem>> -> memref<512xf32, #tpu.memory_space<vmem>>
    %dma_start3A_93 = arith.constant 0 : i32
    %dma_start3A_94 = tpu.memref_slice %arg7[%dma_start3A_88, %dma_start3A_93] : memref<2x512xi32, #tpu.memory_space<vmem>> -> memref<1x512xi32, #tpu.memory_space<vmem>>
    %dma_start3A_95 = tpu.memref_squeeze %dma_start3A_94 : memref<1x512xi32, #tpu.memory_space<vmem>> -> memref<512xi32, #tpu.memory_space<vmem>>
    %dma_start3A_96 = arith.constant 0 : i32
    %dma_start3A_97 = tpu.memref_slice %arg4[%dma_start3A_87, %dma_start3A_96] : memref<8x100000xf32, #tpu.memory_space<hbm>> -> memref<1x100000xf32, #tpu.memory_space<hbm>>
    %dma_start3A_98 = tpu.memref_squeeze %dma_start3A_97 : memref<1x100000xf32, #tpu.memory_space<hbm>> -> memref<100000xf32, #tpu.memory_space<hbm>>
    %dma_start3A_99 = arith.constant 0 : i32
    %dma_start3A_100 = tpu.memref_slice %dma_start3A_98[%dma_start3A_99] : memref<100000xf32, #tpu.memory_space<hbm>> -> memref<100000xf32, #tpu.memory_space<hbm>>
    tpu.enqueue_indirect_dma source(%dma_start3A_100 : memref<100000xf32, #tpu.memory_space<hbm>>) target(%dma_start3A_92 : memref<512xf32, #tpu.memory_space<vmem>>) offsets(%dma_start3A_95 : memref<512xi32, #tpu.memory_space<vmem>>) semaphore(%arg9 : memref<!tpu.dma_semaphore, #tpu.memory_space<semaphore_mem>>)
    %dma_start3A_101 = arith.constant 7 : i32
    %dma_start3A_102 = arith.constant 0 : i32
    %dma_start3A_103 = arith.constant 7 : i32
    %dma_start3A_104 = arith.constant 0 : i32
    %dma_start3A_105 = tpu.memref_slice %arg8[%dma_start3A_103, %dma_start3A_104] : memref<16x512xf32, #tpu.memory_space<vmem>> -> memref<1x512xf32, #tpu.memory_space<vmem>>
    %dma_start3A_106 = tpu.memref_squeeze %dma_start3A_105 : memref<1x512xf32, #tpu.memory_space<vmem>> -> memref<512xf32, #tpu.memory_space<vmem>>
    %dma_start3A_107 = arith.constant 0 : i32
    %dma_start3A_108 = tpu.memref_slice %arg7[%dma_start3A_102, %dma_start3A_107] : memref<2x512xi32, #tpu.memory_space<vmem>> -> memref<1x512xi32, #tpu.memory_space<vmem>>
    %dma_start3A_109 = tpu.memref_squeeze %dma_start3A_108 : memref<1x512xi32, #tpu.memory_space<vmem>> -> memref<512xi32, #tpu.memory_space<vmem>>
    %dma_start3A_110 = arith.constant 0 : i32
    %dma_start3A_111 = tpu.memref_slice %arg4[%dma_start3A_101, %dma_start3A_110] : memref<8x100000xf32, #tpu.memory_space<hbm>> -> memref<1x100000xf32, #tpu.memory_space<hbm>>
    %dma_start3A_112 = tpu.memref_squeeze %dma_start3A_111 : memref<1x100000xf32, #tpu.memory_space<hbm>> -> memref<100000xf32, #tpu.memory_space<hbm>>
    %dma_start3A_113 = arith.constant 0 : i32
    %dma_start3A_114 = tpu.memref_slice %dma_start3A_112[%dma_start3A_113] : memref<100000xf32, #tpu.memory_space<hbm>> -> memref<100000xf32, #tpu.memory_space<hbm>>
    tpu.enqueue_indirect_dma source(%dma_start3A_114 : memref<100000xf32, #tpu.memory_space<hbm>>) target(%dma_start3A_106 : memref<512xf32, #tpu.memory_space<vmem>>) offsets(%dma_start3A_109 : memref<512xi32, #tpu.memory_space<vmem>>) semaphore(%arg9 : memref<!tpu.dma_semaphore, #tpu.memory_space<semaphore_mem>>)
    %dma_start3A_115 = arith.constant 0 : i32
    %dma_start3A_116 = arith.constant 1 : i32
    %dma_start3A_117 = arith.constant 8 : i32
    %dma_start3A_118 = arith.constant 0 : i32
    %dma_start3A_119 = tpu.memref_slice %arg8[%dma_start3A_117, %dma_start3A_118] : memref<16x512xf32, #tpu.memory_space<vmem>> -> memref<1x512xf32, #tpu.memory_space<vmem>>
    %dma_start3A_120 = tpu.memref_squeeze %dma_start3A_119 : memref<1x512xf32, #tpu.memory_space<vmem>> -> memref<512xf32, #tpu.memory_space<vmem>>
    %dma_start3A_121 = arith.constant 0 : i32
    %dma_start3A_122 = tpu.memref_slice %arg7[%dma_start3A_116, %dma_start3A_121] : memref<2x512xi32, #tpu.memory_space<vmem>> -> memref<1x512xi32, #tpu.memory_space<vmem>>
    %dma_start3A_123 = tpu.memref_squeeze %dma_start3A_122 : memref<1x512xi32, #tpu.memory_space<vmem>> -> memref<512xi32, #tpu.memory_space<vmem>>
    %dma_start3A_124 = arith.constant 0 : i32
    %dma_start3A_125 = tpu.memref_slice %arg5[%dma_start3A_115, %dma_start3A_124] : memref<8x100000xf32, #tpu.memory_space<hbm>> -> memref<1x100000xf32, #tpu.memory_space<hbm>>
    %dma_start3A_126 = tpu.memref_squeeze %dma_start3A_125 : memref<1x100000xf32, #tpu.memory_space<hbm>> -> memref<100000xf32, #tpu.memory_space<hbm>>
    %dma_start3A_127 = arith.constant 0 : i32
    %dma_start3A_128 = tpu.memref_slice %dma_start3A_126[%dma_start3A_127] : memref<100000xf32, #tpu.memory_space<hbm>> -> memref<100000xf32, #tpu.memory_space<hbm>>
    tpu.enqueue_indirect_dma source(%dma_start3A_128 : memref<100000xf32, #tpu.memory_space<hbm>>) target(%dma_start3A_120 : memref<512xf32, #tpu.memory_space<vmem>>) offsets(%dma_start3A_123 : memref<512xi32, #tpu.memory_space<vmem>>) semaphore(%arg9 : memref<!tpu.dma_semaphore, #tpu.memory_space<semaphore_mem>>)
    %dma_start3A_129 = arith.constant 1 : i32
    %dma_start3A_130 = arith.constant 1 : i32
    %dma_start3A_131 = arith.constant 9 : i32
    %dma_start3A_132 = arith.constant 0 : i32
    %dma_start3A_133 = tpu.memref_slice %arg8[%dma_start3A_131, %dma_start3A_132] : memref<16x512xf32, #tpu.memory_space<vmem>> -> memref<1x512xf32, #tpu.memory_space<vmem>>
    %dma_start3A_134 = tpu.memref_squeeze %dma_start3A_133 : memref<1x512xf32, #tpu.memory_space<vmem>> -> memref<512xf32, #tpu.memory_space<vmem>>
    %dma_start3A_135 = arith.constant 0 : i32
    %dma_start3A_136 = tpu.memref_slice %arg7[%dma_start3A_130, %dma_start3A_135] : memref<2x512xi32, #tpu.memory_space<vmem>> -> memref<1x512xi32, #tpu.memory_space<vmem>>
    %dma_start3A_137 = tpu.memref_squeeze %dma_start3A_136 : memref<1x512xi32, #tpu.memory_space<vmem>> -> memref<512xi32, #tpu.memory_space<vmem>>
    %dma_start3A_138 = arith.constant 0 : i32
    %dma_start3A_139 = tpu.memref_slice %arg5[%dma_start3A_129, %dma_start3A_138] : memref<8x100000xf32, #tpu.memory_space<hbm>> -> memref<1x100000xf32, #tpu.memory_space<hbm>>
    %dma_start3A_140 = tpu.memref_squeeze %dma_start3A_139 : memref<1x100000xf32, #tpu.memory_space<hbm>> -> memref<100000xf32, #tpu.memory_space<hbm>>
    %dma_start3A_141 = arith.constant 0 : i32
    %dma_start3A_142 = tpu.memref_slice %dma_start3A_140[%dma_start3A_141] : memref<100000xf32, #tpu.memory_space<hbm>> -> memref<100000xf32, #tpu.memory_space<hbm>>
    tpu.enqueue_indirect_dma source(%dma_start3A_142 : memref<100000xf32, #tpu.memory_space<hbm>>) target(%dma_start3A_134 : memref<512xf32, #tpu.memory_space<vmem>>) offsets(%dma_start3A_137 : memref<512xi32, #tpu.memory_space<vmem>>) semaphore(%arg9 : memref<!tpu.dma_semaphore, #tpu.memory_space<semaphore_mem>>)
    %dma_start3A_143 = arith.constant 2 : i32
    %dma_start3A_144 = arith.constant 1 : i32
    %dma_start3A_145 = arith.constant 10 : i32
    %dma_start3A_146 = arith.constant 0 : i32
    %dma_start3A_147 = tpu.memref_slice %arg8[%dma_start3A_145, %dma_start3A_146] : memref<16x512xf32, #tpu.memory_space<vmem>> -> memref<1x512xf32, #tpu.memory_space<vmem>>
    %dma_start3A_148 = tpu.memref_squeeze %dma_start3A_147 : memref<1x512xf32, #tpu.memory_space<vmem>> -> memref<512xf32, #tpu.memory_space<vmem>>
    %dma_start3A_149 = arith.constant 0 : i32
    %dma_start3A_150 = tpu.memref_slice %arg7[%dma_start3A_144, %dma_start3A_149] : memref<2x512xi32, #tpu.memory_space<vmem>> -> memref<1x512xi32, #tpu.memory_space<vmem>>
    %dma_start3A_151 = tpu.memref_squeeze %dma_start3A_150 : memref<1x512xi32, #tpu.memory_space<vmem>> -> memref<512xi32, #tpu.memory_space<vmem>>
    %dma_start3A_152 = arith.constant 0 : i32
    %dma_start3A_153 = tpu.memref_slice %arg5[%dma_start3A_143, %dma_start3A_152] : memref<8x100000xf32, #tpu.memory_space<hbm>> -> memref<1x100000xf32, #tpu.memory_space<hbm>>
    %dma_start3A_154 = tpu.memref_squeeze %dma_start3A_153 : memref<1x100000xf32, #tpu.memory_space<hbm>> -> memref<100000xf32, #tpu.memory_space<hbm>>
    %dma_start3A_155 = arith.constant 0 : i32
    %dma_start3A_156 = tpu.memref_slice %dma_start3A_154[%dma_start3A_155] : memref<100000xf32, #tpu.memory_space<hbm>> -> memref<100000xf32, #tpu.memory_space<hbm>>
    tpu.enqueue_indirect_dma source(%dma_start3A_156 : memref<100000xf32, #tpu.memory_space<hbm>>) target(%dma_start3A_148 : memref<512xf32, #tpu.memory_space<vmem>>) offsets(%dma_start3A_151 : memref<512xi32, #tpu.memory_space<vmem>>) semaphore(%arg9 : memref<!tpu.dma_semaphore, #tpu.memory_space<semaphore_mem>>)
    %dma_start3A_157 = arith.constant 3 : i32
    %dma_start3A_158 = arith.constant 1 : i32
    %dma_start3A_159 = arith.constant 11 : i32
    %dma_start3A_160 = arith.constant 0 : i32
    %dma_start3A_161 = tpu.memref_slice %arg8[%dma_start3A_159, %dma_start3A_160] : memref<16x512xf32, #tpu.memory_space<vmem>> -> memref<1x512xf32, #tpu.memory_space<vmem>>
    %dma_start3A_162 = tpu.memref_squeeze %dma_start3A_161 : memref<1x512xf32, #tpu.memory_space<vmem>> -> memref<512xf32, #tpu.memory_space<vmem>>
    %dma_start3A_163 = arith.constant 0 : i32
    %dma_start3A_164 = tpu.memref_slice %arg7[%dma_start3A_158, %dma_start3A_163] : memref<2x512xi32, #tpu.memory_space<vmem>> -> memref<1x512xi32, #tpu.memory_space<vmem>>
    %dma_start3A_165 = tpu.memref_squeeze %dma_start3A_164 : memref<1x512xi32, #tpu.memory_space<vmem>> -> memref<512xi32, #tpu.memory_space<vmem>>
    %dma_start3A_166 = arith.constant 0 : i32
    %dma_start3A_167 = tpu.memref_slice %arg5[%dma_start3A_157, %dma_start3A_166] : memref<8x100000xf32, #tpu.memory_space<hbm>> -> memref<1x100000xf32, #tpu.memory_space<hbm>>
    %dma_start3A_168 = tpu.memref_squeeze %dma_start3A_167 : memref<1x100000xf32, #tpu.memory_space<hbm>> -> memref<100000xf32, #tpu.memory_space<hbm>>
    %dma_start3A_169 = arith.constant 0 : i32
    %dma_start3A_170 = tpu.memref_slice %dma_start3A_168[%dma_start3A_169] : memref<100000xf32, #tpu.memory_space<hbm>> -> memref<100000xf32, #tpu.memory_space<hbm>>
    tpu.enqueue_indirect_dma source(%dma_start3A_170 : memref<100000xf32, #tpu.memory_space<hbm>>) target(%dma_start3A_162 : memref<512xf32, #tpu.memory_space<vmem>>) offsets(%dma_start3A_165 : memref<512xi32, #tpu.memory_space<vmem>>) semaphore(%arg9 : memref<!tpu.dma_semaphore, #tpu.memory_space<semaphore_mem>>)
    %dma_start3A_171 = arith.constant 4 : i32
    %dma_start3A_172 = arith.constant 1 : i32
    %dma_start3A_173 = arith.constant 12 : i32
    %dma_start3A_174 = arith.constant 0 : i32
    %dma_start3A_175 = tpu.memref_slice %arg8[%dma_start3A_173, %dma_start3A_174] : memref<16x512xf32, #tpu.memory_space<vmem>> -> memref<1x512xf32, #tpu.memory_space<vmem>>
    %dma_start3A_176 = tpu.memref_squeeze %dma_start3A_175 : memref<1x512xf32, #tpu.memory_space<vmem>> -> memref<512xf32, #tpu.memory_space<vmem>>
    %dma_start3A_177 = arith.constant 0 : i32
    %dma_start3A_178 = tpu.memref_slice %arg7[%dma_start3A_172, %dma_start3A_177] : memref<2x512xi32, #tpu.memory_space<vmem>> -> memref<1x512xi32, #tpu.memory_space<vmem>>
    %dma_start3A_179 = tpu.memref_squeeze %dma_start3A_178 : memref<1x512xi32, #tpu.memory_space<vmem>> -> memref<512xi32, #tpu.memory_space<vmem>>
    %dma_start3A_180 = arith.constant 0 : i32
    %dma_start3A_181 = tpu.memref_slice %arg5[%dma_start3A_171, %dma_start3A_180] : memref<8x100000xf32, #tpu.memory_space<hbm>> -> memref<1x100000xf32, #tpu.memory_space<hbm>>
    %dma_start3A_182 = tpu.memref_squeeze %dma_start3A_181 : memref<1x100000xf32, #tpu.memory_space<hbm>> -> memref<100000xf32, #tpu.memory_space<hbm>>
    %dma_start3A_183 = arith.constant 0 : i32
    %dma_start3A_184 = tpu.memref_slice %dma_start3A_182[%dma_start3A_183] : memref<100000xf32, #tpu.memory_space<hbm>> -> memref<100000xf32, #tpu.memory_space<hbm>>
    tpu.enqueue_indirect_dma source(%dma_start3A_184 : memref<100000xf32, #tpu.memory_space<hbm>>) target(%dma_start3A_176 : memref<512xf32, #tpu.memory_space<vmem>>) offsets(%dma_start3A_179 : memref<512xi32, #tpu.memory_space<vmem>>) semaphore(%arg9 : memref<!tpu.dma_semaphore, #tpu.memory_space<semaphore_mem>>)
    %dma_start3A_185 = arith.constant 5 : i32
    %dma_start3A_186 = arith.constant 1 : i32
    %dma_start3A_187 = arith.constant 13 : i32
    %dma_start3A_188 = arith.constant 0 : i32
    %dma_start3A_189 = tpu.memref_slice %arg8[%dma_start3A_187, %dma_start3A_188] : memref<16x512xf32, #tpu.memory_space<vmem>> -> memref<1x512xf32, #tpu.memory_space<vmem>>
    %dma_start3A_190 = tpu.memref_squeeze %dma_start3A_189 : memref<1x512xf32, #tpu.memory_space<vmem>> -> memref<512xf32, #tpu.memory_space<vmem>>
    %dma_start3A_191 = arith.constant 0 : i32
    %dma_start3A_192 = tpu.memref_slice %arg7[%dma_start3A_186, %dma_start3A_191] : memref<2x512xi32, #tpu.memory_space<vmem>> -> memref<1x512xi32, #tpu.memory_space<vmem>>
    %dma_start3A_193 = tpu.memref_squeeze %dma_start3A_192 : memref<1x512xi32, #tpu.memory_space<vmem>> -> memref<512xi32, #tpu.memory_space<vmem>>
    %dma_start3A_194 = arith.constant 0 : i32
    %dma_start3A_195 = tpu.memref_slice %arg5[%dma_start3A_185, %dma_start3A_194] : memref<8x100000xf32, #tpu.memory_space<hbm>> -> memref<1x100000xf32, #tpu.memory_space<hbm>>
    %dma_start3A_196 = tpu.memref_squeeze %dma_start3A_195 : memref<1x100000xf32, #tpu.memory_space<hbm>> -> memref<100000xf32, #tpu.memory_space<hbm>>
    %dma_start3A_197 = arith.constant 0 : i32
    %dma_start3A_198 = tpu.memref_slice %dma_start3A_196[%dma_start3A_197] : memref<100000xf32, #tpu.memory_space<hbm>> -> memref<100000xf32, #tpu.memory_space<hbm>>
    tpu.enqueue_indirect_dma source(%dma_start3A_198 : memref<100000xf32, #tpu.memory_space<hbm>>) target(%dma_start3A_190 : memref<512xf32, #tpu.memory_space<vmem>>) offsets(%dma_start3A_193 : memref<512xi32, #tpu.memory_space<vmem>>) semaphore(%arg9 : memref<!tpu.dma_semaphore, #tpu.memory_space<semaphore_mem>>)
    %dma_start3A_199 = arith.constant 6 : i32
    %dma_start3A_200 = arith.constant 1 : i32
    %dma_start3A_201 = arith.constant 14 : i32
    %dma_start3A_202 = arith.constant 0 : i32
    %dma_start3A_203 = tpu.memref_slice %arg8[%dma_start3A_201, %dma_start3A_202] : memref<16x512xf32, #tpu.memory_space<vmem>> -> memref<1x512xf32, #tpu.memory_space<vmem>>
    %dma_start3A_204 = tpu.memref_squeeze %dma_start3A_203 : memref<1x512xf32, #tpu.memory_space<vmem>> -> memref<512xf32, #tpu.memory_space<vmem>>
    %dma_start3A_205 = arith.constant 0 : i32
    %dma_start3A_206 = tpu.memref_slice %arg7[%dma_start3A_200, %dma_start3A_205] : memref<2x512xi32, #tpu.memory_space<vmem>> -> memref<1x512xi32, #tpu.memory_space<vmem>>
    %dma_start3A_207 = tpu.memref_squeeze %dma_start3A_206 : memref<1x512xi32, #tpu.memory_space<vmem>> -> memref<512xi32, #tpu.memory_space<vmem>>
    %dma_start3A_208 = arith.constant 0 : i32
    %dma_start3A_209 = tpu.memref_slice %arg5[%dma_start3A_199, %dma_start3A_208] : memref<8x100000xf32, #tpu.memory_space<hbm>> -> memref<1x100000xf32, #tpu.memory_space<hbm>>
    %dma_start3A_210 = tpu.memref_squeeze %dma_start3A_209 : memref<1x100000xf32, #tpu.memory_space<hbm>> -> memref<100000xf32, #tpu.memory_space<hbm>>
    %dma_start3A_211 = arith.constant 0 : i32
    %dma_start3A_212 = tpu.memref_slice %dma_start3A_210[%dma_start3A_211] : memref<100000xf32, #tpu.memory_space<hbm>> -> memref<100000xf32, #tpu.memory_space<hbm>>
    tpu.enqueue_indirect_dma source(%dma_start3A_212 : memref<100000xf32, #tpu.memory_space<hbm>>) target(%dma_start3A_204 : memref<512xf32, #tpu.memory_space<vmem>>) offsets(%dma_start3A_207 : memref<512xi32, #tpu.memory_space<vmem>>) semaphore(%arg9 : memref<!tpu.dma_semaphore, #tpu.memory_space<semaphore_mem>>)
    %dma_start3A_213 = arith.constant 7 : i32
    %dma_start3A_214 = arith.constant 1 : i32
    %dma_start3A_215 = arith.constant 15 : i32
    %dma_start3A_216 = arith.constant 0 : i32
    %dma_start3A_217 = tpu.memref_slice %arg8[%dma_start3A_215, %dma_start3A_216] : memref<16x512xf32, #tpu.memory_space<vmem>> -> memref<1x512xf32, #tpu.memory_space<vmem>>
    %dma_start3A_218 = tpu.memref_squeeze %dma_start3A_217 : memref<1x512xf32, #tpu.memory_space<vmem>> -> memref<512xf32, #tpu.memory_space<vmem>>
    %dma_start3A_219 = arith.constant 0 : i32
    %dma_start3A_220 = tpu.memref_slice %arg7[%dma_start3A_214, %dma_start3A_219] : memref<2x512xi32, #tpu.memory_space<vmem>> -> memref<1x512xi32, #tpu.memory_space<vmem>>
    %dma_start3A_221 = tpu.memref_squeeze %dma_start3A_220 : memref<1x512xi32, #tpu.memory_space<vmem>> -> memref<512xi32, #tpu.memory_space<vmem>>
    %dma_start3A_222 = arith.constant 0 : i32
    %dma_start3A_223 = tpu.memref_slice %arg5[%dma_start3A_213, %dma_start3A_222] : memref<8x100000xf32, #tpu.memory_space<hbm>> -> memref<1x100000xf32, #tpu.memory_space<hbm>>
    %dma_start3A_224 = tpu.memref_squeeze %dma_start3A_223 : memref<1x100000xf32, #tpu.memory_space<hbm>> -> memref<100000xf32, #tpu.memory_space<hbm>>
    %dma_start3A_225 = arith.constant 0 : i32
    %dma_start3A_226 = tpu.memref_slice %dma_start3A_224[%dma_start3A_225] : memref<100000xf32, #tpu.memory_space<hbm>> -> memref<100000xf32, #tpu.memory_space<hbm>>
    tpu.enqueue_indirect_dma source(%dma_start3A_226 : memref<100000xf32, #tpu.memory_space<hbm>>) target(%dma_start3A_218 : memref<512xf32, #tpu.memory_space<vmem>>) offsets(%dma_start3A_221 : memref<512xi32, #tpu.memory_space<vmem>>) semaphore(%arg9 : memref<!tpu.dma_semaphore, #tpu.memory_space<semaphore_mem>>)
    %dma_wait3A = arith.constant 0 : i32
    %dma_wait3A_227 = arith.constant 0 : i32
    %dma_wait3A_228 = arith.constant 0 : i32
    %dma_wait3A_229 = arith.constant 0 : i32
    %dma_wait3A_230 = tpu.memref_slice %arg8[%dma_wait3A_228, %dma_wait3A_229] : memref<16x512xf32, #tpu.memory_space<vmem>> -> memref<1x512xf32, #tpu.memory_space<vmem>>
    %dma_wait3A_231 = tpu.memref_squeeze %dma_wait3A_230 : memref<1x512xf32, #tpu.memory_space<vmem>> -> memref<512xf32, #tpu.memory_space<vmem>>
    %dma_wait3A_232 = arith.constant 0 : i32
    %dma_wait3A_233 = tpu.memref_slice %arg7[%dma_wait3A_227, %dma_wait3A_232] : memref<2x512xi32, #tpu.memory_space<vmem>> -> memref<1x512xi32, #tpu.memory_space<vmem>>
    %dma_wait3A_234 = tpu.memref_squeeze %dma_wait3A_233 : memref<1x512xi32, #tpu.memory_space<vmem>> -> memref<512xi32, #tpu.memory_space<vmem>>
    %dma_wait3A_235 = arith.constant 0 : i32
    %dma_wait3A_236 = tpu.memref_slice %arg4[%dma_wait3A, %dma_wait3A_235] : memref<8x100000xf32, #tpu.memory_space<hbm>> -> memref<1x100000xf32, #tpu.memory_space<hbm>>
    %dma_wait3A_237 = tpu.memref_squeeze %dma_wait3A_236 : memref<1x100000xf32, #tpu.memory_space<hbm>> -> memref<100000xf32, #tpu.memory_space<hbm>>
    %dma_wait3A_238 = arith.constant 0 : i32
    %dma_wait3A_239 = tpu.memref_slice %dma_wait3A_237[%dma_wait3A_238] : memref<100000xf32, #tpu.memory_space<hbm>> -> memref<100000xf32, #tpu.memory_space<hbm>>
    tpu.wait_indirect_dma semaphore(%arg9 : memref<!tpu.dma_semaphore, #tpu.memory_space<semaphore_mem>>) src(%dma_wait3A_239 : memref<100000xf32, #tpu.memory_space<hbm>>) dst(%dma_wait3A_231 : memref<512xf32, #tpu.memory_space<vmem>>)
    %dma_wait3A_240 = arith.constant 1 : i32
    %dma_wait3A_241 = arith.constant 0 : i32
    %dma_wait3A_242 = arith.constant 1 : i32
    %dma_wait3A_243 = arith.constant 0 : i32
    %dma_wait3A_244 = tpu.memref_slice %arg8[%dma_wait3A_242, %dma_wait3A_243] : memref<16x512xf32, #tpu.memory_space<vmem>> -> memref<1x512xf32, #tpu.memory_space<vmem>>
    %dma_wait3A_245 = tpu.memref_squeeze %dma_wait3A_244 : memref<1x512xf32, #tpu.memory_space<vmem>> -> memref<512xf32, #tpu.memory_space<vmem>>
    %dma_wait3A_246 = arith.constant 0 : i32
    %dma_wait3A_247 = tpu.memref_slice %arg7[%dma_wait3A_241, %dma_wait3A_246] : memref<2x512xi32, #tpu.memory_space<vmem>> -> memref<1x512xi32, #tpu.memory_space<vmem>>
    %dma_wait3A_248 = tpu.memref_squeeze %dma_wait3A_247 : memref<1x512xi32, #tpu.memory_space<vmem>> -> memref<512xi32, #tpu.memory_space<vmem>>
    %dma_wait3A_249 = arith.constant 0 : i32
    %dma_wait3A_250 = tpu.memref_slice %arg4[%dma_wait3A_240, %dma_wait3A_249] : memref<8x100000xf32, #tpu.memory_space<hbm>> -> memref<1x100000xf32, #tpu.memory_space<hbm>>
    %dma_wait3A_251 = tpu.memref_squeeze %dma_wait3A_250 : memref<1x100000xf32, #tpu.memory_space<hbm>> -> memref<100000xf32, #tpu.memory_space<hbm>>
    %dma_wait3A_252 = arith.constant 0 : i32
    %dma_wait3A_253 = tpu.memref_slice %dma_wait3A_251[%dma_wait3A_252] : memref<100000xf32, #tpu.memory_space<hbm>> -> memref<100000xf32, #tpu.memory_space<hbm>>
    tpu.wait_indirect_dma semaphore(%arg9 : memref<!tpu.dma_semaphore, #tpu.memory_space<semaphore_mem>>) src(%dma_wait3A_253 : memref<100000xf32, #tpu.memory_space<hbm>>) dst(%dma_wait3A_245 : memref<512xf32, #tpu.memory_space<vmem>>)
    %dma_wait3A_254 = arith.constant 2 : i32
    %dma_wait3A_255 = arith.constant 0 : i32
    %dma_wait3A_256 = arith.constant 2 : i32
    %dma_wait3A_257 = arith.constant 0 : i32
    %dma_wait3A_258 = tpu.memref_slice %arg8[%dma_wait3A_256, %dma_wait3A_257] : memref<16x512xf32, #tpu.memory_space<vmem>> -> memref<1x512xf32, #tpu.memory_space<vmem>>
    %dma_wait3A_259 = tpu.memref_squeeze %dma_wait3A_258 : memref<1x512xf32, #tpu.memory_space<vmem>> -> memref<512xf32, #tpu.memory_space<vmem>>
    %dma_wait3A_260 = arith.constant 0 : i32
    %dma_wait3A_261 = tpu.memref_slice %arg7[%dma_wait3A_255, %dma_wait3A_260] : memref<2x512xi32, #tpu.memory_space<vmem>> -> memref<1x512xi32, #tpu.memory_space<vmem>>
    %dma_wait3A_262 = tpu.memref_squeeze %dma_wait3A_261 : memref<1x512xi32, #tpu.memory_space<vmem>> -> memref<512xi32, #tpu.memory_space<vmem>>
    %dma_wait3A_263 = arith.constant 0 : i32
    %dma_wait3A_264 = tpu.memref_slice %arg4[%dma_wait3A_254, %dma_wait3A_263] : memref<8x100000xf32, #tpu.memory_space<hbm>> -> memref<1x100000xf32, #tpu.memory_space<hbm>>
    %dma_wait3A_265 = tpu.memref_squeeze %dma_wait3A_264 : memref<1x100000xf32, #tpu.memory_space<hbm>> -> memref<100000xf32, #tpu.memory_space<hbm>>
    %dma_wait3A_266 = arith.constant 0 : i32
    %dma_wait3A_267 = tpu.memref_slice %dma_wait3A_265[%dma_wait3A_266] : memref<100000xf32, #tpu.memory_space<hbm>> -> memref<100000xf32, #tpu.memory_space<hbm>>
    tpu.wait_indirect_dma semaphore(%arg9 : memref<!tpu.dma_semaphore, #tpu.memory_space<semaphore_mem>>) src(%dma_wait3A_267 : memref<100000xf32, #tpu.memory_space<hbm>>) dst(%dma_wait3A_259 : memref<512xf32, #tpu.memory_space<vmem>>)
    %dma_wait3A_268 = arith.constant 3 : i32
    %dma_wait3A_269 = arith.constant 0 : i32
    %dma_wait3A_270 = arith.constant 3 : i32
    %dma_wait3A_271 = arith.constant 0 : i32
    %dma_wait3A_272 = tpu.memref_slice %arg8[%dma_wait3A_270, %dma_wait3A_271] : memref<16x512xf32, #tpu.memory_space<vmem>> -> memref<1x512xf32, #tpu.memory_space<vmem>>
    %dma_wait3A_273 = tpu.memref_squeeze %dma_wait3A_272 : memref<1x512xf32, #tpu.memory_space<vmem>> -> memref<512xf32, #tpu.memory_space<vmem>>
    %dma_wait3A_274 = arith.constant 0 : i32
    %dma_wait3A_275 = tpu.memref_slice %arg7[%dma_wait3A_269, %dma_wait3A_274] : memref<2x512xi32, #tpu.memory_space<vmem>> -> memref<1x512xi32, #tpu.memory_space<vmem>>
    %dma_wait3A_276 = tpu.memref_squeeze %dma_wait3A_275 : memref<1x512xi32, #tpu.memory_space<vmem>> -> memref<512xi32, #tpu.memory_space<vmem>>
    %dma_wait3A_277 = arith.constant 0 : i32
    %dma_wait3A_278 = tpu.memref_slice %arg4[%dma_wait3A_268, %dma_wait3A_277] : memref<8x100000xf32, #tpu.memory_space<hbm>> -> memref<1x100000xf32, #tpu.memory_space<hbm>>
    %dma_wait3A_279 = tpu.memref_squeeze %dma_wait3A_278 : memref<1x100000xf32, #tpu.memory_space<hbm>> -> memref<100000xf32, #tpu.memory_space<hbm>>
    %dma_wait3A_280 = arith.constant 0 : i32
    %dma_wait3A_281 = tpu.memref_slice %dma_wait3A_279[%dma_wait3A_280] : memref<100000xf32, #tpu.memory_space<hbm>> -> memref<100000xf32, #tpu.memory_space<hbm>>
    tpu.wait_indirect_dma semaphore(%arg9 : memref<!tpu.dma_semaphore, #tpu.memory_space<semaphore_mem>>) src(%dma_wait3A_281 : memref<100000xf32, #tpu.memory_space<hbm>>) dst(%dma_wait3A_273 : memref<512xf32, #tpu.memory_space<vmem>>)
    %dma_wait3A_282 = arith.constant 4 : i32
    %dma_wait3A_283 = arith.constant 0 : i32
    %dma_wait3A_284 = arith.constant 4 : i32
    %dma_wait3A_285 = arith.constant 0 : i32
    %dma_wait3A_286 = tpu.memref_slice %arg8[%dma_wait3A_284, %dma_wait3A_285] : memref<16x512xf32, #tpu.memory_space<vmem>> -> memref<1x512xf32, #tpu.memory_space<vmem>>
    %dma_wait3A_287 = tpu.memref_squeeze %dma_wait3A_286 : memref<1x512xf32, #tpu.memory_space<vmem>> -> memref<512xf32, #tpu.memory_space<vmem>>
    %dma_wait3A_288 = arith.constant 0 : i32
    %dma_wait3A_289 = tpu.memref_slice %arg7[%dma_wait3A_283, %dma_wait3A_288] : memref<2x512xi32, #tpu.memory_space<vmem>> -> memref<1x512xi32, #tpu.memory_space<vmem>>
    %dma_wait3A_290 = tpu.memref_squeeze %dma_wait3A_289 : memref<1x512xi32, #tpu.memory_space<vmem>> -> memref<512xi32, #tpu.memory_space<vmem>>
    %dma_wait3A_291 = arith.constant 0 : i32
    %dma_wait3A_292 = tpu.memref_slice %arg4[%dma_wait3A_282, %dma_wait3A_291] : memref<8x100000xf32, #tpu.memory_space<hbm>> -> memref<1x100000xf32, #tpu.memory_space<hbm>>
    %dma_wait3A_293 = tpu.memref_squeeze %dma_wait3A_292 : memref<1x100000xf32, #tpu.memory_space<hbm>> -> memref<100000xf32, #tpu.memory_space<hbm>>
    %dma_wait3A_294 = arith.constant 0 : i32
    %dma_wait3A_295 = tpu.memref_slice %dma_wait3A_293[%dma_wait3A_294] : memref<100000xf32, #tpu.memory_space<hbm>> -> memref<100000xf32, #tpu.memory_space<hbm>>
    tpu.wait_indirect_dma semaphore(%arg9 : memref<!tpu.dma_semaphore, #tpu.memory_space<semaphore_mem>>) src(%dma_wait3A_295 : memref<100000xf32, #tpu.memory_space<hbm>>) dst(%dma_wait3A_287 : memref<512xf32, #tpu.memory_space<vmem>>)
    %dma_wait3A_296 = arith.constant 5 : i32
    %dma_wait3A_297 = arith.constant 0 : i32
    %dma_wait3A_298 = arith.constant 5 : i32
    %dma_wait3A_299 = arith.constant 0 : i32
    %dma_wait3A_300 = tpu.memref_slice %arg8[%dma_wait3A_298, %dma_wait3A_299] : memref<16x512xf32, #tpu.memory_space<vmem>> -> memref<1x512xf32, #tpu.memory_space<vmem>>
    %dma_wait3A_301 = tpu.memref_squeeze %dma_wait3A_300 : memref<1x512xf32, #tpu.memory_space<vmem>> -> memref<512xf32, #tpu.memory_space<vmem>>
    %dma_wait3A_302 = arith.constant 0 : i32
    %dma_wait3A_303 = tpu.memref_slice %arg7[%dma_wait3A_297, %dma_wait3A_302] : memref<2x512xi32, #tpu.memory_space<vmem>> -> memref<1x512xi32, #tpu.memory_space<vmem>>
    %dma_wait3A_304 = tpu.memref_squeeze %dma_wait3A_303 : memref<1x512xi32, #tpu.memory_space<vmem>> -> memref<512xi32, #tpu.memory_space<vmem>>
    %dma_wait3A_305 = arith.constant 0 : i32
    %dma_wait3A_306 = tpu.memref_slice %arg4[%dma_wait3A_296, %dma_wait3A_305] : memref<8x100000xf32, #tpu.memory_space<hbm>> -> memref<1x100000xf32, #tpu.memory_space<hbm>>
    %dma_wait3A_307 = tpu.memref_squeeze %dma_wait3A_306 : memref<1x100000xf32, #tpu.memory_space<hbm>> -> memref<100000xf32, #tpu.memory_space<hbm>>
    %dma_wait3A_308 = arith.constant 0 : i32
    %dma_wait3A_309 = tpu.memref_slice %dma_wait3A_307[%dma_wait3A_308] : memref<100000xf32, #tpu.memory_space<hbm>> -> memref<100000xf32, #tpu.memory_space<hbm>>
    tpu.wait_indirect_dma semaphore(%arg9 : memref<!tpu.dma_semaphore, #tpu.memory_space<semaphore_mem>>) src(%dma_wait3A_309 : memref<100000xf32, #tpu.memory_space<hbm>>) dst(%dma_wait3A_301 : memref<512xf32, #tpu.memory_space<vmem>>)
    %dma_wait3A_310 = arith.constant 6 : i32
    %dma_wait3A_311 = arith.constant 0 : i32
    %dma_wait3A_312 = arith.constant 6 : i32
    %dma_wait3A_313 = arith.constant 0 : i32
    %dma_wait3A_314 = tpu.memref_slice %arg8[%dma_wait3A_312, %dma_wait3A_313] : memref<16x512xf32, #tpu.memory_space<vmem>> -> memref<1x512xf32, #tpu.memory_space<vmem>>
    %dma_wait3A_315 = tpu.memref_squeeze %dma_wait3A_314 : memref<1x512xf32, #tpu.memory_space<vmem>> -> memref<512xf32, #tpu.memory_space<vmem>>
    %dma_wait3A_316 = arith.constant 0 : i32
    %dma_wait3A_317 = tpu.memref_slice %arg7[%dma_wait3A_311, %dma_wait3A_316] : memref<2x512xi32, #tpu.memory_space<vmem>> -> memref<1x512xi32, #tpu.memory_space<vmem>>
    %dma_wait3A_318 = tpu.memref_squeeze %dma_wait3A_317 : memref<1x512xi32, #tpu.memory_space<vmem>> -> memref<512xi32, #tpu.memory_space<vmem>>
    %dma_wait3A_319 = arith.constant 0 : i32
    %dma_wait3A_320 = tpu.memref_slice %arg4[%dma_wait3A_310, %dma_wait3A_319] : memref<8x100000xf32, #tpu.memory_space<hbm>> -> memref<1x100000xf32, #tpu.memory_space<hbm>>
    %dma_wait3A_321 = tpu.memref_squeeze %dma_wait3A_320 : memref<1x100000xf32, #tpu.memory_space<hbm>> -> memref<100000xf32, #tpu.memory_space<hbm>>
    %dma_wait3A_322 = arith.constant 0 : i32
    %dma_wait3A_323 = tpu.memref_slice %dma_wait3A_321[%dma_wait3A_322] : memref<100000xf32, #tpu.memory_space<hbm>> -> memref<100000xf32, #tpu.memory_space<hbm>>
    tpu.wait_indirect_dma semaphore(%arg9 : memref<!tpu.dma_semaphore, #tpu.memory_space<semaphore_mem>>) src(%dma_wait3A_323 : memref<100000xf32, #tpu.memory_space<hbm>>) dst(%dma_wait3A_315 : memref<512xf32, #tpu.memory_space<vmem>>)
    %dma_wait3A_324 = arith.constant 7 : i32
    %dma_wait3A_325 = arith.constant 0 : i32
    %dma_wait3A_326 = arith.constant 7 : i32
    %dma_wait3A_327 = arith.constant 0 : i32
    %dma_wait3A_328 = tpu.memref_slice %arg8[%dma_wait3A_326, %dma_wait3A_327] : memref<16x512xf32, #tpu.memory_space<vmem>> -> memref<1x512xf32, #tpu.memory_space<vmem>>
    %dma_wait3A_329 = tpu.memref_squeeze %dma_wait3A_328 : memref<1x512xf32, #tpu.memory_space<vmem>> -> memref<512xf32, #tpu.memory_space<vmem>>
    %dma_wait3A_330 = arith.constant 0 : i32
    %dma_wait3A_331 = tpu.memref_slice %arg7[%dma_wait3A_325, %dma_wait3A_330] : memref<2x512xi32, #tpu.memory_space<vmem>> -> memref<1x512xi32, #tpu.memory_space<vmem>>
    %dma_wait3A_332 = tpu.memref_squeeze %dma_wait3A_331 : memref<1x512xi32, #tpu.memory_space<vmem>> -> memref<512xi32, #tpu.memory_space<vmem>>
    %dma_wait3A_333 = arith.constant 0 : i32
    %dma_wait3A_334 = tpu.memref_slice %arg4[%dma_wait3A_324, %dma_wait3A_333] : memref<8x100000xf32, #tpu.memory_space<hbm>> -> memref<1x100000xf32, #tpu.memory_space<hbm>>
    %dma_wait3A_335 = tpu.memref_squeeze %dma_wait3A_334 : memref<1x100000xf32, #tpu.memory_space<hbm>> -> memref<100000xf32, #tpu.memory_space<hbm>>
    %dma_wait3A_336 = arith.constant 0 : i32
    %dma_wait3A_337 = tpu.memref_slice %dma_wait3A_335[%dma_wait3A_336] : memref<100000xf32, #tpu.memory_space<hbm>> -> memref<100000xf32, #tpu.memory_space<hbm>>
    tpu.wait_indirect_dma semaphore(%arg9 : memref<!tpu.dma_semaphore, #tpu.memory_space<semaphore_mem>>) src(%dma_wait3A_337 : memref<100000xf32, #tpu.memory_space<hbm>>) dst(%dma_wait3A_329 : memref<512xf32, #tpu.memory_space<vmem>>)
    %dma_wait3A_338 = arith.constant 0 : i32
    %dma_wait3A_339 = arith.constant 1 : i32
    %dma_wait3A_340 = arith.constant 8 : i32
    %dma_wait3A_341 = arith.constant 0 : i32
    %dma_wait3A_342 = tpu.memref_slice %arg8[%dma_wait3A_340, %dma_wait3A_341] : memref<16x512xf32, #tpu.memory_space<vmem>> -> memref<1x512xf32, #tpu.memory_space<vmem>>
    %dma_wait3A_343 = tpu.memref_squeeze %dma_wait3A_342 : memref<1x512xf32, #tpu.memory_space<vmem>> -> memref<512xf32, #tpu.memory_space<vmem>>
    %dma_wait3A_344 = arith.constant 0 : i32
    %dma_wait3A_345 = tpu.memref_slice %arg7[%dma_wait3A_339, %dma_wait3A_344] : memref<2x512xi32, #tpu.memory_space<vmem>> -> memref<1x512xi32, #tpu.memory_space<vmem>>
    %dma_wait3A_346 = tpu.memref_squeeze %dma_wait3A_345 : memref<1x512xi32, #tpu.memory_space<vmem>> -> memref<512xi32, #tpu.memory_space<vmem>>
    %dma_wait3A_347 = arith.constant 0 : i32
    %dma_wait3A_348 = tpu.memref_slice %arg5[%dma_wait3A_338, %dma_wait3A_347] : memref<8x100000xf32, #tpu.memory_space<hbm>> -> memref<1x100000xf32, #tpu.memory_space<hbm>>
    %dma_wait3A_349 = tpu.memref_squeeze %dma_wait3A_348 : memref<1x100000xf32, #tpu.memory_space<hbm>> -> memref<100000xf32, #tpu.memory_space<hbm>>
    %dma_wait3A_350 = arith.constant 0 : i32
    %dma_wait3A_351 = tpu.memref_slice %dma_wait3A_349[%dma_wait3A_350] : memref<100000xf32, #tpu.memory_space<hbm>> -> memref<100000xf32, #tpu.memory_space<hbm>>
    tpu.wait_indirect_dma semaphore(%arg9 : memref<!tpu.dma_semaphore, #tpu.memory_space<semaphore_mem>>) src(%dma_wait3A_351 : memref<100000xf32, #tpu.memory_space<hbm>>) dst(%dma_wait3A_343 : memref<512xf32, #tpu.memory_space<vmem>>)
    %dma_wait3A_352 = arith.constant 1 : i32
    %dma_wait3A_353 = arith.constant 1 : i32
    %dma_wait3A_354 = arith.constant 9 : i32
    %dma_wait3A_355 = arith.constant 0 : i32
    %dma_wait3A_356 = tpu.memref_slice %arg8[%dma_wait3A_354, %dma_wait3A_355] : memref<16x512xf32, #tpu.memory_space<vmem>> -> memref<1x512xf32, #tpu.memory_space<vmem>>
    %dma_wait3A_357 = tpu.memref_squeeze %dma_wait3A_356 : memref<1x512xf32, #tpu.memory_space<vmem>> -> memref<512xf32, #tpu.memory_space<vmem>>
    %dma_wait3A_358 = arith.constant 0 : i32
    %dma_wait3A_359 = tpu.memref_slice %arg7[%dma_wait3A_353, %dma_wait3A_358] : memref<2x512xi32, #tpu.memory_space<vmem>> -> memref<1x512xi32, #tpu.memory_space<vmem>>
    %dma_wait3A_360 = tpu.memref_squeeze %dma_wait3A_359 : memref<1x512xi32, #tpu.memory_space<vmem>> -> memref<512xi32, #tpu.memory_space<vmem>>
    %dma_wait3A_361 = arith.constant 0 : i32
    %dma_wait3A_362 = tpu.memref_slice %arg5[%dma_wait3A_352, %dma_wait3A_361] : memref<8x100000xf32, #tpu.memory_space<hbm>> -> memref<1x100000xf32, #tpu.memory_space<hbm>>
    %dma_wait3A_363 = tpu.memref_squeeze %dma_wait3A_362 : memref<1x100000xf32, #tpu.memory_space<hbm>> -> memref<100000xf32, #tpu.memory_space<hbm>>
    %dma_wait3A_364 = arith.constant 0 : i32
    %dma_wait3A_365 = tpu.memref_slice %dma_wait3A_363[%dma_wait3A_364] : memref<100000xf32, #tpu.memory_space<hbm>> -> memref<100000xf32, #tpu.memory_space<hbm>>
    tpu.wait_indirect_dma semaphore(%arg9 : memref<!tpu.dma_semaphore, #tpu.memory_space<semaphore_mem>>) src(%dma_wait3A_365 : memref<100000xf32, #tpu.memory_space<hbm>>) dst(%dma_wait3A_357 : memref<512xf32, #tpu.memory_space<vmem>>)
    %dma_wait3A_366 = arith.constant 2 : i32
    %dma_wait3A_367 = arith.constant 1 : i32
    %dma_wait3A_368 = arith.constant 10 : i32
    %dma_wait3A_369 = arith.constant 0 : i32
    %dma_wait3A_370 = tpu.memref_slice %arg8[%dma_wait3A_368, %dma_wait3A_369] : memref<16x512xf32, #tpu.memory_space<vmem>> -> memref<1x512xf32, #tpu.memory_space<vmem>>
    %dma_wait3A_371 = tpu.memref_squeeze %dma_wait3A_370 : memref<1x512xf32, #tpu.memory_space<vmem>> -> memref<512xf32, #tpu.memory_space<vmem>>
    %dma_wait3A_372 = arith.constant 0 : i32
    %dma_wait3A_373 = tpu.memref_slice %arg7[%dma_wait3A_367, %dma_wait3A_372] : memref<2x512xi32, #tpu.memory_space<vmem>> -> memref<1x512xi32, #tpu.memory_space<vmem>>
    %dma_wait3A_374 = tpu.memref_squeeze %dma_wait3A_373 : memref<1x512xi32, #tpu.memory_space<vmem>> -> memref<512xi32, #tpu.memory_space<vmem>>
    %dma_wait3A_375 = arith.constant 0 : i32
    %dma_wait3A_376 = tpu.memref_slice %arg5[%dma_wait3A_366, %dma_wait3A_375] : memref<8x100000xf32, #tpu.memory_space<hbm>> -> memref<1x100000xf32, #tpu.memory_space<hbm>>
    %dma_wait3A_377 = tpu.memref_squeeze %dma_wait3A_376 : memref<1x100000xf32, #tpu.memory_space<hbm>> -> memref<100000xf32, #tpu.memory_space<hbm>>
    %dma_wait3A_378 = arith.constant 0 : i32
    %dma_wait3A_379 = tpu.memref_slice %dma_wait3A_377[%dma_wait3A_378] : memref<100000xf32, #tpu.memory_space<hbm>> -> memref<100000xf32, #tpu.memory_space<hbm>>
    tpu.wait_indirect_dma semaphore(%arg9 : memref<!tpu.dma_semaphore, #tpu.memory_space<semaphore_mem>>) src(%dma_wait3A_379 : memref<100000xf32, #tpu.memory_space<hbm>>) dst(%dma_wait3A_371 : memref<512xf32, #tpu.memory_space<vmem>>)
    %dma_wait3A_380 = arith.constant 3 : i32
    %dma_wait3A_381 = arith.constant 1 : i32
    %dma_wait3A_382 = arith.constant 11 : i32
    %dma_wait3A_383 = arith.constant 0 : i32
    %dma_wait3A_384 = tpu.memref_slice %arg8[%dma_wait3A_382, %dma_wait3A_383] : memref<16x512xf32, #tpu.memory_space<vmem>> -> memref<1x512xf32, #tpu.memory_space<vmem>>
    %dma_wait3A_385 = tpu.memref_squeeze %dma_wait3A_384 : memref<1x512xf32, #tpu.memory_space<vmem>> -> memref<512xf32, #tpu.memory_space<vmem>>
    %dma_wait3A_386 = arith.constant 0 : i32
    %dma_wait3A_387 = tpu.memref_slice %arg7[%dma_wait3A_381, %dma_wait3A_386] : memref<2x512xi32, #tpu.memory_space<vmem>> -> memref<1x512xi32, #tpu.memory_space<vmem>>
    %dma_wait3A_388 = tpu.memref_squeeze %dma_wait3A_387 : memref<1x512xi32, #tpu.memory_space<vmem>> -> memref<512xi32, #tpu.memory_space<vmem>>
    %dma_wait3A_389 = arith.constant 0 : i32
    %dma_wait3A_390 = tpu.memref_slice %arg5[%dma_wait3A_380, %dma_wait3A_389] : memref<8x100000xf32, #tpu.memory_space<hbm>> -> memref<1x100000xf32, #tpu.memory_space<hbm>>
    %dma_wait3A_391 = tpu.memref_squeeze %dma_wait3A_390 : memref<1x100000xf32, #tpu.memory_space<hbm>> -> memref<100000xf32, #tpu.memory_space<hbm>>
    %dma_wait3A_392 = arith.constant 0 : i32
    %dma_wait3A_393 = tpu.memref_slice %dma_wait3A_391[%dma_wait3A_392] : memref<100000xf32, #tpu.memory_space<hbm>> -> memref<100000xf32, #tpu.memory_space<hbm>>
    tpu.wait_indirect_dma semaphore(%arg9 : memref<!tpu.dma_semaphore, #tpu.memory_space<semaphore_mem>>) src(%dma_wait3A_393 : memref<100000xf32, #tpu.memory_space<hbm>>) dst(%dma_wait3A_385 : memref<512xf32, #tpu.memory_space<vmem>>)
    %dma_wait3A_394 = arith.constant 4 : i32
    %dma_wait3A_395 = arith.constant 1 : i32
    %dma_wait3A_396 = arith.constant 12 : i32
    %dma_wait3A_397 = arith.constant 0 : i32
    %dma_wait3A_398 = tpu.memref_slice %arg8[%dma_wait3A_396, %dma_wait3A_397] : memref<16x512xf32, #tpu.memory_space<vmem>> -> memref<1x512xf32, #tpu.memory_space<vmem>>
    %dma_wait3A_399 = tpu.memref_squeeze %dma_wait3A_398 : memref<1x512xf32, #tpu.memory_space<vmem>> -> memref<512xf32, #tpu.memory_space<vmem>>
    %dma_wait3A_400 = arith.constant 0 : i32
    %dma_wait3A_401 = tpu.memref_slice %arg7[%dma_wait3A_395, %dma_wait3A_400] : memref<2x512xi32, #tpu.memory_space<vmem>> -> memref<1x512xi32, #tpu.memory_space<vmem>>
    %dma_wait3A_402 = tpu.memref_squeeze %dma_wait3A_401 : memref<1x512xi32, #tpu.memory_space<vmem>> -> memref<512xi32, #tpu.memory_space<vmem>>
    %dma_wait3A_403 = arith.constant 0 : i32
    %dma_wait3A_404 = tpu.memref_slice %arg5[%dma_wait3A_394, %dma_wait3A_403] : memref<8x100000xf32, #tpu.memory_space<hbm>> -> memref<1x100000xf32, #tpu.memory_space<hbm>>
    %dma_wait3A_405 = tpu.memref_squeeze %dma_wait3A_404 : memref<1x100000xf32, #tpu.memory_space<hbm>> -> memref<100000xf32, #tpu.memory_space<hbm>>
    %dma_wait3A_406 = arith.constant 0 : i32
    %dma_wait3A_407 = tpu.memref_slice %dma_wait3A_405[%dma_wait3A_406] : memref<100000xf32, #tpu.memory_space<hbm>> -> memref<100000xf32, #tpu.memory_space<hbm>>
    tpu.wait_indirect_dma semaphore(%arg9 : memref<!tpu.dma_semaphore, #tpu.memory_space<semaphore_mem>>) src(%dma_wait3A_407 : memref<100000xf32, #tpu.memory_space<hbm>>) dst(%dma_wait3A_399 : memref<512xf32, #tpu.memory_space<vmem>>)
    %dma_wait3A_408 = arith.constant 5 : i32
    %dma_wait3A_409 = arith.constant 1 : i32
    %dma_wait3A_410 = arith.constant 13 : i32
    %dma_wait3A_411 = arith.constant 0 : i32
    %dma_wait3A_412 = tpu.memref_slice %arg8[%dma_wait3A_410, %dma_wait3A_411] : memref<16x512xf32, #tpu.memory_space<vmem>> -> memref<1x512xf32, #tpu.memory_space<vmem>>
    %dma_wait3A_413 = tpu.memref_squeeze %dma_wait3A_412 : memref<1x512xf32, #tpu.memory_space<vmem>> -> memref<512xf32, #tpu.memory_space<vmem>>
    %dma_wait3A_414 = arith.constant 0 : i32
    %dma_wait3A_415 = tpu.memref_slice %arg7[%dma_wait3A_409, %dma_wait3A_414] : memref<2x512xi32, #tpu.memory_space<vmem>> -> memref<1x512xi32, #tpu.memory_space<vmem>>
    %dma_wait3A_416 = tpu.memref_squeeze %dma_wait3A_415 : memref<1x512xi32, #tpu.memory_space<vmem>> -> memref<512xi32, #tpu.memory_space<vmem>>
    %dma_wait3A_417 = arith.constant 0 : i32
    %dma_wait3A_418 = tpu.memref_slice %arg5[%dma_wait3A_408, %dma_wait3A_417] : memref<8x100000xf32, #tpu.memory_space<hbm>> -> memref<1x100000xf32, #tpu.memory_space<hbm>>
    %dma_wait3A_419 = tpu.memref_squeeze %dma_wait3A_418 : memref<1x100000xf32, #tpu.memory_space<hbm>> -> memref<100000xf32, #tpu.memory_space<hbm>>
    %dma_wait3A_420 = arith.constant 0 : i32
    %dma_wait3A_421 = tpu.memref_slice %dma_wait3A_419[%dma_wait3A_420] : memref<100000xf32, #tpu.memory_space<hbm>> -> memref<100000xf32, #tpu.memory_space<hbm>>
    tpu.wait_indirect_dma semaphore(%arg9 : memref<!tpu.dma_semaphore, #tpu.memory_space<semaphore_mem>>) src(%dma_wait3A_421 : memref<100000xf32, #tpu.memory_space<hbm>>) dst(%dma_wait3A_413 : memref<512xf32, #tpu.memory_space<vmem>>)
    %dma_wait3A_422 = arith.constant 6 : i32
    %dma_wait3A_423 = arith.constant 1 : i32
    %dma_wait3A_424 = arith.constant 14 : i32
    %dma_wait3A_425 = arith.constant 0 : i32
    %dma_wait3A_426 = tpu.memref_slice %arg8[%dma_wait3A_424, %dma_wait3A_425] : memref<16x512xf32, #tpu.memory_space<vmem>> -> memref<1x512xf32, #tpu.memory_space<vmem>>
    %dma_wait3A_427 = tpu.memref_squeeze %dma_wait3A_426 : memref<1x512xf32, #tpu.memory_space<vmem>> -> memref<512xf32, #tpu.memory_space<vmem>>
    %dma_wait3A_428 = arith.constant 0 : i32
    %dma_wait3A_429 = tpu.memref_slice %arg7[%dma_wait3A_423, %dma_wait3A_428] : memref<2x512xi32, #tpu.memory_space<vmem>> -> memref<1x512xi32, #tpu.memory_space<vmem>>
    %dma_wait3A_430 = tpu.memref_squeeze %dma_wait3A_429 : memref<1x512xi32, #tpu.memory_space<vmem>> -> memref<512xi32, #tpu.memory_space<vmem>>
    %dma_wait3A_431 = arith.constant 0 : i32
    %dma_wait3A_432 = tpu.memref_slice %arg5[%dma_wait3A_422, %dma_wait3A_431] : memref<8x100000xf32, #tpu.memory_space<hbm>> -> memref<1x100000xf32, #tpu.memory_space<hbm>>
    %dma_wait3A_433 = tpu.memref_squeeze %dma_wait3A_432 : memref<1x100000xf32, #tpu.memory_space<hbm>> -> memref<100000xf32, #tpu.memory_space<hbm>>
    %dma_wait3A_434 = arith.constant 0 : i32
    %dma_wait3A_435 = tpu.memref_slice %dma_wait3A_433[%dma_wait3A_434] : memref<100000xf32, #tpu.memory_space<hbm>> -> memref<100000xf32, #tpu.memory_space<hbm>>
    tpu.wait_indirect_dma semaphore(%arg9 : memref<!tpu.dma_semaphore, #tpu.memory_space<semaphore_mem>>) src(%dma_wait3A_435 : memref<100000xf32, #tpu.memory_space<hbm>>) dst(%dma_wait3A_427 : memref<512xf32, #tpu.memory_space<vmem>>)
    %dma_wait3A_436 = arith.constant 7 : i32
    %dma_wait3A_437 = arith.constant 1 : i32
    %dma_wait3A_438 = arith.constant 15 : i32
    %dma_wait3A_439 = arith.constant 0 : i32
    %dma_wait3A_440 = tpu.memref_slice %arg8[%dma_wait3A_438, %dma_wait3A_439] : memref<16x512xf32, #tpu.memory_space<vmem>> -> memref<1x512xf32, #tpu.memory_space<vmem>>
    %dma_wait3A_441 = tpu.memref_squeeze %dma_wait3A_440 : memref<1x512xf32, #tpu.memory_space<vmem>> -> memref<512xf32, #tpu.memory_space<vmem>>
    %dma_wait3A_442 = arith.constant 0 : i32
    %dma_wait3A_443 = tpu.memref_slice %arg7[%dma_wait3A_437, %dma_wait3A_442] : memref<2x512xi32, #tpu.memory_space<vmem>> -> memref<1x512xi32, #tpu.memory_space<vmem>>
    %dma_wait3A_444 = tpu.memref_squeeze %dma_wait3A_443 : memref<1x512xi32, #tpu.memory_space<vmem>> -> memref<512xi32, #tpu.memory_space<vmem>>
    %dma_wait3A_445 = arith.constant 0 : i32
    %dma_wait3A_446 = tpu.memref_slice %arg5[%dma_wait3A_436, %dma_wait3A_445] : memref<8x100000xf32, #tpu.memory_space<hbm>> -> memref<1x100000xf32, #tpu.memory_space<hbm>>
    %dma_wait3A_447 = tpu.memref_squeeze %dma_wait3A_446 : memref<1x100000xf32, #tpu.memory_space<hbm>> -> memref<100000xf32, #tpu.memory_space<hbm>>
    %dma_wait3A_448 = arith.constant 0 : i32
    %dma_wait3A_449 = tpu.memref_slice %dma_wait3A_447[%dma_wait3A_448] : memref<100000xf32, #tpu.memory_space<hbm>> -> memref<100000xf32, #tpu.memory_space<hbm>>
    tpu.wait_indirect_dma semaphore(%arg9 : memref<!tpu.dma_semaphore, #tpu.memory_space<semaphore_mem>>) src(%dma_wait3A_449 : memref<100000xf32, #tpu.memory_space<hbm>>) dst(%dma_wait3A_441 : memref<512xf32, #tpu.memory_space<vmem>>)
    "tpu.region"() ({
      %run_scoped3A_450 = tpu.sem_alloc : memref<!tpu.dma_semaphore, #tpu.memory_space<semaphore_mem>>
      %dma_start3A_451 = arith.constant 0 : i32
      %dma_start3A_452 = tpu.memref_slice %arg6[%dma_start3A_451, %mul3A_2] : memref<16x16384xf32, #tpu.memory_space<hbm>> -> memref<16x512xf32, #tpu.memory_space<hbm>>
      %dma_start3A_453 = arith.constant 0 : i32
      %dma_start3A_454 = tpu.memref_slice %arg6[%dma_start3A_453, %mul3A_2] : memref<16x16384xf32, #tpu.memory_space<hbm>> -> memref<16x512xf32, #tpu.memory_space<hbm>>
      tpu.enqueue_dma source(%arg8 : memref<16x512xf32, #tpu.memory_space<vmem>>) target(%dma_start3A_454 : memref<16x512xf32, #tpu.memory_space<hbm>>) target_semaphore(%run_scoped3A_450 : memref<!tpu.dma_semaphore, #tpu.memory_space<semaphore_mem>>)
      %dma_wait3A_455 = arith.constant 0 : i32
      %dma_wait3A_456 = tpu.memref_slice %arg6[%dma_wait3A_455, %mul3A_2] : memref<16x16384xf32, #tpu.memory_space<hbm>> -> memref<16x512xf32, #tpu.memory_space<hbm>>
      %dma_wait3A_457 = arith.constant 0 : i32
      %dma_wait3A_458 = tpu.memref_slice %arg6[%dma_wait3A_457, %mul3A_2] : memref<16x16384xf32, #tpu.memory_space<hbm>> -> memref<16x512xf32, #tpu.memory_space<hbm>>
      tpu.wait_dma2 semaphore(%run_scoped3A_450 : memref<!tpu.dma_semaphore, #tpu.memory_space<semaphore_mem>>) src(%arg8 : memref<16x512xf32, #tpu.memory_space<vmem>>) dst(%dma_wait3A_458 : memref<16x512xf32, #tpu.memory_space<hbm>>)
      tpu.yield
    }) : () -> ()
    return
  }
}

#map = affine_map<(d0, d1) -> (0)>
#map1 = affine_map<(d0, d1) -> (0, 0)>
module attributes {stable_mosaic.version = 14 : i64} {
  func.func @gather_k(%arg0: i32, %arg1: i32, %arg2: memref<16384xi32, #tpu.memory_space<hbm>>, %arg3: memref<12x100000xf32, #tpu.memory_space<hbm>>, %arg4: memref<12x16384xf32, #tpu.memory_space<hbm>>, %arg5: memref<1x512xi32, #tpu.memory_space<vmem>>, %arg6: memref<12x512xf32, #tpu.memory_space<vmem>>, %arg7: memref<!tpu.dma_semaphore, #tpu.memory_space<semaphore_mem>>) attributes {dimension_semantics = [#tpu.dimension_semantics<core_parallel>, #tpu.dimension_semantics<subcore_parallel>], iteration_bounds = array<i64: 2, 16>, scalar_prefetch = 0 : i64, scratch_operands = 3 : i64, tpu.core_type = #tpu.core_type<sc_vector_subcore>, window_params = [{transform_indices = #map}, {transform_indices = #map1}, {transform_indices = #map1}]} {
    %mul3A = arith.constant 2 : i32
    %mul3A_0 = arith.muli %arg1, %mul3A : i32
    %add3A = arith.addi %mul3A_0, %arg0 : i32
    %mul3A_1 = arith.constant 512 : i32
    %mul3A_2 = arith.muli %add3A, %mul3A_1 : i32
    %run_scoped3A = arith.constant 0 : i32
    "tpu.region"() ({
      %run_scoped3A_337 = tpu.sem_alloc : memref<!tpu.dma_semaphore, #tpu.memory_space<semaphore_mem>>
      %dma_start3A_338 = arith.constant 0 : i32
      %dma_start3A_339 = tpu.memref_slice %arg5[%run_scoped3A, %dma_start3A_338] : memref<1x512xi32, #tpu.memory_space<vmem>> -> memref<1x512xi32, #tpu.memory_space<vmem>>
      %dma_start3A_340 = tpu.memref_squeeze %dma_start3A_339 : memref<1x512xi32, #tpu.memory_space<vmem>> -> memref<512xi32, #tpu.memory_space<vmem>>
      %dma_start3A_341 = tpu.memref_slice %arg2[%mul3A_2] : memref<16384xi32, #tpu.memory_space<hbm>> -> memref<512xi32, #tpu.memory_space<hbm>>
      %dma_start3A_342 = arith.constant 0 : i32
      %dma_start3A_343 = tpu.memref_slice %arg5[%run_scoped3A, %dma_start3A_342] : memref<1x512xi32, #tpu.memory_space<vmem>> -> memref<1x512xi32, #tpu.memory_space<vmem>>
      %dma_start3A_344 = tpu.memref_squeeze %dma_start3A_343 : memref<1x512xi32, #tpu.memory_space<vmem>> -> memref<512xi32, #tpu.memory_space<vmem>>
      %dma_start3A_345 = tpu.memref_slice %arg2[%mul3A_2] : memref<16384xi32, #tpu.memory_space<hbm>> -> memref<512xi32, #tpu.memory_space<hbm>>
      tpu.enqueue_dma source(%dma_start3A_345 : memref<512xi32, #tpu.memory_space<hbm>>) target(%dma_start3A_344 : memref<512xi32, #tpu.memory_space<vmem>>) target_semaphore(%run_scoped3A_337 : memref<!tpu.dma_semaphore, #tpu.memory_space<semaphore_mem>>)
      %dma_wait3A_346 = arith.constant 0 : i32
      %dma_wait3A_347 = tpu.memref_slice %arg5[%run_scoped3A, %dma_wait3A_346] : memref<1x512xi32, #tpu.memory_space<vmem>> -> memref<1x512xi32, #tpu.memory_space<vmem>>
      %dma_wait3A_348 = tpu.memref_squeeze %dma_wait3A_347 : memref<1x512xi32, #tpu.memory_space<vmem>> -> memref<512xi32, #tpu.memory_space<vmem>>
      %dma_wait3A_349 = tpu.memref_slice %arg2[%mul3A_2] : memref<16384xi32, #tpu.memory_space<hbm>> -> memref<512xi32, #tpu.memory_space<hbm>>
      %dma_wait3A_350 = arith.constant 0 : i32
      %dma_wait3A_351 = tpu.memref_slice %arg5[%run_scoped3A, %dma_wait3A_350] : memref<1x512xi32, #tpu.memory_space<vmem>> -> memref<1x512xi32, #tpu.memory_space<vmem>>
      %dma_wait3A_352 = tpu.memref_squeeze %dma_wait3A_351 : memref<1x512xi32, #tpu.memory_space<vmem>> -> memref<512xi32, #tpu.memory_space<vmem>>
      %dma_wait3A_353 = tpu.memref_slice %arg2[%mul3A_2] : memref<16384xi32, #tpu.memory_space<hbm>> -> memref<512xi32, #tpu.memory_space<hbm>>
      tpu.wait_dma2 semaphore(%run_scoped3A_337 : memref<!tpu.dma_semaphore, #tpu.memory_space<semaphore_mem>>) src(%dma_wait3A_353 : memref<512xi32, #tpu.memory_space<hbm>>) dst(%dma_wait3A_352 : memref<512xi32, #tpu.memory_space<vmem>>)
      tpu.yield
    }) : () -> ()
    %dma_start3A = arith.constant 0 : i32
    %dma_start3A_3 = arith.constant 0 : i32
    %dma_start3A_4 = arith.constant 0 : i32
    %dma_start3A_5 = arith.constant 0 : i32
    %dma_start3A_6 = tpu.memref_slice %arg6[%dma_start3A_4, %dma_start3A_5] : memref<12x512xf32, #tpu.memory_space<vmem>> -> memref<1x512xf32, #tpu.memory_space<vmem>>
    %dma_start3A_7 = tpu.memref_squeeze %dma_start3A_6 : memref<1x512xf32, #tpu.memory_space<vmem>> -> memref<512xf32, #tpu.memory_space<vmem>>
    %dma_start3A_8 = arith.constant 0 : i32
    %dma_start3A_9 = tpu.memref_slice %arg5[%dma_start3A_3, %dma_start3A_8] : memref<1x512xi32, #tpu.memory_space<vmem>> -> memref<1x512xi32, #tpu.memory_space<vmem>>
    %dma_start3A_10 = tpu.memref_squeeze %dma_start3A_9 : memref<1x512xi32, #tpu.memory_space<vmem>> -> memref<512xi32, #tpu.memory_space<vmem>>
    %dma_start3A_11 = arith.constant 0 : i32
    %dma_start3A_12 = tpu.memref_slice %arg3[%dma_start3A, %dma_start3A_11] : memref<12x100000xf32, #tpu.memory_space<hbm>> -> memref<1x100000xf32, #tpu.memory_space<hbm>>
    %dma_start3A_13 = tpu.memref_squeeze %dma_start3A_12 : memref<1x100000xf32, #tpu.memory_space<hbm>> -> memref<100000xf32, #tpu.memory_space<hbm>>
    %dma_start3A_14 = arith.constant 0 : i32
    %dma_start3A_15 = tpu.memref_slice %dma_start3A_13[%dma_start3A_14] : memref<100000xf32, #tpu.memory_space<hbm>> -> memref<100000xf32, #tpu.memory_space<hbm>>
    tpu.enqueue_indirect_dma source(%dma_start3A_15 : memref<100000xf32, #tpu.memory_space<hbm>>) target(%dma_start3A_7 : memref<512xf32, #tpu.memory_space<vmem>>) offsets(%dma_start3A_10 : memref<512xi32, #tpu.memory_space<vmem>>) semaphore(%arg7 : memref<!tpu.dma_semaphore, #tpu.memory_space<semaphore_mem>>)
    %dma_start3A_16 = arith.constant 1 : i32
    %dma_start3A_17 = arith.constant 0 : i32
    %dma_start3A_18 = arith.constant 1 : i32
    %dma_start3A_19 = arith.constant 0 : i32
    %dma_start3A_20 = tpu.memref_slice %arg6[%dma_start3A_18, %dma_start3A_19] : memref<12x512xf32, #tpu.memory_space<vmem>> -> memref<1x512xf32, #tpu.memory_space<vmem>>
    %dma_start3A_21 = tpu.memref_squeeze %dma_start3A_20 : memref<1x512xf32, #tpu.memory_space<vmem>> -> memref<512xf32, #tpu.memory_space<vmem>>
    %dma_start3A_22 = arith.constant 0 : i32
    %dma_start3A_23 = tpu.memref_slice %arg5[%dma_start3A_17, %dma_start3A_22] : memref<1x512xi32, #tpu.memory_space<vmem>> -> memref<1x512xi32, #tpu.memory_space<vmem>>
    %dma_start3A_24 = tpu.memref_squeeze %dma_start3A_23 : memref<1x512xi32, #tpu.memory_space<vmem>> -> memref<512xi32, #tpu.memory_space<vmem>>
    %dma_start3A_25 = arith.constant 0 : i32
    %dma_start3A_26 = tpu.memref_slice %arg3[%dma_start3A_16, %dma_start3A_25] : memref<12x100000xf32, #tpu.memory_space<hbm>> -> memref<1x100000xf32, #tpu.memory_space<hbm>>
    %dma_start3A_27 = tpu.memref_squeeze %dma_start3A_26 : memref<1x100000xf32, #tpu.memory_space<hbm>> -> memref<100000xf32, #tpu.memory_space<hbm>>
    %dma_start3A_28 = arith.constant 0 : i32
    %dma_start3A_29 = tpu.memref_slice %dma_start3A_27[%dma_start3A_28] : memref<100000xf32, #tpu.memory_space<hbm>> -> memref<100000xf32, #tpu.memory_space<hbm>>
    tpu.enqueue_indirect_dma source(%dma_start3A_29 : memref<100000xf32, #tpu.memory_space<hbm>>) target(%dma_start3A_21 : memref<512xf32, #tpu.memory_space<vmem>>) offsets(%dma_start3A_24 : memref<512xi32, #tpu.memory_space<vmem>>) semaphore(%arg7 : memref<!tpu.dma_semaphore, #tpu.memory_space<semaphore_mem>>)
    %dma_start3A_30 = arith.constant 2 : i32
    %dma_start3A_31 = arith.constant 0 : i32
    %dma_start3A_32 = arith.constant 2 : i32
    %dma_start3A_33 = arith.constant 0 : i32
    %dma_start3A_34 = tpu.memref_slice %arg6[%dma_start3A_32, %dma_start3A_33] : memref<12x512xf32, #tpu.memory_space<vmem>> -> memref<1x512xf32, #tpu.memory_space<vmem>>
    %dma_start3A_35 = tpu.memref_squeeze %dma_start3A_34 : memref<1x512xf32, #tpu.memory_space<vmem>> -> memref<512xf32, #tpu.memory_space<vmem>>
    %dma_start3A_36 = arith.constant 0 : i32
    %dma_start3A_37 = tpu.memref_slice %arg5[%dma_start3A_31, %dma_start3A_36] : memref<1x512xi32, #tpu.memory_space<vmem>> -> memref<1x512xi32, #tpu.memory_space<vmem>>
    %dma_start3A_38 = tpu.memref_squeeze %dma_start3A_37 : memref<1x512xi32, #tpu.memory_space<vmem>> -> memref<512xi32, #tpu.memory_space<vmem>>
    %dma_start3A_39 = arith.constant 0 : i32
    %dma_start3A_40 = tpu.memref_slice %arg3[%dma_start3A_30, %dma_start3A_39] : memref<12x100000xf32, #tpu.memory_space<hbm>> -> memref<1x100000xf32, #tpu.memory_space<hbm>>
    %dma_start3A_41 = tpu.memref_squeeze %dma_start3A_40 : memref<1x100000xf32, #tpu.memory_space<hbm>> -> memref<100000xf32, #tpu.memory_space<hbm>>
    %dma_start3A_42 = arith.constant 0 : i32
    %dma_start3A_43 = tpu.memref_slice %dma_start3A_41[%dma_start3A_42] : memref<100000xf32, #tpu.memory_space<hbm>> -> memref<100000xf32, #tpu.memory_space<hbm>>
    tpu.enqueue_indirect_dma source(%dma_start3A_43 : memref<100000xf32, #tpu.memory_space<hbm>>) target(%dma_start3A_35 : memref<512xf32, #tpu.memory_space<vmem>>) offsets(%dma_start3A_38 : memref<512xi32, #tpu.memory_space<vmem>>) semaphore(%arg7 : memref<!tpu.dma_semaphore, #tpu.memory_space<semaphore_mem>>)
    %dma_start3A_44 = arith.constant 3 : i32
    %dma_start3A_45 = arith.constant 0 : i32
    %dma_start3A_46 = arith.constant 3 : i32
    %dma_start3A_47 = arith.constant 0 : i32
    %dma_start3A_48 = tpu.memref_slice %arg6[%dma_start3A_46, %dma_start3A_47] : memref<12x512xf32, #tpu.memory_space<vmem>> -> memref<1x512xf32, #tpu.memory_space<vmem>>
    %dma_start3A_49 = tpu.memref_squeeze %dma_start3A_48 : memref<1x512xf32, #tpu.memory_space<vmem>> -> memref<512xf32, #tpu.memory_space<vmem>>
    %dma_start3A_50 = arith.constant 0 : i32
    %dma_start3A_51 = tpu.memref_slice %arg5[%dma_start3A_45, %dma_start3A_50] : memref<1x512xi32, #tpu.memory_space<vmem>> -> memref<1x512xi32, #tpu.memory_space<vmem>>
    %dma_start3A_52 = tpu.memref_squeeze %dma_start3A_51 : memref<1x512xi32, #tpu.memory_space<vmem>> -> memref<512xi32, #tpu.memory_space<vmem>>
    %dma_start3A_53 = arith.constant 0 : i32
    %dma_start3A_54 = tpu.memref_slice %arg3[%dma_start3A_44, %dma_start3A_53] : memref<12x100000xf32, #tpu.memory_space<hbm>> -> memref<1x100000xf32, #tpu.memory_space<hbm>>
    %dma_start3A_55 = tpu.memref_squeeze %dma_start3A_54 : memref<1x100000xf32, #tpu.memory_space<hbm>> -> memref<100000xf32, #tpu.memory_space<hbm>>
    %dma_start3A_56 = arith.constant 0 : i32
    %dma_start3A_57 = tpu.memref_slice %dma_start3A_55[%dma_start3A_56] : memref<100000xf32, #tpu.memory_space<hbm>> -> memref<100000xf32, #tpu.memory_space<hbm>>
    tpu.enqueue_indirect_dma source(%dma_start3A_57 : memref<100000xf32, #tpu.memory_space<hbm>>) target(%dma_start3A_49 : memref<512xf32, #tpu.memory_space<vmem>>) offsets(%dma_start3A_52 : memref<512xi32, #tpu.memory_space<vmem>>) semaphore(%arg7 : memref<!tpu.dma_semaphore, #tpu.memory_space<semaphore_mem>>)
    %dma_start3A_58 = arith.constant 4 : i32
    %dma_start3A_59 = arith.constant 0 : i32
    %dma_start3A_60 = arith.constant 4 : i32
    %dma_start3A_61 = arith.constant 0 : i32
    %dma_start3A_62 = tpu.memref_slice %arg6[%dma_start3A_60, %dma_start3A_61] : memref<12x512xf32, #tpu.memory_space<vmem>> -> memref<1x512xf32, #tpu.memory_space<vmem>>
    %dma_start3A_63 = tpu.memref_squeeze %dma_start3A_62 : memref<1x512xf32, #tpu.memory_space<vmem>> -> memref<512xf32, #tpu.memory_space<vmem>>
    %dma_start3A_64 = arith.constant 0 : i32
    %dma_start3A_65 = tpu.memref_slice %arg5[%dma_start3A_59, %dma_start3A_64] : memref<1x512xi32, #tpu.memory_space<vmem>> -> memref<1x512xi32, #tpu.memory_space<vmem>>
    %dma_start3A_66 = tpu.memref_squeeze %dma_start3A_65 : memref<1x512xi32, #tpu.memory_space<vmem>> -> memref<512xi32, #tpu.memory_space<vmem>>
    %dma_start3A_67 = arith.constant 0 : i32
    %dma_start3A_68 = tpu.memref_slice %arg3[%dma_start3A_58, %dma_start3A_67] : memref<12x100000xf32, #tpu.memory_space<hbm>> -> memref<1x100000xf32, #tpu.memory_space<hbm>>
    %dma_start3A_69 = tpu.memref_squeeze %dma_start3A_68 : memref<1x100000xf32, #tpu.memory_space<hbm>> -> memref<100000xf32, #tpu.memory_space<hbm>>
    %dma_start3A_70 = arith.constant 0 : i32
    %dma_start3A_71 = tpu.memref_slice %dma_start3A_69[%dma_start3A_70] : memref<100000xf32, #tpu.memory_space<hbm>> -> memref<100000xf32, #tpu.memory_space<hbm>>
    tpu.enqueue_indirect_dma source(%dma_start3A_71 : memref<100000xf32, #tpu.memory_space<hbm>>) target(%dma_start3A_63 : memref<512xf32, #tpu.memory_space<vmem>>) offsets(%dma_start3A_66 : memref<512xi32, #tpu.memory_space<vmem>>) semaphore(%arg7 : memref<!tpu.dma_semaphore, #tpu.memory_space<semaphore_mem>>)
    %dma_start3A_72 = arith.constant 5 : i32
    %dma_start3A_73 = arith.constant 0 : i32
    %dma_start3A_74 = arith.constant 5 : i32
    %dma_start3A_75 = arith.constant 0 : i32
    %dma_start3A_76 = tpu.memref_slice %arg6[%dma_start3A_74, %dma_start3A_75] : memref<12x512xf32, #tpu.memory_space<vmem>> -> memref<1x512xf32, #tpu.memory_space<vmem>>
    %dma_start3A_77 = tpu.memref_squeeze %dma_start3A_76 : memref<1x512xf32, #tpu.memory_space<vmem>> -> memref<512xf32, #tpu.memory_space<vmem>>
    %dma_start3A_78 = arith.constant 0 : i32
    %dma_start3A_79 = tpu.memref_slice %arg5[%dma_start3A_73, %dma_start3A_78] : memref<1x512xi32, #tpu.memory_space<vmem>> -> memref<1x512xi32, #tpu.memory_space<vmem>>
    %dma_start3A_80 = tpu.memref_squeeze %dma_start3A_79 : memref<1x512xi32, #tpu.memory_space<vmem>> -> memref<512xi32, #tpu.memory_space<vmem>>
    %dma_start3A_81 = arith.constant 0 : i32
    %dma_start3A_82 = tpu.memref_slice %arg3[%dma_start3A_72, %dma_start3A_81] : memref<12x100000xf32, #tpu.memory_space<hbm>> -> memref<1x100000xf32, #tpu.memory_space<hbm>>
    %dma_start3A_83 = tpu.memref_squeeze %dma_start3A_82 : memref<1x100000xf32, #tpu.memory_space<hbm>> -> memref<100000xf32, #tpu.memory_space<hbm>>
    %dma_start3A_84 = arith.constant 0 : i32
    %dma_start3A_85 = tpu.memref_slice %dma_start3A_83[%dma_start3A_84] : memref<100000xf32, #tpu.memory_space<hbm>> -> memref<100000xf32, #tpu.memory_space<hbm>>
    tpu.enqueue_indirect_dma source(%dma_start3A_85 : memref<100000xf32, #tpu.memory_space<hbm>>) target(%dma_start3A_77 : memref<512xf32, #tpu.memory_space<vmem>>) offsets(%dma_start3A_80 : memref<512xi32, #tpu.memory_space<vmem>>) semaphore(%arg7 : memref<!tpu.dma_semaphore, #tpu.memory_space<semaphore_mem>>)
    %dma_start3A_86 = arith.constant 6 : i32
    %dma_start3A_87 = arith.constant 0 : i32
    %dma_start3A_88 = arith.constant 6 : i32
    %dma_start3A_89 = arith.constant 0 : i32
    %dma_start3A_90 = tpu.memref_slice %arg6[%dma_start3A_88, %dma_start3A_89] : memref<12x512xf32, #tpu.memory_space<vmem>> -> memref<1x512xf32, #tpu.memory_space<vmem>>
    %dma_start3A_91 = tpu.memref_squeeze %dma_start3A_90 : memref<1x512xf32, #tpu.memory_space<vmem>> -> memref<512xf32, #tpu.memory_space<vmem>>
    %dma_start3A_92 = arith.constant 0 : i32
    %dma_start3A_93 = tpu.memref_slice %arg5[%dma_start3A_87, %dma_start3A_92] : memref<1x512xi32, #tpu.memory_space<vmem>> -> memref<1x512xi32, #tpu.memory_space<vmem>>
    %dma_start3A_94 = tpu.memref_squeeze %dma_start3A_93 : memref<1x512xi32, #tpu.memory_space<vmem>> -> memref<512xi32, #tpu.memory_space<vmem>>
    %dma_start3A_95 = arith.constant 0 : i32
    %dma_start3A_96 = tpu.memref_slice %arg3[%dma_start3A_86, %dma_start3A_95] : memref<12x100000xf32, #tpu.memory_space<hbm>> -> memref<1x100000xf32, #tpu.memory_space<hbm>>
    %dma_start3A_97 = tpu.memref_squeeze %dma_start3A_96 : memref<1x100000xf32, #tpu.memory_space<hbm>> -> memref<100000xf32, #tpu.memory_space<hbm>>
    %dma_start3A_98 = arith.constant 0 : i32
    %dma_start3A_99 = tpu.memref_slice %dma_start3A_97[%dma_start3A_98] : memref<100000xf32, #tpu.memory_space<hbm>> -> memref<100000xf32, #tpu.memory_space<hbm>>
    tpu.enqueue_indirect_dma source(%dma_start3A_99 : memref<100000xf32, #tpu.memory_space<hbm>>) target(%dma_start3A_91 : memref<512xf32, #tpu.memory_space<vmem>>) offsets(%dma_start3A_94 : memref<512xi32, #tpu.memory_space<vmem>>) semaphore(%arg7 : memref<!tpu.dma_semaphore, #tpu.memory_space<semaphore_mem>>)
    %dma_start3A_100 = arith.constant 7 : i32
    %dma_start3A_101 = arith.constant 0 : i32
    %dma_start3A_102 = arith.constant 7 : i32
    %dma_start3A_103 = arith.constant 0 : i32
    %dma_start3A_104 = tpu.memref_slice %arg6[%dma_start3A_102, %dma_start3A_103] : memref<12x512xf32, #tpu.memory_space<vmem>> -> memref<1x512xf32, #tpu.memory_space<vmem>>
    %dma_start3A_105 = tpu.memref_squeeze %dma_start3A_104 : memref<1x512xf32, #tpu.memory_space<vmem>> -> memref<512xf32, #tpu.memory_space<vmem>>
    %dma_start3A_106 = arith.constant 0 : i32
    %dma_start3A_107 = tpu.memref_slice %arg5[%dma_start3A_101, %dma_start3A_106] : memref<1x512xi32, #tpu.memory_space<vmem>> -> memref<1x512xi32, #tpu.memory_space<vmem>>
    %dma_start3A_108 = tpu.memref_squeeze %dma_start3A_107 : memref<1x512xi32, #tpu.memory_space<vmem>> -> memref<512xi32, #tpu.memory_space<vmem>>
    %dma_start3A_109 = arith.constant 0 : i32
    %dma_start3A_110 = tpu.memref_slice %arg3[%dma_start3A_100, %dma_start3A_109] : memref<12x100000xf32, #tpu.memory_space<hbm>> -> memref<1x100000xf32, #tpu.memory_space<hbm>>
    %dma_start3A_111 = tpu.memref_squeeze %dma_start3A_110 : memref<1x100000xf32, #tpu.memory_space<hbm>> -> memref<100000xf32, #tpu.memory_space<hbm>>
    %dma_start3A_112 = arith.constant 0 : i32
    %dma_start3A_113 = tpu.memref_slice %dma_start3A_111[%dma_start3A_112] : memref<100000xf32, #tpu.memory_space<hbm>> -> memref<100000xf32, #tpu.memory_space<hbm>>
    tpu.enqueue_indirect_dma source(%dma_start3A_113 : memref<100000xf32, #tpu.memory_space<hbm>>) target(%dma_start3A_105 : memref<512xf32, #tpu.memory_space<vmem>>) offsets(%dma_start3A_108 : memref<512xi32, #tpu.memory_space<vmem>>) semaphore(%arg7 : memref<!tpu.dma_semaphore, #tpu.memory_space<semaphore_mem>>)
    %dma_start3A_114 = arith.constant 8 : i32
    %dma_start3A_115 = arith.constant 0 : i32
    %dma_start3A_116 = arith.constant 8 : i32
    %dma_start3A_117 = arith.constant 0 : i32
    %dma_start3A_118 = tpu.memref_slice %arg6[%dma_start3A_116, %dma_start3A_117] : memref<12x512xf32, #tpu.memory_space<vmem>> -> memref<1x512xf32, #tpu.memory_space<vmem>>
    %dma_start3A_119 = tpu.memref_squeeze %dma_start3A_118 : memref<1x512xf32, #tpu.memory_space<vmem>> -> memref<512xf32, #tpu.memory_space<vmem>>
    %dma_start3A_120 = arith.constant 0 : i32
    %dma_start3A_121 = tpu.memref_slice %arg5[%dma_start3A_115, %dma_start3A_120] : memref<1x512xi32, #tpu.memory_space<vmem>> -> memref<1x512xi32, #tpu.memory_space<vmem>>
    %dma_start3A_122 = tpu.memref_squeeze %dma_start3A_121 : memref<1x512xi32, #tpu.memory_space<vmem>> -> memref<512xi32, #tpu.memory_space<vmem>>
    %dma_start3A_123 = arith.constant 0 : i32
    %dma_start3A_124 = tpu.memref_slice %arg3[%dma_start3A_114, %dma_start3A_123] : memref<12x100000xf32, #tpu.memory_space<hbm>> -> memref<1x100000xf32, #tpu.memory_space<hbm>>
    %dma_start3A_125 = tpu.memref_squeeze %dma_start3A_124 : memref<1x100000xf32, #tpu.memory_space<hbm>> -> memref<100000xf32, #tpu.memory_space<hbm>>
    %dma_start3A_126 = arith.constant 0 : i32
    %dma_start3A_127 = tpu.memref_slice %dma_start3A_125[%dma_start3A_126] : memref<100000xf32, #tpu.memory_space<hbm>> -> memref<100000xf32, #tpu.memory_space<hbm>>
    tpu.enqueue_indirect_dma source(%dma_start3A_127 : memref<100000xf32, #tpu.memory_space<hbm>>) target(%dma_start3A_119 : memref<512xf32, #tpu.memory_space<vmem>>) offsets(%dma_start3A_122 : memref<512xi32, #tpu.memory_space<vmem>>) semaphore(%arg7 : memref<!tpu.dma_semaphore, #tpu.memory_space<semaphore_mem>>)
    %dma_start3A_128 = arith.constant 9 : i32
    %dma_start3A_129 = arith.constant 0 : i32
    %dma_start3A_130 = arith.constant 9 : i32
    %dma_start3A_131 = arith.constant 0 : i32
    %dma_start3A_132 = tpu.memref_slice %arg6[%dma_start3A_130, %dma_start3A_131] : memref<12x512xf32, #tpu.memory_space<vmem>> -> memref<1x512xf32, #tpu.memory_space<vmem>>
    %dma_start3A_133 = tpu.memref_squeeze %dma_start3A_132 : memref<1x512xf32, #tpu.memory_space<vmem>> -> memref<512xf32, #tpu.memory_space<vmem>>
    %dma_start3A_134 = arith.constant 0 : i32
    %dma_start3A_135 = tpu.memref_slice %arg5[%dma_start3A_129, %dma_start3A_134] : memref<1x512xi32, #tpu.memory_space<vmem>> -> memref<1x512xi32, #tpu.memory_space<vmem>>
    %dma_start3A_136 = tpu.memref_squeeze %dma_start3A_135 : memref<1x512xi32, #tpu.memory_space<vmem>> -> memref<512xi32, #tpu.memory_space<vmem>>
    %dma_start3A_137 = arith.constant 0 : i32
    %dma_start3A_138 = tpu.memref_slice %arg3[%dma_start3A_128, %dma_start3A_137] : memref<12x100000xf32, #tpu.memory_space<hbm>> -> memref<1x100000xf32, #tpu.memory_space<hbm>>
    %dma_start3A_139 = tpu.memref_squeeze %dma_start3A_138 : memref<1x100000xf32, #tpu.memory_space<hbm>> -> memref<100000xf32, #tpu.memory_space<hbm>>
    %dma_start3A_140 = arith.constant 0 : i32
    %dma_start3A_141 = tpu.memref_slice %dma_start3A_139[%dma_start3A_140] : memref<100000xf32, #tpu.memory_space<hbm>> -> memref<100000xf32, #tpu.memory_space<hbm>>
    tpu.enqueue_indirect_dma source(%dma_start3A_141 : memref<100000xf32, #tpu.memory_space<hbm>>) target(%dma_start3A_133 : memref<512xf32, #tpu.memory_space<vmem>>) offsets(%dma_start3A_136 : memref<512xi32, #tpu.memory_space<vmem>>) semaphore(%arg7 : memref<!tpu.dma_semaphore, #tpu.memory_space<semaphore_mem>>)
    %dma_start3A_142 = arith.constant 10 : i32
    %dma_start3A_143 = arith.constant 0 : i32
    %dma_start3A_144 = arith.constant 10 : i32
    %dma_start3A_145 = arith.constant 0 : i32
    %dma_start3A_146 = tpu.memref_slice %arg6[%dma_start3A_144, %dma_start3A_145] : memref<12x512xf32, #tpu.memory_space<vmem>> -> memref<1x512xf32, #tpu.memory_space<vmem>>
    %dma_start3A_147 = tpu.memref_squeeze %dma_start3A_146 : memref<1x512xf32, #tpu.memory_space<vmem>> -> memref<512xf32, #tpu.memory_space<vmem>>
    %dma_start3A_148 = arith.constant 0 : i32
    %dma_start3A_149 = tpu.memref_slice %arg5[%dma_start3A_143, %dma_start3A_148] : memref<1x512xi32, #tpu.memory_space<vmem>> -> memref<1x512xi32, #tpu.memory_space<vmem>>
    %dma_start3A_150 = tpu.memref_squeeze %dma_start3A_149 : memref<1x512xi32, #tpu.memory_space<vmem>> -> memref<512xi32, #tpu.memory_space<vmem>>
    %dma_start3A_151 = arith.constant 0 : i32
    %dma_start3A_152 = tpu.memref_slice %arg3[%dma_start3A_142, %dma_start3A_151] : memref<12x100000xf32, #tpu.memory_space<hbm>> -> memref<1x100000xf32, #tpu.memory_space<hbm>>
    %dma_start3A_153 = tpu.memref_squeeze %dma_start3A_152 : memref<1x100000xf32, #tpu.memory_space<hbm>> -> memref<100000xf32, #tpu.memory_space<hbm>>
    %dma_start3A_154 = arith.constant 0 : i32
    %dma_start3A_155 = tpu.memref_slice %dma_start3A_153[%dma_start3A_154] : memref<100000xf32, #tpu.memory_space<hbm>> -> memref<100000xf32, #tpu.memory_space<hbm>>
    tpu.enqueue_indirect_dma source(%dma_start3A_155 : memref<100000xf32, #tpu.memory_space<hbm>>) target(%dma_start3A_147 : memref<512xf32, #tpu.memory_space<vmem>>) offsets(%dma_start3A_150 : memref<512xi32, #tpu.memory_space<vmem>>) semaphore(%arg7 : memref<!tpu.dma_semaphore, #tpu.memory_space<semaphore_mem>>)
    %dma_start3A_156 = arith.constant 11 : i32
    %dma_start3A_157 = arith.constant 0 : i32
    %dma_start3A_158 = arith.constant 11 : i32
    %dma_start3A_159 = arith.constant 0 : i32
    %dma_start3A_160 = tpu.memref_slice %arg6[%dma_start3A_158, %dma_start3A_159] : memref<12x512xf32, #tpu.memory_space<vmem>> -> memref<1x512xf32, #tpu.memory_space<vmem>>
    %dma_start3A_161 = tpu.memref_squeeze %dma_start3A_160 : memref<1x512xf32, #tpu.memory_space<vmem>> -> memref<512xf32, #tpu.memory_space<vmem>>
    %dma_start3A_162 = arith.constant 0 : i32
    %dma_start3A_163 = tpu.memref_slice %arg5[%dma_start3A_157, %dma_start3A_162] : memref<1x512xi32, #tpu.memory_space<vmem>> -> memref<1x512xi32, #tpu.memory_space<vmem>>
    %dma_start3A_164 = tpu.memref_squeeze %dma_start3A_163 : memref<1x512xi32, #tpu.memory_space<vmem>> -> memref<512xi32, #tpu.memory_space<vmem>>
    %dma_start3A_165 = arith.constant 0 : i32
    %dma_start3A_166 = tpu.memref_slice %arg3[%dma_start3A_156, %dma_start3A_165] : memref<12x100000xf32, #tpu.memory_space<hbm>> -> memref<1x100000xf32, #tpu.memory_space<hbm>>
    %dma_start3A_167 = tpu.memref_squeeze %dma_start3A_166 : memref<1x100000xf32, #tpu.memory_space<hbm>> -> memref<100000xf32, #tpu.memory_space<hbm>>
    %dma_start3A_168 = arith.constant 0 : i32
    %dma_start3A_169 = tpu.memref_slice %dma_start3A_167[%dma_start3A_168] : memref<100000xf32, #tpu.memory_space<hbm>> -> memref<100000xf32, #tpu.memory_space<hbm>>
    tpu.enqueue_indirect_dma source(%dma_start3A_169 : memref<100000xf32, #tpu.memory_space<hbm>>) target(%dma_start3A_161 : memref<512xf32, #tpu.memory_space<vmem>>) offsets(%dma_start3A_164 : memref<512xi32, #tpu.memory_space<vmem>>) semaphore(%arg7 : memref<!tpu.dma_semaphore, #tpu.memory_space<semaphore_mem>>)
    %dma_wait3A = arith.constant 0 : i32
    %dma_wait3A_170 = arith.constant 0 : i32
    %dma_wait3A_171 = arith.constant 0 : i32
    %dma_wait3A_172 = arith.constant 0 : i32
    %dma_wait3A_173 = tpu.memref_slice %arg6[%dma_wait3A_171, %dma_wait3A_172] : memref<12x512xf32, #tpu.memory_space<vmem>> -> memref<1x512xf32, #tpu.memory_space<vmem>>
    %dma_wait3A_174 = tpu.memref_squeeze %dma_wait3A_173 : memref<1x512xf32, #tpu.memory_space<vmem>> -> memref<512xf32, #tpu.memory_space<vmem>>
    %dma_wait3A_175 = arith.constant 0 : i32
    %dma_wait3A_176 = tpu.memref_slice %arg5[%dma_wait3A_170, %dma_wait3A_175] : memref<1x512xi32, #tpu.memory_space<vmem>> -> memref<1x512xi32, #tpu.memory_space<vmem>>
    %dma_wait3A_177 = tpu.memref_squeeze %dma_wait3A_176 : memref<1x512xi32, #tpu.memory_space<vmem>> -> memref<512xi32, #tpu.memory_space<vmem>>
    %dma_wait3A_178 = arith.constant 0 : i32
    %dma_wait3A_179 = tpu.memref_slice %arg3[%dma_wait3A, %dma_wait3A_178] : memref<12x100000xf32, #tpu.memory_space<hbm>> -> memref<1x100000xf32, #tpu.memory_space<hbm>>
    %dma_wait3A_180 = tpu.memref_squeeze %dma_wait3A_179 : memref<1x100000xf32, #tpu.memory_space<hbm>> -> memref<100000xf32, #tpu.memory_space<hbm>>
    %dma_wait3A_181 = arith.constant 0 : i32
    %dma_wait3A_182 = tpu.memref_slice %dma_wait3A_180[%dma_wait3A_181] : memref<100000xf32, #tpu.memory_space<hbm>> -> memref<100000xf32, #tpu.memory_space<hbm>>
    tpu.wait_indirect_dma semaphore(%arg7 : memref<!tpu.dma_semaphore, #tpu.memory_space<semaphore_mem>>) src(%dma_wait3A_182 : memref<100000xf32, #tpu.memory_space<hbm>>) dst(%dma_wait3A_174 : memref<512xf32, #tpu.memory_space<vmem>>)
    %dma_wait3A_183 = arith.constant 1 : i32
    %dma_wait3A_184 = arith.constant 0 : i32
    %dma_wait3A_185 = arith.constant 1 : i32
    %dma_wait3A_186 = arith.constant 0 : i32
    %dma_wait3A_187 = tpu.memref_slice %arg6[%dma_wait3A_185, %dma_wait3A_186] : memref<12x512xf32, #tpu.memory_space<vmem>> -> memref<1x512xf32, #tpu.memory_space<vmem>>
    %dma_wait3A_188 = tpu.memref_squeeze %dma_wait3A_187 : memref<1x512xf32, #tpu.memory_space<vmem>> -> memref<512xf32, #tpu.memory_space<vmem>>
    %dma_wait3A_189 = arith.constant 0 : i32
    %dma_wait3A_190 = tpu.memref_slice %arg5[%dma_wait3A_184, %dma_wait3A_189] : memref<1x512xi32, #tpu.memory_space<vmem>> -> memref<1x512xi32, #tpu.memory_space<vmem>>
    %dma_wait3A_191 = tpu.memref_squeeze %dma_wait3A_190 : memref<1x512xi32, #tpu.memory_space<vmem>> -> memref<512xi32, #tpu.memory_space<vmem>>
    %dma_wait3A_192 = arith.constant 0 : i32
    %dma_wait3A_193 = tpu.memref_slice %arg3[%dma_wait3A_183, %dma_wait3A_192] : memref<12x100000xf32, #tpu.memory_space<hbm>> -> memref<1x100000xf32, #tpu.memory_space<hbm>>
    %dma_wait3A_194 = tpu.memref_squeeze %dma_wait3A_193 : memref<1x100000xf32, #tpu.memory_space<hbm>> -> memref<100000xf32, #tpu.memory_space<hbm>>
    %dma_wait3A_195 = arith.constant 0 : i32
    %dma_wait3A_196 = tpu.memref_slice %dma_wait3A_194[%dma_wait3A_195] : memref<100000xf32, #tpu.memory_space<hbm>> -> memref<100000xf32, #tpu.memory_space<hbm>>
    tpu.wait_indirect_dma semaphore(%arg7 : memref<!tpu.dma_semaphore, #tpu.memory_space<semaphore_mem>>) src(%dma_wait3A_196 : memref<100000xf32, #tpu.memory_space<hbm>>) dst(%dma_wait3A_188 : memref<512xf32, #tpu.memory_space<vmem>>)
    %dma_wait3A_197 = arith.constant 2 : i32
    %dma_wait3A_198 = arith.constant 0 : i32
    %dma_wait3A_199 = arith.constant 2 : i32
    %dma_wait3A_200 = arith.constant 0 : i32
    %dma_wait3A_201 = tpu.memref_slice %arg6[%dma_wait3A_199, %dma_wait3A_200] : memref<12x512xf32, #tpu.memory_space<vmem>> -> memref<1x512xf32, #tpu.memory_space<vmem>>
    %dma_wait3A_202 = tpu.memref_squeeze %dma_wait3A_201 : memref<1x512xf32, #tpu.memory_space<vmem>> -> memref<512xf32, #tpu.memory_space<vmem>>
    %dma_wait3A_203 = arith.constant 0 : i32
    %dma_wait3A_204 = tpu.memref_slice %arg5[%dma_wait3A_198, %dma_wait3A_203] : memref<1x512xi32, #tpu.memory_space<vmem>> -> memref<1x512xi32, #tpu.memory_space<vmem>>
    %dma_wait3A_205 = tpu.memref_squeeze %dma_wait3A_204 : memref<1x512xi32, #tpu.memory_space<vmem>> -> memref<512xi32, #tpu.memory_space<vmem>>
    %dma_wait3A_206 = arith.constant 0 : i32
    %dma_wait3A_207 = tpu.memref_slice %arg3[%dma_wait3A_197, %dma_wait3A_206] : memref<12x100000xf32, #tpu.memory_space<hbm>> -> memref<1x100000xf32, #tpu.memory_space<hbm>>
    %dma_wait3A_208 = tpu.memref_squeeze %dma_wait3A_207 : memref<1x100000xf32, #tpu.memory_space<hbm>> -> memref<100000xf32, #tpu.memory_space<hbm>>
    %dma_wait3A_209 = arith.constant 0 : i32
    %dma_wait3A_210 = tpu.memref_slice %dma_wait3A_208[%dma_wait3A_209] : memref<100000xf32, #tpu.memory_space<hbm>> -> memref<100000xf32, #tpu.memory_space<hbm>>
    tpu.wait_indirect_dma semaphore(%arg7 : memref<!tpu.dma_semaphore, #tpu.memory_space<semaphore_mem>>) src(%dma_wait3A_210 : memref<100000xf32, #tpu.memory_space<hbm>>) dst(%dma_wait3A_202 : memref<512xf32, #tpu.memory_space<vmem>>)
    %dma_wait3A_211 = arith.constant 3 : i32
    %dma_wait3A_212 = arith.constant 0 : i32
    %dma_wait3A_213 = arith.constant 3 : i32
    %dma_wait3A_214 = arith.constant 0 : i32
    %dma_wait3A_215 = tpu.memref_slice %arg6[%dma_wait3A_213, %dma_wait3A_214] : memref<12x512xf32, #tpu.memory_space<vmem>> -> memref<1x512xf32, #tpu.memory_space<vmem>>
    %dma_wait3A_216 = tpu.memref_squeeze %dma_wait3A_215 : memref<1x512xf32, #tpu.memory_space<vmem>> -> memref<512xf32, #tpu.memory_space<vmem>>
    %dma_wait3A_217 = arith.constant 0 : i32
    %dma_wait3A_218 = tpu.memref_slice %arg5[%dma_wait3A_212, %dma_wait3A_217] : memref<1x512xi32, #tpu.memory_space<vmem>> -> memref<1x512xi32, #tpu.memory_space<vmem>>
    %dma_wait3A_219 = tpu.memref_squeeze %dma_wait3A_218 : memref<1x512xi32, #tpu.memory_space<vmem>> -> memref<512xi32, #tpu.memory_space<vmem>>
    %dma_wait3A_220 = arith.constant 0 : i32
    %dma_wait3A_221 = tpu.memref_slice %arg3[%dma_wait3A_211, %dma_wait3A_220] : memref<12x100000xf32, #tpu.memory_space<hbm>> -> memref<1x100000xf32, #tpu.memory_space<hbm>>
    %dma_wait3A_222 = tpu.memref_squeeze %dma_wait3A_221 : memref<1x100000xf32, #tpu.memory_space<hbm>> -> memref<100000xf32, #tpu.memory_space<hbm>>
    %dma_wait3A_223 = arith.constant 0 : i32
    %dma_wait3A_224 = tpu.memref_slice %dma_wait3A_222[%dma_wait3A_223] : memref<100000xf32, #tpu.memory_space<hbm>> -> memref<100000xf32, #tpu.memory_space<hbm>>
    tpu.wait_indirect_dma semaphore(%arg7 : memref<!tpu.dma_semaphore, #tpu.memory_space<semaphore_mem>>) src(%dma_wait3A_224 : memref<100000xf32, #tpu.memory_space<hbm>>) dst(%dma_wait3A_216 : memref<512xf32, #tpu.memory_space<vmem>>)
    %dma_wait3A_225 = arith.constant 4 : i32
    %dma_wait3A_226 = arith.constant 0 : i32
    %dma_wait3A_227 = arith.constant 4 : i32
    %dma_wait3A_228 = arith.constant 0 : i32
    %dma_wait3A_229 = tpu.memref_slice %arg6[%dma_wait3A_227, %dma_wait3A_228] : memref<12x512xf32, #tpu.memory_space<vmem>> -> memref<1x512xf32, #tpu.memory_space<vmem>>
    %dma_wait3A_230 = tpu.memref_squeeze %dma_wait3A_229 : memref<1x512xf32, #tpu.memory_space<vmem>> -> memref<512xf32, #tpu.memory_space<vmem>>
    %dma_wait3A_231 = arith.constant 0 : i32
    %dma_wait3A_232 = tpu.memref_slice %arg5[%dma_wait3A_226, %dma_wait3A_231] : memref<1x512xi32, #tpu.memory_space<vmem>> -> memref<1x512xi32, #tpu.memory_space<vmem>>
    %dma_wait3A_233 = tpu.memref_squeeze %dma_wait3A_232 : memref<1x512xi32, #tpu.memory_space<vmem>> -> memref<512xi32, #tpu.memory_space<vmem>>
    %dma_wait3A_234 = arith.constant 0 : i32
    %dma_wait3A_235 = tpu.memref_slice %arg3[%dma_wait3A_225, %dma_wait3A_234] : memref<12x100000xf32, #tpu.memory_space<hbm>> -> memref<1x100000xf32, #tpu.memory_space<hbm>>
    %dma_wait3A_236 = tpu.memref_squeeze %dma_wait3A_235 : memref<1x100000xf32, #tpu.memory_space<hbm>> -> memref<100000xf32, #tpu.memory_space<hbm>>
    %dma_wait3A_237 = arith.constant 0 : i32
    %dma_wait3A_238 = tpu.memref_slice %dma_wait3A_236[%dma_wait3A_237] : memref<100000xf32, #tpu.memory_space<hbm>> -> memref<100000xf32, #tpu.memory_space<hbm>>
    tpu.wait_indirect_dma semaphore(%arg7 : memref<!tpu.dma_semaphore, #tpu.memory_space<semaphore_mem>>) src(%dma_wait3A_238 : memref<100000xf32, #tpu.memory_space<hbm>>) dst(%dma_wait3A_230 : memref<512xf32, #tpu.memory_space<vmem>>)
    %dma_wait3A_239 = arith.constant 5 : i32
    %dma_wait3A_240 = arith.constant 0 : i32
    %dma_wait3A_241 = arith.constant 5 : i32
    %dma_wait3A_242 = arith.constant 0 : i32
    %dma_wait3A_243 = tpu.memref_slice %arg6[%dma_wait3A_241, %dma_wait3A_242] : memref<12x512xf32, #tpu.memory_space<vmem>> -> memref<1x512xf32, #tpu.memory_space<vmem>>
    %dma_wait3A_244 = tpu.memref_squeeze %dma_wait3A_243 : memref<1x512xf32, #tpu.memory_space<vmem>> -> memref<512xf32, #tpu.memory_space<vmem>>
    %dma_wait3A_245 = arith.constant 0 : i32
    %dma_wait3A_246 = tpu.memref_slice %arg5[%dma_wait3A_240, %dma_wait3A_245] : memref<1x512xi32, #tpu.memory_space<vmem>> -> memref<1x512xi32, #tpu.memory_space<vmem>>
    %dma_wait3A_247 = tpu.memref_squeeze %dma_wait3A_246 : memref<1x512xi32, #tpu.memory_space<vmem>> -> memref<512xi32, #tpu.memory_space<vmem>>
    %dma_wait3A_248 = arith.constant 0 : i32
    %dma_wait3A_249 = tpu.memref_slice %arg3[%dma_wait3A_239, %dma_wait3A_248] : memref<12x100000xf32, #tpu.memory_space<hbm>> -> memref<1x100000xf32, #tpu.memory_space<hbm>>
    %dma_wait3A_250 = tpu.memref_squeeze %dma_wait3A_249 : memref<1x100000xf32, #tpu.memory_space<hbm>> -> memref<100000xf32, #tpu.memory_space<hbm>>
    %dma_wait3A_251 = arith.constant 0 : i32
    %dma_wait3A_252 = tpu.memref_slice %dma_wait3A_250[%dma_wait3A_251] : memref<100000xf32, #tpu.memory_space<hbm>> -> memref<100000xf32, #tpu.memory_space<hbm>>
    tpu.wait_indirect_dma semaphore(%arg7 : memref<!tpu.dma_semaphore, #tpu.memory_space<semaphore_mem>>) src(%dma_wait3A_252 : memref<100000xf32, #tpu.memory_space<hbm>>) dst(%dma_wait3A_244 : memref<512xf32, #tpu.memory_space<vmem>>)
    %dma_wait3A_253 = arith.constant 6 : i32
    %dma_wait3A_254 = arith.constant 0 : i32
    %dma_wait3A_255 = arith.constant 6 : i32
    %dma_wait3A_256 = arith.constant 0 : i32
    %dma_wait3A_257 = tpu.memref_slice %arg6[%dma_wait3A_255, %dma_wait3A_256] : memref<12x512xf32, #tpu.memory_space<vmem>> -> memref<1x512xf32, #tpu.memory_space<vmem>>
    %dma_wait3A_258 = tpu.memref_squeeze %dma_wait3A_257 : memref<1x512xf32, #tpu.memory_space<vmem>> -> memref<512xf32, #tpu.memory_space<vmem>>
    %dma_wait3A_259 = arith.constant 0 : i32
    %dma_wait3A_260 = tpu.memref_slice %arg5[%dma_wait3A_254, %dma_wait3A_259] : memref<1x512xi32, #tpu.memory_space<vmem>> -> memref<1x512xi32, #tpu.memory_space<vmem>>
    %dma_wait3A_261 = tpu.memref_squeeze %dma_wait3A_260 : memref<1x512xi32, #tpu.memory_space<vmem>> -> memref<512xi32, #tpu.memory_space<vmem>>
    %dma_wait3A_262 = arith.constant 0 : i32
    %dma_wait3A_263 = tpu.memref_slice %arg3[%dma_wait3A_253, %dma_wait3A_262] : memref<12x100000xf32, #tpu.memory_space<hbm>> -> memref<1x100000xf32, #tpu.memory_space<hbm>>
    %dma_wait3A_264 = tpu.memref_squeeze %dma_wait3A_263 : memref<1x100000xf32, #tpu.memory_space<hbm>> -> memref<100000xf32, #tpu.memory_space<hbm>>
    %dma_wait3A_265 = arith.constant 0 : i32
    %dma_wait3A_266 = tpu.memref_slice %dma_wait3A_264[%dma_wait3A_265] : memref<100000xf32, #tpu.memory_space<hbm>> -> memref<100000xf32, #tpu.memory_space<hbm>>
    tpu.wait_indirect_dma semaphore(%arg7 : memref<!tpu.dma_semaphore, #tpu.memory_space<semaphore_mem>>) src(%dma_wait3A_266 : memref<100000xf32, #tpu.memory_space<hbm>>) dst(%dma_wait3A_258 : memref<512xf32, #tpu.memory_space<vmem>>)
    %dma_wait3A_267 = arith.constant 7 : i32
    %dma_wait3A_268 = arith.constant 0 : i32
    %dma_wait3A_269 = arith.constant 7 : i32
    %dma_wait3A_270 = arith.constant 0 : i32
    %dma_wait3A_271 = tpu.memref_slice %arg6[%dma_wait3A_269, %dma_wait3A_270] : memref<12x512xf32, #tpu.memory_space<vmem>> -> memref<1x512xf32, #tpu.memory_space<vmem>>
    %dma_wait3A_272 = tpu.memref_squeeze %dma_wait3A_271 : memref<1x512xf32, #tpu.memory_space<vmem>> -> memref<512xf32, #tpu.memory_space<vmem>>
    %dma_wait3A_273 = arith.constant 0 : i32
    %dma_wait3A_274 = tpu.memref_slice %arg5[%dma_wait3A_268, %dma_wait3A_273] : memref<1x512xi32, #tpu.memory_space<vmem>> -> memref<1x512xi32, #tpu.memory_space<vmem>>
    %dma_wait3A_275 = tpu.memref_squeeze %dma_wait3A_274 : memref<1x512xi32, #tpu.memory_space<vmem>> -> memref<512xi32, #tpu.memory_space<vmem>>
    %dma_wait3A_276 = arith.constant 0 : i32
    %dma_wait3A_277 = tpu.memref_slice %arg3[%dma_wait3A_267, %dma_wait3A_276] : memref<12x100000xf32, #tpu.memory_space<hbm>> -> memref<1x100000xf32, #tpu.memory_space<hbm>>
    %dma_wait3A_278 = tpu.memref_squeeze %dma_wait3A_277 : memref<1x100000xf32, #tpu.memory_space<hbm>> -> memref<100000xf32, #tpu.memory_space<hbm>>
    %dma_wait3A_279 = arith.constant 0 : i32
    %dma_wait3A_280 = tpu.memref_slice %dma_wait3A_278[%dma_wait3A_279] : memref<100000xf32, #tpu.memory_space<hbm>> -> memref<100000xf32, #tpu.memory_space<hbm>>
    tpu.wait_indirect_dma semaphore(%arg7 : memref<!tpu.dma_semaphore, #tpu.memory_space<semaphore_mem>>) src(%dma_wait3A_280 : memref<100000xf32, #tpu.memory_space<hbm>>) dst(%dma_wait3A_272 : memref<512xf32, #tpu.memory_space<vmem>>)
    %dma_wait3A_281 = arith.constant 8 : i32
    %dma_wait3A_282 = arith.constant 0 : i32
    %dma_wait3A_283 = arith.constant 8 : i32
    %dma_wait3A_284 = arith.constant 0 : i32
    %dma_wait3A_285 = tpu.memref_slice %arg6[%dma_wait3A_283, %dma_wait3A_284] : memref<12x512xf32, #tpu.memory_space<vmem>> -> memref<1x512xf32, #tpu.memory_space<vmem>>
    %dma_wait3A_286 = tpu.memref_squeeze %dma_wait3A_285 : memref<1x512xf32, #tpu.memory_space<vmem>> -> memref<512xf32, #tpu.memory_space<vmem>>
    %dma_wait3A_287 = arith.constant 0 : i32
    %dma_wait3A_288 = tpu.memref_slice %arg5[%dma_wait3A_282, %dma_wait3A_287] : memref<1x512xi32, #tpu.memory_space<vmem>> -> memref<1x512xi32, #tpu.memory_space<vmem>>
    %dma_wait3A_289 = tpu.memref_squeeze %dma_wait3A_288 : memref<1x512xi32, #tpu.memory_space<vmem>> -> memref<512xi32, #tpu.memory_space<vmem>>
    %dma_wait3A_290 = arith.constant 0 : i32
    %dma_wait3A_291 = tpu.memref_slice %arg3[%dma_wait3A_281, %dma_wait3A_290] : memref<12x100000xf32, #tpu.memory_space<hbm>> -> memref<1x100000xf32, #tpu.memory_space<hbm>>
    %dma_wait3A_292 = tpu.memref_squeeze %dma_wait3A_291 : memref<1x100000xf32, #tpu.memory_space<hbm>> -> memref<100000xf32, #tpu.memory_space<hbm>>
    %dma_wait3A_293 = arith.constant 0 : i32
    %dma_wait3A_294 = tpu.memref_slice %dma_wait3A_292[%dma_wait3A_293] : memref<100000xf32, #tpu.memory_space<hbm>> -> memref<100000xf32, #tpu.memory_space<hbm>>
    tpu.wait_indirect_dma semaphore(%arg7 : memref<!tpu.dma_semaphore, #tpu.memory_space<semaphore_mem>>) src(%dma_wait3A_294 : memref<100000xf32, #tpu.memory_space<hbm>>) dst(%dma_wait3A_286 : memref<512xf32, #tpu.memory_space<vmem>>)
    %dma_wait3A_295 = arith.constant 9 : i32
    %dma_wait3A_296 = arith.constant 0 : i32
    %dma_wait3A_297 = arith.constant 9 : i32
    %dma_wait3A_298 = arith.constant 0 : i32
    %dma_wait3A_299 = tpu.memref_slice %arg6[%dma_wait3A_297, %dma_wait3A_298] : memref<12x512xf32, #tpu.memory_space<vmem>> -> memref<1x512xf32, #tpu.memory_space<vmem>>
    %dma_wait3A_300 = tpu.memref_squeeze %dma_wait3A_299 : memref<1x512xf32, #tpu.memory_space<vmem>> -> memref<512xf32, #tpu.memory_space<vmem>>
    %dma_wait3A_301 = arith.constant 0 : i32
    %dma_wait3A_302 = tpu.memref_slice %arg5[%dma_wait3A_296, %dma_wait3A_301] : memref<1x512xi32, #tpu.memory_space<vmem>> -> memref<1x512xi32, #tpu.memory_space<vmem>>
    %dma_wait3A_303 = tpu.memref_squeeze %dma_wait3A_302 : memref<1x512xi32, #tpu.memory_space<vmem>> -> memref<512xi32, #tpu.memory_space<vmem>>
    %dma_wait3A_304 = arith.constant 0 : i32
    %dma_wait3A_305 = tpu.memref_slice %arg3[%dma_wait3A_295, %dma_wait3A_304] : memref<12x100000xf32, #tpu.memory_space<hbm>> -> memref<1x100000xf32, #tpu.memory_space<hbm>>
    %dma_wait3A_306 = tpu.memref_squeeze %dma_wait3A_305 : memref<1x100000xf32, #tpu.memory_space<hbm>> -> memref<100000xf32, #tpu.memory_space<hbm>>
    %dma_wait3A_307 = arith.constant 0 : i32
    %dma_wait3A_308 = tpu.memref_slice %dma_wait3A_306[%dma_wait3A_307] : memref<100000xf32, #tpu.memory_space<hbm>> -> memref<100000xf32, #tpu.memory_space<hbm>>
    tpu.wait_indirect_dma semaphore(%arg7 : memref<!tpu.dma_semaphore, #tpu.memory_space<semaphore_mem>>) src(%dma_wait3A_308 : memref<100000xf32, #tpu.memory_space<hbm>>) dst(%dma_wait3A_300 : memref<512xf32, #tpu.memory_space<vmem>>)
    %dma_wait3A_309 = arith.constant 10 : i32
    %dma_wait3A_310 = arith.constant 0 : i32
    %dma_wait3A_311 = arith.constant 10 : i32
    %dma_wait3A_312 = arith.constant 0 : i32
    %dma_wait3A_313 = tpu.memref_slice %arg6[%dma_wait3A_311, %dma_wait3A_312] : memref<12x512xf32, #tpu.memory_space<vmem>> -> memref<1x512xf32, #tpu.memory_space<vmem>>
    %dma_wait3A_314 = tpu.memref_squeeze %dma_wait3A_313 : memref<1x512xf32, #tpu.memory_space<vmem>> -> memref<512xf32, #tpu.memory_space<vmem>>
    %dma_wait3A_315 = arith.constant 0 : i32
    %dma_wait3A_316 = tpu.memref_slice %arg5[%dma_wait3A_310, %dma_wait3A_315] : memref<1x512xi32, #tpu.memory_space<vmem>> -> memref<1x512xi32, #tpu.memory_space<vmem>>
    %dma_wait3A_317 = tpu.memref_squeeze %dma_wait3A_316 : memref<1x512xi32, #tpu.memory_space<vmem>> -> memref<512xi32, #tpu.memory_space<vmem>>
    %dma_wait3A_318 = arith.constant 0 : i32
    %dma_wait3A_319 = tpu.memref_slice %arg3[%dma_wait3A_309, %dma_wait3A_318] : memref<12x100000xf32, #tpu.memory_space<hbm>> -> memref<1x100000xf32, #tpu.memory_space<hbm>>
    %dma_wait3A_320 = tpu.memref_squeeze %dma_wait3A_319 : memref<1x100000xf32, #tpu.memory_space<hbm>> -> memref<100000xf32, #tpu.memory_space<hbm>>
    %dma_wait3A_321 = arith.constant 0 : i32
    %dma_wait3A_322 = tpu.memref_slice %dma_wait3A_320[%dma_wait3A_321] : memref<100000xf32, #tpu.memory_space<hbm>> -> memref<100000xf32, #tpu.memory_space<hbm>>
    tpu.wait_indirect_dma semaphore(%arg7 : memref<!tpu.dma_semaphore, #tpu.memory_space<semaphore_mem>>) src(%dma_wait3A_322 : memref<100000xf32, #tpu.memory_space<hbm>>) dst(%dma_wait3A_314 : memref<512xf32, #tpu.memory_space<vmem>>)
    %dma_wait3A_323 = arith.constant 11 : i32
    %dma_wait3A_324 = arith.constant 0 : i32
    %dma_wait3A_325 = arith.constant 11 : i32
    %dma_wait3A_326 = arith.constant 0 : i32
    %dma_wait3A_327 = tpu.memref_slice %arg6[%dma_wait3A_325, %dma_wait3A_326] : memref<12x512xf32, #tpu.memory_space<vmem>> -> memref<1x512xf32, #tpu.memory_space<vmem>>
    %dma_wait3A_328 = tpu.memref_squeeze %dma_wait3A_327 : memref<1x512xf32, #tpu.memory_space<vmem>> -> memref<512xf32, #tpu.memory_space<vmem>>
    %dma_wait3A_329 = arith.constant 0 : i32
    %dma_wait3A_330 = tpu.memref_slice %arg5[%dma_wait3A_324, %dma_wait3A_329] : memref<1x512xi32, #tpu.memory_space<vmem>> -> memref<1x512xi32, #tpu.memory_space<vmem>>
    %dma_wait3A_331 = tpu.memref_squeeze %dma_wait3A_330 : memref<1x512xi32, #tpu.memory_space<vmem>> -> memref<512xi32, #tpu.memory_space<vmem>>
    %dma_wait3A_332 = arith.constant 0 : i32
    %dma_wait3A_333 = tpu.memref_slice %arg3[%dma_wait3A_323, %dma_wait3A_332] : memref<12x100000xf32, #tpu.memory_space<hbm>> -> memref<1x100000xf32, #tpu.memory_space<hbm>>
    %dma_wait3A_334 = tpu.memref_squeeze %dma_wait3A_333 : memref<1x100000xf32, #tpu.memory_space<hbm>> -> memref<100000xf32, #tpu.memory_space<hbm>>
    %dma_wait3A_335 = arith.constant 0 : i32
    %dma_wait3A_336 = tpu.memref_slice %dma_wait3A_334[%dma_wait3A_335] : memref<100000xf32, #tpu.memory_space<hbm>> -> memref<100000xf32, #tpu.memory_space<hbm>>
    tpu.wait_indirect_dma semaphore(%arg7 : memref<!tpu.dma_semaphore, #tpu.memory_space<semaphore_mem>>) src(%dma_wait3A_336 : memref<100000xf32, #tpu.memory_space<hbm>>) dst(%dma_wait3A_328 : memref<512xf32, #tpu.memory_space<vmem>>)
    "tpu.region"() ({
      %run_scoped3A_337 = tpu.sem_alloc : memref<!tpu.dma_semaphore, #tpu.memory_space<semaphore_mem>>
      %dma_start3A_338 = arith.constant 0 : i32
      %dma_start3A_339 = tpu.memref_slice %arg4[%dma_start3A_338, %mul3A_2] : memref<12x16384xf32, #tpu.memory_space<hbm>> -> memref<12x512xf32, #tpu.memory_space<hbm>>
      %dma_start3A_340 = arith.constant 0 : i32
      %dma_start3A_341 = tpu.memref_slice %arg4[%dma_start3A_340, %mul3A_2] : memref<12x16384xf32, #tpu.memory_space<hbm>> -> memref<12x512xf32, #tpu.memory_space<hbm>>
      tpu.enqueue_dma source(%arg6 : memref<12x512xf32, #tpu.memory_space<vmem>>) target(%dma_start3A_341 : memref<12x512xf32, #tpu.memory_space<hbm>>) target_semaphore(%run_scoped3A_337 : memref<!tpu.dma_semaphore, #tpu.memory_space<semaphore_mem>>)
      %dma_wait3A_342 = arith.constant 0 : i32
      %dma_wait3A_343 = tpu.memref_slice %arg4[%dma_wait3A_342, %mul3A_2] : memref<12x16384xf32, #tpu.memory_space<hbm>> -> memref<12x512xf32, #tpu.memory_space<hbm>>
      %dma_wait3A_344 = arith.constant 0 : i32
      %dma_wait3A_345 = tpu.memref_slice %arg4[%dma_wait3A_344, %mul3A_2] : memref<12x16384xf32, #tpu.memory_space<hbm>> -> memref<12x512xf32, #tpu.memory_space<hbm>>
      tpu.wait_dma2 semaphore(%run_scoped3A_337 : memref<!tpu.dma_semaphore, #tpu.memory_space<semaphore_mem>>) src(%arg6 : memref<12x512xf32, #tpu.memory_space<vmem>>) dst(%dma_wait3A_345 : memref<12x512xf32, #tpu.memory_space<hbm>>)
      tpu.yield
    }) : () -> ()
    return
  }
}

module attributes {stable_mosaic.version = 14 : i64} {
  func.func @_mlp_body(%arg0: memref<12x128x128xf32, #tpu.memory_space<vmem>>, %arg1: memref<12x128x128xf32, #tpu.memory_space<vmem>>, %arg2: memref<16x128x128xf32, #tpu.memory_space<vmem>>, %arg3: memref<40xf32, #tpu.memory_space<vmem>>, %arg4: memref<40xf32, #tpu.memory_space<vmem>>, %arg5: memref<20x40xf32, #tpu.memory_space<vmem>>, %arg6: memref<20xf32, #tpu.memory_space<vmem>>, %arg7: memref<20xf32, #tpu.memory_space<vmem>>, %arg8: memref<20xf32, #tpu.memory_space<vmem>>, %arg9: memref<10x20xf32, #tpu.memory_space<vmem>>, %arg10: memref<10xf32, #tpu.memory_space<vmem>>, %arg11: memref<10xf32, #tpu.memory_space<vmem>>, %arg12: memref<10xf32, #tpu.memory_space<vmem>>, %arg13: memref<1x10xf32, #tpu.memory_space<vmem>>, %arg14: memref<1xf32, #tpu.memory_space<vmem>>, %arg15: memref<128x128xf32, #tpu.memory_space<vmem>>) attributes {dimension_semantics = [], scalar_prefetch = 0 : i64, scratch_operands = 0 : i64, tpu.core_type = #tpu.core_type<tc>} {
    %get3A = arith.constant 0 : index
    %get3A_0 = arith.constant 0 : index
    %get3A_1 = arith.constant 0 : index
    %get3A_2 = vector.load %arg0[%get3A, %get3A_0, %get3A_1] : memref<12x128x128xf32, #tpu.memory_space<vmem>>, vector<12x128x128xf32>
    %get3A_3 = arith.constant 0 : index
    %get3A_4 = arith.constant 0 : index
    %get3A_5 = arith.constant 0 : index
    %get3A_6 = vector.load %arg1[%get3A_3, %get3A_4, %get3A_5] : memref<12x128x128xf32, #tpu.memory_space<vmem>>, vector<12x128x128xf32>
    %get3A_7 = arith.constant 0 : index
    %get3A_8 = arith.constant 0 : index
    %get3A_9 = arith.constant 0 : index
    %get3A_10 = vector.load %arg2[%get3A_7, %get3A_8, %get3A_9] : memref<16x128x128xf32, #tpu.memory_space<vmem>>, vector<16x128x128xf32>
    %concatenate3A = tpu.concatenate %get3A_2, %get3A_6, %get3A_10 in 0 : vector<12x128x128xf32>, vector<12x128x128xf32>, vector<16x128x128xf32> -> vector<40x128x128xf32>
    %reduce_sum3A = arith.constant dense<0.000000e+00> : vector<40x128xf32>
    %reduce_sum3A_11 = vector.multi_reduction <add>, %concatenate3A, %reduce_sum3A [2] : vector<40x128x128xf32> to vector<40x128xf32>
    %reduce_sum3A_12 = arith.constant dense<0.000000e+00> : vector<40xf32>
    %reduce_sum3A_13 = vector.multi_reduction <add>, %reduce_sum3A_11, %reduce_sum3A_12 [1] : vector<40x128xf32> to vector<40xf32>
    %div3A = arith.constant 1.638400e+04 : f32
    %div3A_14 = vector.broadcast %div3A : f32 to vector<40xf32>
    %div3A_15 = arith.divf %reduce_sum3A_13, %div3A_14 : vector<40xf32>
    %broadcast_in_dim3A = vector.shape_cast %div3A_15 : vector<40xf32> to vector<40x1x1xf32>
    %sub3A = vector.broadcast %broadcast_in_dim3A : vector<40x1x1xf32> to vector<40x128x128xf32>
    %sub3A_16 = arith.subf %concatenate3A, %sub3A : vector<40x128x128xf32>
    %mul3A = arith.mulf %sub3A_16, %sub3A_16 : vector<40x128x128xf32>
    %reduce_sum3A_17 = arith.constant dense<0.000000e+00> : vector<40x128xf32>
    %reduce_sum3A_18 = vector.multi_reduction <add>, %mul3A, %reduce_sum3A_17 [2] : vector<40x128x128xf32> to vector<40x128xf32>
    %reduce_sum3A_19 = arith.constant dense<0.000000e+00> : vector<40xf32>
    %reduce_sum3A_20 = vector.multi_reduction <add>, %reduce_sum3A_18, %reduce_sum3A_19 [1] : vector<40x128xf32> to vector<40xf32>
    %div3A_21 = arith.constant 1.638400e+04 : f32
    %div3A_22 = vector.broadcast %div3A_21 : f32 to vector<40xf32>
    %div3A_23 = arith.divf %reduce_sum3A_20, %div3A_22 : vector<40xf32>
    %broadcast_in_dim3A_24 = vector.shape_cast %div3A_23 : vector<40xf32> to vector<40x1x1xf32>
    %add3A = arith.constant 9.99999974E-6 : f32
    %add3A_25 = vector.broadcast %add3A : f32 to vector<40x1x1xf32>
    %add3A_26 = arith.addf %broadcast_in_dim3A_24, %add3A_25 : vector<40x1x1xf32>
    %rsqrt3A = math.rsqrt %add3A_26 : vector<40x1x1xf32>
    %mul3A_27 = vector.broadcast %rsqrt3A : vector<40x1x1xf32> to vector<40x128x128xf32>
    %mul3A_28 = arith.mulf %sub3A_16, %mul3A_27 : vector<40x128x128xf32>
    %get3A_29 = arith.constant 0 : index
    %get3A_30 = vector.load %arg3[%get3A_29] : memref<40xf32, #tpu.memory_space<vmem>>, vector<40xf32>
    %broadcast_in_dim3A_31 = vector.shape_cast %get3A_30 : vector<40xf32> to vector<40x1x1xf32>
    %mul3A_32 = vector.broadcast %broadcast_in_dim3A_31 : vector<40x1x1xf32> to vector<40x128x128xf32>
    %mul3A_33 = arith.mulf %mul3A_28, %mul3A_32 : vector<40x128x128xf32>
    %get3A_34 = arith.constant 0 : index
    %get3A_35 = vector.load %arg4[%get3A_34] : memref<40xf32, #tpu.memory_space<vmem>>, vector<40xf32>
    %broadcast_in_dim3A_36 = vector.shape_cast %get3A_35 : vector<40xf32> to vector<40x1x1xf32>
    %add3A_37 = vector.broadcast %broadcast_in_dim3A_36 : vector<40x1x1xf32> to vector<40x128x128xf32>
    %add3A_38 = arith.addf %mul3A_33, %add3A_37 : vector<40x128x128xf32>
    %get3A_39 = arith.constant 0 : index
    %get3A_40 = arith.constant 0 : index
    %get3A_41 = vector.load %arg5[%get3A_39, %get3A_40] : memref<20x40xf32, #tpu.memory_space<vmem>>, vector<20x40xf32>
    %dot_general3A = arith.constant dense<0.000000e+00> : vector<20x128x128xf32>
    %dot_general3A_42 = tpu.matmul %get3A_41, %add3A_38, %dot_general3A {dimension_numbers = #tpu.dot_dimension_numbers<[1], [0], [0], [1, 2], [0, 0, 1, 1, 1, 2], [], []>, transpose_lhs_hint = false} : vector<20x40xf32>, vector<40x128x128xf32>, vector<20x128x128xf32> -> vector<20x128x128xf32>
    %get3A_43 = arith.constant 0 : index
    %get3A_44 = vector.load %arg6[%get3A_43] : memref<20xf32, #tpu.memory_space<vmem>>, vector<20xf32>
    %broadcast_in_dim3A_45 = vector.shape_cast %get3A_44 : vector<20xf32> to vector<20x1x1xf32>
    %add3A_46 = vector.broadcast %broadcast_in_dim3A_45 : vector<20x1x1xf32> to vector<20x128x128xf32>
    %add3A_47 = arith.addf %dot_general3A_42, %add3A_46 : vector<20x128x128xf32>
    %max3A = arith.constant 0.000000e+00 : f32
    %max3A_48 = vector.broadcast %max3A : f32 to vector<20x128x128xf32>
    %max3A_49 = arith.maximumf %add3A_47, %max3A_48 : vector<20x128x128xf32>
    %reduce_sum3A_50 = arith.constant dense<0.000000e+00> : vector<20x128xf32>
    %reduce_sum3A_51 = vector.multi_reduction <add>, %max3A_49, %reduce_sum3A_50 [2] : vector<20x128x128xf32> to vector<20x128xf32>
    %reduce_sum3A_52 = arith.constant dense<0.000000e+00> : vector<20xf32>
    %reduce_sum3A_53 = vector.multi_reduction <add>, %reduce_sum3A_51, %reduce_sum3A_52 [1] : vector<20x128xf32> to vector<20xf32>
    %div3A_54 = arith.constant 1.638400e+04 : f32
    %div3A_55 = vector.broadcast %div3A_54 : f32 to vector<20xf32>
    %div3A_56 = arith.divf %reduce_sum3A_53, %div3A_55 : vector<20xf32>
    %broadcast_in_dim3A_57 = vector.shape_cast %div3A_56 : vector<20xf32> to vector<20x1x1xf32>
    %sub3A_58 = vector.broadcast %broadcast_in_dim3A_57 : vector<20x1x1xf32> to vector<20x128x128xf32>
    %sub3A_59 = arith.subf %max3A_49, %sub3A_58 : vector<20x128x128xf32>
    %mul3A_60 = arith.mulf %sub3A_59, %sub3A_59 : vector<20x128x128xf32>
    %reduce_sum3A_61 = arith.constant dense<0.000000e+00> : vector<20x128xf32>
    %reduce_sum3A_62 = vector.multi_reduction <add>, %mul3A_60, %reduce_sum3A_61 [2] : vector<20x128x128xf32> to vector<20x128xf32>
    %reduce_sum3A_63 = arith.constant dense<0.000000e+00> : vector<20xf32>
    %reduce_sum3A_64 = vector.multi_reduction <add>, %reduce_sum3A_62, %reduce_sum3A_63 [1] : vector<20x128xf32> to vector<20xf32>
    %div3A_65 = arith.constant 1.638400e+04 : f32
    %div3A_66 = vector.broadcast %div3A_65 : f32 to vector<20xf32>
    %div3A_67 = arith.divf %reduce_sum3A_64, %div3A_66 : vector<20xf32>
    %broadcast_in_dim3A_68 = vector.shape_cast %div3A_67 : vector<20xf32> to vector<20x1x1xf32>
    %add3A_69 = arith.constant 9.99999974E-6 : f32
    %add3A_70 = vector.broadcast %add3A_69 : f32 to vector<20x1x1xf32>
    %add3A_71 = arith.addf %broadcast_in_dim3A_68, %add3A_70 : vector<20x1x1xf32>
    %rsqrt3A_72 = math.rsqrt %add3A_71 : vector<20x1x1xf32>
    %mul3A_73 = vector.broadcast %rsqrt3A_72 : vector<20x1x1xf32> to vector<20x128x128xf32>
    %mul3A_74 = arith.mulf %sub3A_59, %mul3A_73 : vector<20x128x128xf32>
    %get3A_75 = arith.constant 0 : index
    %get3A_76 = vector.load %arg7[%get3A_75] : memref<20xf32, #tpu.memory_space<vmem>>, vector<20xf32>
    %broadcast_in_dim3A_77 = vector.shape_cast %get3A_76 : vector<20xf32> to vector<20x1x1xf32>
    %mul3A_78 = vector.broadcast %broadcast_in_dim3A_77 : vector<20x1x1xf32> to vector<20x128x128xf32>
    %mul3A_79 = arith.mulf %mul3A_74, %mul3A_78 : vector<20x128x128xf32>
    %get3A_80 = arith.constant 0 : index
    %get3A_81 = vector.load %arg8[%get3A_80] : memref<20xf32, #tpu.memory_space<vmem>>, vector<20xf32>
    %broadcast_in_dim3A_82 = vector.shape_cast %get3A_81 : vector<20xf32> to vector<20x1x1xf32>
    %add3A_83 = vector.broadcast %broadcast_in_dim3A_82 : vector<20x1x1xf32> to vector<20x128x128xf32>
    %add3A_84 = arith.addf %mul3A_79, %add3A_83 : vector<20x128x128xf32>
    %get3A_85 = arith.constant 0 : index
    %get3A_86 = arith.constant 0 : index
    %get3A_87 = vector.load %arg9[%get3A_85, %get3A_86] : memref<10x20xf32, #tpu.memory_space<vmem>>, vector<10x20xf32>
    %dot_general3A_88 = arith.constant dense<0.000000e+00> : vector<10x128x128xf32>
    %dot_general3A_89 = tpu.matmul %get3A_87, %add3A_84, %dot_general3A_88 {dimension_numbers = #tpu.dot_dimension_numbers<[1], [0], [0], [1, 2], [0, 0, 1, 1, 1, 2], [], []>, transpose_lhs_hint = false} : vector<10x20xf32>, vector<20x128x128xf32>, vector<10x128x128xf32> -> vector<10x128x128xf32>
    %get3A_90 = arith.constant 0 : index
    %get3A_91 = vector.load %arg10[%get3A_90] : memref<10xf32, #tpu.memory_space<vmem>>, vector<10xf32>
    %broadcast_in_dim3A_92 = vector.shape_cast %get3A_91 : vector<10xf32> to vector<10x1x1xf32>
    %add3A_93 = vector.broadcast %broadcast_in_dim3A_92 : vector<10x1x1xf32> to vector<10x128x128xf32>
    %add3A_94 = arith.addf %dot_general3A_89, %add3A_93 : vector<10x128x128xf32>
    %max3A_95 = arith.constant 0.000000e+00 : f32
    %max3A_96 = vector.broadcast %max3A_95 : f32 to vector<10x128x128xf32>
    %max3A_97 = arith.maximumf %add3A_94, %max3A_96 : vector<10x128x128xf32>
    %reduce_sum3A_98 = arith.constant dense<0.000000e+00> : vector<10x128xf32>
    %reduce_sum3A_99 = vector.multi_reduction <add>, %max3A_97, %reduce_sum3A_98 [2] : vector<10x128x128xf32> to vector<10x128xf32>
    %reduce_sum3A_100 = arith.constant dense<0.000000e+00> : vector<10xf32>
    %reduce_sum3A_101 = vector.multi_reduction <add>, %reduce_sum3A_99, %reduce_sum3A_100 [1] : vector<10x128xf32> to vector<10xf32>
    %div3A_102 = arith.constant 1.638400e+04 : f32
    %div3A_103 = vector.broadcast %div3A_102 : f32 to vector<10xf32>
    %div3A_104 = arith.divf %reduce_sum3A_101, %div3A_103 : vector<10xf32>
    %broadcast_in_dim3A_105 = vector.shape_cast %div3A_104 : vector<10xf32> to vector<10x1x1xf32>
    %sub3A_106 = vector.broadcast %broadcast_in_dim3A_105 : vector<10x1x1xf32> to vector<10x128x128xf32>
    %sub3A_107 = arith.subf %max3A_97, %sub3A_106 : vector<10x128x128xf32>
    %mul3A_108 = arith.mulf %sub3A_107, %sub3A_107 : vector<10x128x128xf32>
    %reduce_sum3A_109 = arith.constant dense<0.000000e+00> : vector<10x128xf32>
    %reduce_sum3A_110 = vector.multi_reduction <add>, %mul3A_108, %reduce_sum3A_109 [2] : vector<10x128x128xf32> to vector<10x128xf32>
    %reduce_sum3A_111 = arith.constant dense<0.000000e+00> : vector<10xf32>
    %reduce_sum3A_112 = vector.multi_reduction <add>, %reduce_sum3A_110, %reduce_sum3A_111 [1] : vector<10x128xf32> to vector<10xf32>
    %div3A_113 = arith.constant 1.638400e+04 : f32
    %div3A_114 = vector.broadcast %div3A_113 : f32 to vector<10xf32>
    %div3A_115 = arith.divf %reduce_sum3A_112, %div3A_114 : vector<10xf32>
    %broadcast_in_dim3A_116 = vector.shape_cast %div3A_115 : vector<10xf32> to vector<10x1x1xf32>
    %add3A_117 = arith.constant 9.99999974E-6 : f32
    %add3A_118 = vector.broadcast %add3A_117 : f32 to vector<10x1x1xf32>
    %add3A_119 = arith.addf %broadcast_in_dim3A_116, %add3A_118 : vector<10x1x1xf32>
    %rsqrt3A_120 = math.rsqrt %add3A_119 : vector<10x1x1xf32>
    %mul3A_121 = vector.broadcast %rsqrt3A_120 : vector<10x1x1xf32> to vector<10x128x128xf32>
    %mul3A_122 = arith.mulf %sub3A_107, %mul3A_121 : vector<10x128x128xf32>
    %get3A_123 = arith.constant 0 : index
    %get3A_124 = vector.load %arg11[%get3A_123] : memref<10xf32, #tpu.memory_space<vmem>>, vector<10xf32>
    %broadcast_in_dim3A_125 = vector.shape_cast %get3A_124 : vector<10xf32> to vector<10x1x1xf32>
    %mul3A_126 = vector.broadcast %broadcast_in_dim3A_125 : vector<10x1x1xf32> to vector<10x128x128xf32>
    %mul3A_127 = arith.mulf %mul3A_122, %mul3A_126 : vector<10x128x128xf32>
    %get3A_128 = arith.constant 0 : index
    %get3A_129 = vector.load %arg12[%get3A_128] : memref<10xf32, #tpu.memory_space<vmem>>, vector<10xf32>
    %broadcast_in_dim3A_130 = vector.shape_cast %get3A_129 : vector<10xf32> to vector<10x1x1xf32>
    %add3A_131 = vector.broadcast %broadcast_in_dim3A_130 : vector<10x1x1xf32> to vector<10x128x128xf32>
    %add3A_132 = arith.addf %mul3A_127, %add3A_131 : vector<10x128x128xf32>
    %get3A_133 = arith.constant 0 : index
    %get3A_134 = arith.constant 0 : index
    %get3A_135 = vector.load %arg13[%get3A_133, %get3A_134] : memref<1x10xf32, #tpu.memory_space<vmem>>, vector<1x10xf32>
    %transpose3A = tpu.transpose %get3A_135, [1, 0] : vector<1x10xf32> -> vector<10x1xf32>
    %broadcast_in_dim3A_136 = vector.shape_cast %transpose3A : vector<10x1xf32> to vector<10x1x1xf32>
    %mul3A_137 = vector.broadcast %broadcast_in_dim3A_136 : vector<10x1x1xf32> to vector<10x128x128xf32>
    %mul3A_138 = arith.mulf %add3A_132, %mul3A_137 : vector<10x128x128xf32>
    %reduce_sum3A_139 = arith.constant dense<0.000000e+00> : vector<128x128xf32>
    %reduce_sum3A_140 = vector.multi_reduction <add>, %mul3A_138, %reduce_sum3A_139 [0] : vector<10x128x128xf32> to vector<128x128xf32>
    %get3A_141 = arith.constant 0 : index
    %get3A_142 = vector.load %arg14[%get3A_141] : memref<1xf32, #tpu.memory_space<vmem>>, vector<1xf32>
    %broadcast_in_dim3A_143 = vector.shape_cast %get3A_142 : vector<1xf32> to vector<1x1xf32>
    %add3A_144 = vector.broadcast %broadcast_in_dim3A_143 : vector<1x1xf32> to vector<128x128xf32>
    %add3A_145 = arith.addf %reduce_sum3A_140, %add3A_144 : vector<128x128xf32>
    %swap3A = arith.constant 0 : index
    %swap3A_146 = arith.constant 0 : index
    %swap3A_147 = vector.load %arg15[%swap3A, %swap3A_146] : memref<128x128xf32, #tpu.memory_space<vmem>>, vector<128x128xf32>
    tpu.vector_store %arg15[%swap3A, %swap3A_146], %add3A_145 {strides = array<i32>} : memref<128x128xf32, #tpu.memory_space<vmem>>, vector<128x128xf32>,
    return
  }
}

</mosaic_0001>

<sc_bundles>
// kernel: kernel.12.cloned.1.call-start
scs
__scs_entry_jumppad:
0x0: {  	(pc) =	sbr.rel $0x88, $3  }
0x1: {  	(tag) =	ssettag $0x0;
	lr =	simm.s32 $0x1  }
0x2: {  	[smem:$0x3F91] =	sst lr;
	_ =	strace $0xD0000000  }
0x3: {  	_ = 	snop  }
0x4: {  	_ = 	snop  }
0x5: {  	_ = 	snop  }
0x6: {  	_ = 	snop  }
0x7: {  	_ = 	snop  }
__scs_overlays_trampoline_lowered:
0x8: {  	[smem:$0x3FA0] =	sst s0  }
0x9: {  	[smem:$0x3FA1] =	sst s1  }
0xa: {  	[smem:$0x3FA2] =	sst s2  }
0xb: {  	[smem:$0x3FA3] =	sst s3  }
0xc: {  	[smem:$0x3FA4] =	sst s4  }
0xd: {  	[smem:$0x3FA5] =	sst s5  }
0xe: {  	[smem:$0x3FA6] =	sst s6  }
0xf: {  	[smem:$0x3FA7] =	sst s7  }
0x10: {  	[smem:$0x3FA8] =	sst s8  }
0x11: {  	[smem:$0x3FA9] =	sst s9;
	s0 =	simm.s32 @!p0 $0x0  }
0x12: {  	s1 =	sld [smem:$0x3F8F];
	s0 =	simm.s32 @p0 $0x1  }
0x13: {  	[smem:$0x3FAA] =	sst s0;
	s0 =	simm.s32 @!p1 $0x0  }
0x14: {  	s2 =	sld [smem:$0x3F8E];
	s0 =	simm.s32 @p1 $0x1  }
0x15: {  	[smem:$0x3FAB] =	sst s0;
	s0 =	simm.s32 @!p2 $0x0  }
0x16: {  	s3 =	sld [smem:$0x3FDB];
	s0 =	simm.s32 @p2 $0x1  }
0x17: {  	s4 =	simm.s32 $0x1BF5;
	[smem:$0x3FAD] =	sst s0  }
0x18: {  	s0 =	sld [smem:$0x3F90];
	_ =	swait.ge [sflag:s4], $0x0  }
0x19: {  	s7 =	sld [smem:$0x3F91]  }
0x1a: {  	s8 =	sadd.s32 $0xFFFFE003, lr  }
0x1b: {  	s9 =	sadd.s32 $0xFFFFFEF7, lr;
	s5 =	simm.s32 $0xFFFFFFFF;
	p2 =	slt.u32 s8, $0xFFFFF086  }
0x1c: {  	p1 =	slt.u32 s9, $0xF7A;
	s5 =	simm.s32 @!p2 $0x0  }
0x1d: {  	s5 =	simm.s32 @p1 $0x1;
	p0 =	seq.s32 s7, s2  }
0x1e: {  	s7 =	smul.u32 @!p0 $0xF7A, s2;
	p2 =	seq.s32 @!p0 s5, $0x0  }
0x1f: {  	s9 =	smul.u32 $0xF7A, s1;
	s8 =	simm.s32 @!p0 $0x1BF5;
	p2 =	por !p2, p0  }
0x20: {  	[sflag:s8] =	ssyncset.s32 @!p0 $0xFFFFF086;
	s6 =	sadd.s32 @!p0 s3, s7;
	s7 =	simm.s32 @!p0 $0x108  }
0x21: {  	s3 =	sadd.s32 s3, s9;
	s6 =	sadd.s32 @!p0 $0x88, s6;
	s7 =	simm.s32 @p2 $0x1082  }
0x22: {  	[simem:s7], [sflag:s8] =	dma.local @!p0 [hbm:s6], $0xF7A  }
0x23: {  	s9 =	sor.u32 $0xD0000000, s2;
	s6 =	simm.s32 $0x108;
	_ =	swait.ge @!p0 [sflag:s8], $0x0  }
0x24: {  	s3 =	sadd.s32 $0x88, s3;
	s6 =	simm.s32 @!p1 $0x1082;
	[sflag:s4] =	ssyncset.s32 $0xFFFFF086  }
0x25: {  	[simem:s6], [sflag:s4] =	dma.local [hbm:s3], $0xF7A  }
0x26: {  	[smem:$0x3F91] =	sst s1;
	(tag) =	ssettag s2;
	_ =	strace s9  }
0x27: {  	s1 =	sld [smem:$0x3FA1]  }
0x28: {  	s2 =	sld [smem:$0x3FA2]  }
0x29: {  	s4 =	sld [smem:$0x3FA4]  }
0x2a: {  	p0 =	seq.s32 s5, $0x0;
	s5 =	sld [smem:$0x3FA5]  }
0x2b: {  	s6 =	sld [smem:$0x3FA6]  }
0x2c: {  	s7 =	sld [smem:$0x3FA7]  }
0x2d: {  	s3 =	simm.s32 $0x108;
	s8 =	sld [smem:$0x3FA8]  }
0x2e: {  	s3 =	simm.s32 @!p0 $0x1082;
	s9 =	sld [smem:$0x3FA9]  }
0x2f: {  	lr =	sadd.s32 s0, s3;
	s0 =	sld [smem:$0x3FA0]  }
0x30: {  	s3 =	sld [smem:$0x3FA3]  }
0x31: {  	[smem:$0x3FAC] =	sst s10  }
0x32: {  	s10 =	sld [smem:$0x3FAA];
	_ =	sdelay $0x3  }
0x33: {  	p0 =	seq.s32 s10, $0x1;
	s10 =	sld [smem:$0x3FAC];
	_ =	sdelay $0x3  }
0x34: {  	[smem:$0x3FAC] =	sst s10  }
0x35: {  	s10 =	sld [smem:$0x3FAB];
	_ =	sdelay $0x3  }
0x36: {  	p1 =	seq.s32 s10, $0x1;
	s10 =	sld [smem:$0x3FAC];
	_ =	sdelay $0x3  }
0x37: {  	[smem:$0x3FAC] =	sst s10  }
0x38: {  	s10 =	sld [smem:$0x3FAD]  }
0x39: {  	_ = 	snop;
	(pc) =	sbr.ind lr, $3  }
0x3a: {  	_ = 	snop  }
0x3b: {  	_ = 	snop  }
0x3c: {  	p2 =	seq.s32 s10, $0x1;
	s10 =	sld [smem:$0x3FAC]  }
0x3d: {  	_ =	shalt  }
0x3e: {  	_ =	shalt  }
0x3f: {  	_ =	shalt  }
0x40: {  	_ =	shalt  }
0x41: {  	_ =	shalt  }
0x42: {  	_ =	shalt  }
0x43: {  	_ =	shalt  }
0x44: {  	_ =	shalt  }
0x45: {  	_ =	shalt  }
0x46: {  	_ =	shalt  }
0x47: {  	_ =	shalt  }
0x48: {  	_ =	shalt  }
0x49: {  	_ =	shalt  }
0x4a: {  	_ =	shalt  }
0x4b: {  	_ =	shalt  }
0x4c: {  	_ =	shalt  }
0x4d: {  	_ =	shalt  }
0x4e: {  	_ =	shalt  }
0x4f: {  	_ =	shalt  }
0x50: {  	_ =	shalt  }
0x51: {  	_ =	shalt  }
0x52: {  	_ =	shalt  }
0x53: {  	_ =	shalt  }
0x54: {  	_ =	shalt  }
0x55: {  	_ =	shalt  }
0x56: {  	_ =	shalt  }
0x57: {  	_ =	shalt  }
0x58: {  	_ =	shalt  }
0x59: {  	_ =	shalt  }
0x5a: {  	_ =	shalt  }
0x5b: {  	_ =	shalt  }
0x5c: {  	_ =	shalt  }
0x5d: {  	_ =	shalt  }
0x5e: {  	_ =	shalt  }
0x5f: {  	_ =	shalt  }
0x60: {  	_ =	shalt  }
0x61: {  	_ =	shalt  }
0x62: {  	_ =	shalt  }
0x63: {  	_ =	shalt  }
0x64: {  	_ =	shalt  }
0x65: {  	_ =	shalt  }
0x66: {  	_ =	shalt  }
0x67: {  	_ =	shalt  }
0x68: {  	_ =	shalt  }
0x69: {  	_ =	shalt  }
0x6a: {  	_ =	shalt  }
0x6b: {  	_ =	shalt  }
0x6c: {  	_ =	shalt  }
0x6d: {  	_ =	shalt  }
0x6e: {  	_ =	shalt  }
0x6f: {  	_ =	shalt  }
0x70: {  	_ =	shalt  }
0x71: {  	_ =	shalt  }
0x72: {  	_ =	shalt  }
0x73: {  	_ =	shalt  }
0x74: {  	_ =	shalt  }
0x75: {  	_ =	shalt  }
0x76: {  	_ =	shalt  }
0x77: {  	_ =	shalt  }
0x78: {  	_ =	shalt  }
0x79: {  	_ =	shalt  }
0x7a: {  	_ =	shalt  }
0x7b: {  	_ =	shalt  }
0x7c: {  	_ =	shalt  }
0x7d: {  	_ =	shalt  }
0x7e: {  	_ =	shalt  }
0x7f: {  	_ =	shalt  }
0x80: {  	_ =	shalt  }
0x81: {  	_ =	shalt  }
0x82: {  	_ =	shalt  }
0x83: {  	_ =	shalt  }
0x84: {  	_ =	shalt  }
0x85: {  	_ =	shalt  }
0x86: {  	_ =	shalt  }
0x87: {  	_ =	shalt  }
.Lfunc_end0:
.L_simem_size_0:
called_computation.2_lowered:
.L_overlay_start_0:
0x88: {  	s2 =	sld [smem:$0x3FD9]  }
0x89: {  	s3 =	sld [smem:$0x3FFE];
	_ =	sdelay $0x1  }
0x8a: {  	s1 =	srdreg.scid  }
0x8b: {  	s0 =	sand.u32 $0x1, s1  }
0x8c: {  	s17 =	sshll.u32 s0, $0xA;
	s2 =	sadd.s32 s3, s2  }
0x8d: {  	s2 =	sadd.s32 s2, s17  }
0x8e: {  	[smem:$0x3FB8] =	sst s2  }
0x8f: {  	_ = 	snop  }
0x90: {  	s18 =	sld [smem:$0x3FD0];
	(tm) =	ssettm $0x1  }
0x91: {  	s19 =	sld [smem:$0x3FFB];
	_ =	sdelay $0x3  }
0x92: {  	_ =	strace s19  }
0x93: {  	s2 =	sld [smem:$0x3FFC];
	_ =	sdelay $0x3  }
0x94: {  	_ =	strace s2  }
0x95: {  	s2 =	sld [smem:$0x3FFD];
	_ =	sdelay $0x3  }
0x96: {  	_ =	strace s2  }
0x97: {  	_ =	strace $0x8FFFFFFF  }
0x98: {  	s20 =	sld [smem:$0x3FDB];
	_ =	sdelay $0x1  }
0x99: {  	s4 =	simm.s32 $_scs_section_size  }
0x9a: {  	s5 =	simm.s32 $_size__tile_overlayer_lowered;
	s6 =	simm.s32 $_tile_overlayer_lowered  }
0x9b: {  	s7 =	simm.s32 $0x1BFF;
	s21 =	sshll.u32 s6, $0x1;
	s4 =	sadd.s32 s4, s20  }
0x9c: {  	s22 =	simm.s32 $0x0;
	s5 =	sshll.u32 s5, $0x1;
	s6 =	sadd.s32 s21, s4  }
0x9d: {  	[timem:s22], [sflag:s7] =	dma.local [hbm:s6], s5  }
0x9e: {  	_ =	swait.ge [sflag:s7], s5  }
0x9f: {  	s5 =	ssub.s32 $0x0, s5;
	[sflag:s7] =	ssyncset.done $0x0  }
0xa0: {  	[sflag:s7] =	ssyncadd.s32 s5;
	_ =	sdelay $0x1  }
0xa1: {  	s23 =	simm.s32 $0x1B8B  }
0xa2: {  	_ =	swait.ge [sflag:s23], $0x1  }
0xa3: {  	[sflag:s23] =	ssyncset.done $0x0  }
0xa4: {  	[sflag:s23] =	ssyncadd.s32 $0xFFFFFFFF  }
0xa5: {  	s5 =	sld [smem:$0x0]  }
0xa6: {  	s6 =	sand.u32 $0xFFFFFFFE, s1  }
0xa7: {  	p0 =	sne.s32 s1, s6  }
0xa8: {  	s6 =	sshll.u32 @p0 s6, $0xE  }
0xa9: {  	s6 =	sadd.s32 @p0 $0x11B8D, s6;
	s7 =	sshll.u32 @p0 s5, $0x11  }
0xaa: {  	s6 =	sor.u32 @p0 s7, s6  }
0xab: {  	[sflag:s6] =	ssyncadd.remote.s32 @p0 $0x1;
	_ =	sdelay $0x1  }
0xac: {  	s6 =	simm.s32 @p0 $0x1B8D  }
0xad: {  	_ =	swait.eq @p0 [sflag:s6], $0x1  }
0xae: {  	[sflag:s6] =	ssyncadd.s32 @p0 $0xFFFFFFFF  }
0xaf: {  	s7 =	sshll.u32 @!p0 s1, $0xE  }
0xb0: {  	s7 =	sor.u32 @!p0 $0x4000, s7;
	s6 =	simm.s32 @!p0 $0x1B8D  }
0xb1: {  	s5 =	sshll.u32 @!p0 s5, $0x11;
	s7 =	sadd.s32 @!p0 $0x11B8D, s7;
	_ =	swait.eq @!p0 [sflag:s6], $0x1  }
0xb2: {  	s5 =	sor.u32 @!p0 s5, s7;
	[sflag:s6] =	ssyncadd.s32 @!p0 $0xFFFFFFFF  }
0xb3: {  	s25 =	simm.s32 $0x1B8E;
	s24 =	sld [smem:$0x3FFE];
	[sflag:s5] =	ssyncadd.remote.s32 @!p0 $0x1  }
0xb4: {  	s26 =	simm.s32 $execute0_lowered;
	[smem:$0x3FD2] =	sst s25  }
0xb5: {  	s6 =	sshll.u32 s26, $0x1;
	_ =	strace $0x8000004C;
	[dreg:$0x1] =	wrdreg $0xFFFFFFFF  }
0xb6: {  	s28 =	simm.s32 $_size_execute0_lowered;
	s4 =	sadd.s32 s4, s6;
	[dreg:$0x0] =	wrdreg $0x0  }
0xb7: {  	s6 =	sshll.u32 s28, $0x1;
	[dreg:$0x2] =	wrdreg s4  }
0xb8: {  	[dreg:$0x3] =	wrdreg s6  }
0xb9: {  	[dreg:$0x4] =	wrdreg $0xC0  }
0xba: {  	_ =	task [dreg:s22], $0x5FFFF  }
0xbb: {  	[dreg:$0x1] =	wrdreg $0xFFFFFFFF  }
0xbc: {  	[dreg:$0x0] =	wrdreg $0x60  }
0xbd: {  	[dreg:$0x2] =	wrdreg s24  }
0xbe: {  	[dreg:$0x3] =	wrdreg s18  }
0xbf: {  	[dreg:$0x4] =	wrdreg $0xB  }
0xc0: {  	_ =	task.clear_ibuf [dreg:s22], $0x5FFFF;
	_ =	strace $0x9000004C  }
0xc1: {  	s29 =	simm.s32 $0xB;
	_ =	strace $0x8000004E  }
0xc2: {  	_ =	swait.ge [sflag:s29], $0x1  }
0xc3: {  	[sflag:s29] =	ssyncadd.s32 $0xFFFFFFFF  }
0xc4: {  	_ =	strace $0x9000004E  }
0xc5: {  	_ =	sfence  }
0xc6: {  	s30 =	sld [smem:$0x0];
	_ =	sdelay $0x2  }
0xc7: {  	s31 =	sshll.u32 s1, $0xD;
	s1 =	sshrl.u32 s1, $0x2  }
0xc8: {  	s4 =	sand.u32 $0x4000, s31;
	s1 =	sadd.s32 s1, s30  }
0xc9: {  	s0 =	sor.u32 s4, s0;
	s1 =	sshll.u32 s1, $0x11  }
0xca: {  	s0 =	sor.u32 s1, s0  }
0xcb: {  	s0 =	sadd.s32 $0x8F2B, s0  }
0xcc: {  	[sflag:s0] =	ssyncadd.remote.s32 $0x1  }
0xcd: {  	_ =	sfence.sel $0xFFFF  }
0xce: {  	[dreg:$0x0] =	wrdreg $0xFFFFFFFF;
	(pc) =	sbr.abs _section_cstart, $3  }
0xcf: {  	[dreg:$0x1] =	wrdreg $0xFFFFFFFF  }
0xd0: {  	_ =	task.clear_ibuf [dreg:s22], $0x2FFFF;
	_ =	strace $0x9FFFFFFF  }
0xd1: {  	(tm) =	ssettm $0x7FFFFFFF  }
tec
execute0_lowered:
.L_overlay_start_1:
0x0: {  	(tag) =	ssettag $0x1  }
0x1: {  	s0 =	rddreg [dreg:$0x0]  }
0x2: {  	s1 =	rddreg [dreg:$0x1]  }
0x3: {  	s8 =	rddreg [dreg:$0x2];
	s2 =	srdreg.scid  }
0x4: {  	s6 =	simm.s32 $0x0;
	s3 =	stileid.u32;
	s31 =	simm.s32 $0x800  }
0x5: {  	s30 =	simm.s32 $0xA00;
	p0 =	por $0x0, $0x0;
	s28 =	simm.s32 $0x2000  }
0x6: {  	s29 =	simm.s32 $0x2200;
	s7 =	simm.s32 $0x1;
	s2 =	sand.u32 $0x1, s2  }
0x7: {  	[smem:$0x7FF] =	sst s6;
	s3 =	sshll.u32 s3, $0x7;
	s5 =	sadd.s32 $0x71C00, s0  }
0x8: {  	s15 =	sadd.s32 $0x59400, s0;
	_ =	strace $0x8000004D;
	[dreg:$0x3] =	wrdreg s5  }
0x9: {  	s18 =	sadd.s32 $0x74CD4, s0;
	s19 =	sadd.s32 $0x77DA8, s0;
	[dreg:$0x4] =	wrdreg s15  }
0xa: {  	s20 =	sadd.s32 $0x7AE7C, s0;
	s21 =	sadd.s32 $0x7DF50, s0;
	[dreg:$0x7] =	wrdreg s18  }
0xb: {  	s22 =	sadd.s32 $0x81024, s0;
	s23 =	sadd.s32 $0x840F8, s0;
	[dreg:$0x8] =	wrdreg s19  }
0xc: {  	s25 =	sadd.s32 $0x871CC, s0;
	s9 =	sadd.s32 $0x5C4D4, s0;
	[dreg:$0x9] =	wrdreg s20  }
0xd: {  	s10 =	sadd.s32 $0x5F5A8, s0;
	s11 =	sadd.s32 $0x6267C, s0;
	[dreg:$0xa] =	wrdreg s21  }
0xe: {  	s12 =	sadd.s32 $0x65750, s0;
	s13 =	sadd.s32 $0x68824, s0;
	[dreg:$0xb] =	wrdreg s22  }
0xf: {  	s14 =	sadd.s32 $0x6B8F8, s0;
	s4 =	sshll.u32 s2, $0x6;
	[dreg:$0xc] =	wrdreg s23  }
0x10: {  	s2 =	ssub.s32 $0x2, s2;
	[dreg:$0xd] =	wrdreg s25;
	s15 =	sadd.s32 $0x6E9CC, s0  }
0x11: {  	s5 =	simm.s32 $0x400;
	s23 =	simm.s32 $0xE00;
	s24 =	sshrl.u32 s2, $0x1  }
0x12: {  	s22 =	simm.s32 $0x1000;
	s19 =	simm.s32 $0x1600;
	s2 =	ssub.s32 s2, s24  }
0x13: {  	s20 =	simm.s32 $0x1800;
	s21 =	simm.s32 $0x1A00;
	s26 =	smax.u32 s2, $0x1  }
0x14: {  	s25 =	simm.s32 $0x1C00;
	s3 =	sor.u32 s4, s3;
	p1 =	sne.s32 s26, $0x1  }
.Ltmp0:
0x15: {  	s4 =	simm.s32 $0x200;
	s16 =	sadd.s32 s3, s0;
	(pc) =	sbr.rel @!p1 .LBB2_1-.Ltmp0, $4  }
0x16: {  	s1 =	sadd.s32 s1, s3;
	s24 =	simm.s32 $0xC00;
	s17 =	sadd.s32 $0x3800, s16  }
0x17: {  	[dreg:$0x6] =	wrdreg s1;
	s3 =	sadd.s32 $0x8A400, s16;
	s2 =	simm.s32 $0x2  }
0x18: {  	s16 =	simm.s32 $0x4000;
	[dreg:$0x5] =	wrdreg s17;
	s17 =	simm.s32 $0x600  }
0x19: {  	s18 =	sadd.s32 $0xFFFFFFFF, s26;
	s26 =	simm.s32 $0x1E00;
	s1 =	rddreg [dreg:$0x5]  }
0x1a: {  	[tilespmem:s6], [sflag:$0x2] =	stream.linear.gather [hbm4b:s1+s6], $0x200, $0x38;
	[tilespmem:$0x2400] =	vst v63  }
0x1b: {  	_ =	swait.ge [sflag:s2], $0x200  }
0x1c: {  	[sflag:s2] =	ssyncset.done $0x0  }
0x1d: {  	s0 =	rddreg [dreg:$0x6];
	[sflag:s2] =	ssyncadd.s32 $0xFFFFFE00  }
0x1e: {  	[tilespmem:s4], [sflag:$0x2] =	stream.linear.gather [hbm4b:s0+s6], $0x200, $0x38;
	[tilespmem:$0x2400] =	vst v63  }
0x1f: {  	_ =	swait.ge [sflag:s2], $0x200  }
0x20: {  	[sflag:s2] =	ssyncset.done $0x0  }
0x21: {  	s8 =	rddreg [dreg:$0x3];
	[sflag:s2] =	ssyncadd.s32 $0xFFFFFE00  }
0x22: {  	[tilespmem:s5], [sflag:$0x1] =	stream.indirect.gather [hbm4b:s8+s4], $0x1, s6, s4, $0xb8;
	[tilespmem:$0x2400] =	vst v63  }
0x23: {  	s0 =	rddreg [dreg:$0x7]  }
0x24: {  	[tilespmem:s17], [sflag:$0x1] =	stream.indirect.gather [hbm4b:s0+s4], $0x1, s6, s4, $0xb8;
	[tilespmem:$0x2400] =	vst v63  }
0x25: {  	s8 =	rddreg [dreg:$0x8]  }
0x26: {  	[tilespmem:s31], [sflag:$0x1] =	stream.indirect.gather [hbm4b:s8+s4], $0x1, s6, s4, $0xb8;
	[tilespmem:$0x2400] =	vst v63  }
0x27: {  	s0 =	rddreg [dreg:$0x9]  }
0x28: {  	[tilespmem:s30], [sflag:$0x1] =	stream.indirect.gather [hbm4b:s0+s4], $0x1, s6, s4, $0xb8;
	[tilespmem:$0x2400] =	vst v63  }
0x29: {  	s8 =	rddreg [dreg:$0xa]  }
0x2a: {  	[tilespmem:s24], [sflag:$0x1] =	stream.indirect.gather [hbm4b:s8+s4], $0x1, s6, s4, $0xb8;
	[tilespmem:$0x2400] =	vst v63  }
0x2b: {  	s0 =	rddreg [dreg:$0xb]  }
0x2c: {  	[tilespmem:s23], [sflag:$0x1] =	stream.indirect.gather [hbm4b:s0+s4], $0x1, s6, s4, $0xb8;
	[tilespmem:$0x2400] =	vst v63  }
0x2d: {  	s8 =	rddreg [dreg:$0xc]  }
0x2e: {  	[tilespmem:s22], [sflag:$0x1] =	stream.indirect.gather [hbm4b:s8+s4], $0x1, s6, s4, $0xb8;
	[tilespmem:$0x2400] =	vst v63  }
0x2f: {  	s0 =	rddreg [dreg:$0xd];
	s8 =	simm.s32 $0x1200  }
0x30: {  	[tilespmem:s8], [sflag:$0x1] =	stream.indirect.gather [hbm4b:s0+s4], $0x1, s6, s4, $0xb8;
	[tilespmem:$0x2400] =	vst v63  }
0x31: {  	s1 =	rddreg [dreg:$0x4];
	s8 =	simm.s32 $0x1400  }
0x32: {  	[tilespmem:s8], [sflag:$0x1] =	stream.indirect.gather [hbm4b:s1+s4], $0x1, s4, s4, $0xb8;
	[tilespmem:$0x2400] =	vst v63  }
0x33: {  	_ = 	snop  }
0x34: {  	[tilespmem:s19], [sflag:$0x1] =	stream.indirect.gather [hbm4b:s9+s4], $0x1, s4, s4, $0xb8;
	[tilespmem:$0x2400] =	vst v63  }
0x35: {  	_ = 	snop  }
0x36: {  	[tilespmem:s20], [sflag:$0x1] =	stream.indirect.gather [hbm4b:s10+s4], $0x1, s4, s4, $0xb8;
	[tilespmem:$0x2400] =	vst v63  }
0x37: {  	_ = 	snop  }
0x38: {  	[tilespmem:s21], [sflag:$0x1] =	stream.indirect.gather [hbm4b:s11+s4], $0x1, s4, s4, $0xb8;
	[tilespmem:$0x2400] =	vst v63  }
0x39: {  	_ = 	snop  }
0x3a: {  	[tilespmem:s25], [sflag:$0x1] =	stream.indirect.gather [hbm4b:s12+s4], $0x1, s4, s4, $0xb8;
	[tilespmem:$0x2400] =	vst v63  }
0x3b: {  	_ = 	snop  }
0x3c: {  	[tilespmem:s26], [sflag:$0x1] =	stream.indirect.gather [hbm4b:s13+s4], $0x1, s4, s4, $0xb8;
	[tilespmem:$0x2400] =	vst v63  }
0x3d: {  	_ = 	snop  }
0x3e: {  	[tilespmem:s28], [sflag:$0x1] =	stream.indirect.gather [hbm4b:s14+s4], $0x1, s4, s4, $0xb8;
	[tilespmem:$0x2400] =	vst v63  }
0x3f: {  	_ = 	snop  }
0x40: {  	[tilespmem:s29], [sflag:$0x1] =	stream.indirect.gather [hbm4b:s15+s4], $0x1, s4, s4, $0xb8;
	[tilespmem:$0x2400] =	vst v63  }
0x41: {  	_ =	swait.ge [sflag:s7], $0x200  }
0x42: {  	[sflag:s7] =	ssyncset.done $0x0  }
0x43: {  	[sflag:s7] =	ssyncadd.s32 $0xFFFFFE00  }
0x44: {  	_ =	swait.ge [sflag:s7], $0x200  }
0x45: {  	[sflag:s7] =	ssyncset.done $0x0  }
0x46: {  	[sflag:s7] =	ssyncadd.s32 $0xFFFFFE00  }
0x47: {  	_ =	swait.ge [sflag:s7], $0x200  }
0x48: {  	[sflag:s7] =	ssyncset.done $0x0  }
0x49: {  	[sflag:s7] =	ssyncadd.s32 $0xFFFFFE00  }
0x4a: {  	_ =	swait.ge [sflag:s7], $0x200  }
0x4b: {  	[sflag:s7] =	ssyncset.done $0x0  }
0x4c: {  	[sflag:s7] =	ssyncadd.s32 $0xFFFFFE00  }
0x4d: {  	_ =	swait.ge [sflag:s7], $0x200  }
0x4e: {  	[sflag:s7] =	ssyncset.done $0x0  }
0x4f: {  	[sflag:s7] =	ssyncadd.s32 $0xFFFFFE00  }
0x50: {  	_ =	swait.ge [sflag:s7], $0x200  }
0x51: {  	[sflag:s7] =	ssyncset.done $0x0  }
0x52: {  	[sflag:s7] =	ssyncadd.s32 $0xFFFFFE00  }
0x53: {  	_ =	swait.ge [sflag:s7], $0x200  }
0x54: {  	[sflag:s7] =	ssyncset.done $0x0  }
0x55: {  	[sflag:s7] =	ssyncadd.s32 $0xFFFFFE00  }
0x56: {  	_ =	swait.ge [sflag:s7], $0x200  }
0x57: {  	[sflag:s7] =	ssyncset.done $0x0  }
0x58: {  	[sflag:s7] =	ssyncadd.s32 $0xFFFFFE00  }
0x59: {  	_ =	swait.ge [sflag:s7], $0x200  }
0x5a: {  	[sflag:s7] =	ssyncset.done $0x0  }
0x5b: {  	[sflag:s7] =	ssyncadd.s32 $0xFFFFFE00  }
0x5c: {  	_ =	swait.ge [sflag:s7], $0x200  }
0x5d: {  	[sflag:s7] =	ssyncset.done $0x0  }
0x5e: {  	[sflag:s7] =	ssyncadd.s32 $0xFFFFFE00  }
0x5f: {  	_ =	swait.ge [sflag:s7], $0x200  }
0x60: {  	[sflag:s7] =	ssyncset.done $0x0  }
0x61: {  	[sflag:s7] =	ssyncadd.s32 $0xFFFFFE00  }
0x62: {  	_ =	swait.ge [sflag:s7], $0x200  }
0x63: {  	[sflag:s7] =	ssyncset.done $0x0  }
0x64: {  	[sflag:s7] =	ssyncadd.s32 $0xFFFFFE00  }
0x65: {  	_ =	swait.ge [sflag:s7], $0x200  }
0x66: {  	[sflag:s7] =	ssyncset.done $0x0  }
0x67: {  	[sflag:s7] =	ssyncadd.s32 $0xFFFFFE00  }
0x68: {  	_ =	swait.ge [sflag:s7], $0x200  }
0x69: {  	[sflag:s7] =	ssyncset.done $0x0  }
0x6a: {  	[sflag:s7] =	ssyncadd.s32 $0xFFFFFE00  }
0x6b: {  	_ =	swait.ge [sflag:s7], $0x200  }
0x6c: {  	[sflag:s7] =	ssyncset.done $0x0  }
0x6d: {  	[sflag:s7] =	ssyncadd.s32 $0xFFFFFE00  }
0x6e: {  	p1 =	sne.s32 s18, $0x1;
	_ =	swait.ge [sflag:s7], $0x200  }
.Ltmp1:
0x6f: {  	[sflag:s7] =	ssyncset.done $0x0;
	(pc) =	sbr.rel @!p1 .LBB2_7-.Ltmp1, $4  }
0x70: {  	[sflag:s7] =	ssyncadd.s32 $0xFFFFFE00  }
0x71: {  	[hbm4b:s3+s4] =	stream.strided.scatter [tilespmem:s5], [sflag:$0x2], $0x2000, s16, s4, $0x38;
	[tilespmem:$0x2400] =	vst v63  }
0x72: {  	p0 =	por $0x1, $0x1;
	_ =	swait.ge [sflag:s2], $0x2000  }
0x73: {  	s0 =	sadd.s32 $0xFFFFFFFF, s18;
	s1 =	rddreg [dreg:$0x5];
	[sflag:s2] =	ssyncset.done $0x0  }
0x74: {  	s18 =	simm.s32 $0x1200  }
.LBB2_4:
0x75: {  	[sflag:s2] =	ssyncadd.s32 $0xFFFFE000  }
0x76: {  	[tilespmem:s6], [sflag:$0x2] =	stream.linear.gather [hbm4b:s1+s6], $0x200, $0x38;
	[tilespmem:$0x2400] =	vst v63  }
0x77: {  	_ =	swait.ge [sflag:s2], $0x200  }
0x78: {  	[sflag:s2] =	ssyncset.done $0x0  }
0x79: {  	s8 =	rddreg [dreg:$0x6];
	[sflag:s2] =	ssyncadd.s32 $0xFFFFFE00  }
0x7a: {  	[tilespmem:s4], [sflag:$0x2] =	stream.linear.gather [hbm4b:s8+s6], $0x200, $0x38;
	[tilespmem:$0x2400] =	vst v63  }
0x7b: {  	_ =	swait.ge [sflag:s2], $0x200  }
0x7c: {  	[sflag:s2] =	ssyncset.done $0x0  }
0x7d: {  	s1 =	rddreg [dreg:$0x3];
	[sflag:s2] =	ssyncadd.s32 $0xFFFFFE00  }
0x7e: {  	[tilespmem:s5], [sflag:$0x1] =	stream.indirect.gather [hbm4b:s1+s4], $0x1, s6, s4, $0xb8;
	[tilespmem:$0x2400] =	vst v63  }
0x7f: {  	s8 =	rddreg [dreg:$0x7]  }
0x80: {  	[tilespmem:s17], [sflag:$0x1] =	stream.indirect.gather [hbm4b:s8+s4], $0x1, s6, s4, $0xb8;
	[tilespmem:$0x2400] =	vst v63  }
0x81: {  	s1 =	rddreg [dreg:$0x8]  }
0x82: {  	[tilespmem:s31], [sflag:$0x1] =	stream.indirect.gather [hbm4b:s1+s4], $0x1, s6, s4, $0xb8;
	[tilespmem:$0x2400] =	vst v63  }
0x83: {  	s8 =	rddreg [dreg:$0x9]  }
0x84: {  	[tilespmem:s30], [sflag:$0x1] =	stream.indirect.gather [hbm4b:s8+s4], $0x1, s6, s4, $0xb8;
	[tilespmem:$0x2400] =	vst v63  }
0x85: {  	s1 =	rddreg [dreg:$0xa]  }
0x86: {  	[tilespmem:s24], [sflag:$0x1] =	stream.indirect.gather [hbm4b:s1+s4], $0x1, s6, s4, $0xb8;
	[tilespmem:$0x2400] =	vst v63  }
0x87: {  	s8 =	rddreg [dreg:$0xb]  }
0x88: {  	[tilespmem:s23], [sflag:$0x1] =	stream.indirect.gather [hbm4b:s8+s4], $0x1, s6, s4, $0xb8;
	[tilespmem:$0x2400] =	vst v63  }
0x89: {  	s1 =	rddreg [dreg:$0xc]  }
0x8a: {  	[tilespmem:s22], [sflag:$0x1] =	stream.indirect.gather [hbm4b:s1+s4], $0x1, s6, s4, $0xb8;
	[tilespmem:$0x2400] =	vst v63  }
0x8b: {  	s8 =	rddreg [dreg:$0xd]  }
0x8c: {  	[tilespmem:s18], [sflag:$0x1] =	stream.indirect.gather [hbm4b:s8+s4], $0x1, s6, s4, $0xb8;
	[tilespmem:$0x2400] =	vst v63  }
0x8d: {  	s1 =	rddreg [dreg:$0x4];
	s8 =	simm.s32 $0x1400  }
0x8e: {  	[tilespmem:s8], [sflag:$0x1] =	stream.indirect.gather [hbm4b:s1+s4], $0x1, s4, s4, $0xb8;
	[tilespmem:$0x2400] =	vst v63  }
0x8f: {  	_ = 	snop  }
0x90: {  	[tilespmem:s19], [sflag:$0x1] =	stream.indirect.gather [hbm4b:s9+s4], $0x1, s4, s4, $0xb8;
	[tilespmem:$0x2400] =	vst v63  }
0x91: {  	_ = 	snop  }
0x92: {  	[tilespmem:s20], [sflag:$0x1] =	stream.indirect.gather [hbm4b:s10+s4], $0x1, s4, s4, $0xb8;
	[tilespmem:$0x2400] =	vst v63  }
0x93: {  	_ = 	snop  }
0x94: {  	[tilespmem:s21], [sflag:$0x1] =	stream.indirect.gather [hbm4b:s11+s4], $0x1, s4, s4, $0xb8;
	[tilespmem:$0x2400] =	vst v63  }
0x95: {  	_ = 	snop  }
0x96: {  	[tilespmem:s25], [sflag:$0x1] =	stream.indirect.gather [hbm4b:s12+s4], $0x1, s4, s4, $0xb8;
	[tilespmem:$0x2400] =	vst v63  }
0x97: {  	_ = 	snop  }
0x98: {  	[tilespmem:s26], [sflag:$0x1] =	stream.indirect.gather [hbm4b:s13+s4], $0x1, s4, s4, $0xb8;
	[tilespmem:$0x2400] =	vst v63  }
0x99: {  	_ = 	snop  }
0x9a: {  	[tilespmem:s28], [sflag:$0x1] =	stream.indirect.gather [hbm4b:s14+s4], $0x1, s4, s4, $0xb8;
	[tilespmem:$0x2400] =	vst v63  }
0x9b: {  	_ = 	snop  }
0x9c: {  	[tilespmem:s29], [sflag:$0x1] =	stream.indirect.gather [hbm4b:s15+s4], $0x1, s4, s4, $0xb8;
	[tilespmem:$0x2400] =	vst v63  }
0x9d: {  	_ =	swait.ge [sflag:s7], $0x200  }
0x9e: {  	[sflag:s7] =	ssyncset.done $0x0  }
0x9f: {  	[sflag:s7] =	ssyncadd.s32 $0xFFFFFE00  }
0xa0: {  	_ =	swait.ge [sflag:s7], $0x200  }
0xa1: {  	[sflag:s7] =	ssyncset.done $0x0  }
0xa2: {  	[sflag:s7] =	ssyncadd.s32 $0xFFFFFE00  }
0xa3: {  	_ =	swait.ge [sflag:s7], $0x200  }
0xa4: {  	[sflag:s7] =	ssyncset.done $0x0  }
0xa5: {  	[sflag:s7] =	ssyncadd.s32 $0xFFFFFE00  }
0xa6: {  	_ =	swait.ge [sflag:s7], $0x200  }
0xa7: {  	[sflag:s7] =	ssyncset.done $0x0  }
0xa8: {  	[sflag:s7] =	ssyncadd.s32 $0xFFFFFE00  }
0xa9: {  	_ =	swait.ge [sflag:s7], $0x200  }
0xaa: {  	[sflag:s7] =	ssyncset.done $0x0  }
0xab: {  	[sflag:s7] =	ssyncadd.s32 $0xFFFFFE00  }
0xac: {  	_ =	swait.ge [sflag:s7], $0x200  }
0xad: {  	[sflag:s7] =	ssyncset.done $0x0  }
0xae: {  	[sflag:s7] =	ssyncadd.s32 $0xFFFFFE00  }
0xaf: {  	_ =	swait.ge [sflag:s7], $0x200  }
0xb0: {  	[sflag:s7] =	ssyncset.done $0x0  }
0xb1: {  	[sflag:s7] =	ssyncadd.s32 $0xFFFFFE00  }
0xb2: {  	_ =	swait.ge [sflag:s7], $0x200  }
0xb3: {  	[sflag:s7] =	ssyncset.done $0x0  }
0xb4: {  	[sflag:s7] =	ssyncadd.s32 $0xFFFFFE00  }
0xb5: {  	_ =	swait.ge [sflag:s7], $0x200  }
0xb6: {  	[sflag:s7] =	ssyncset.done $0x0  }
0xb7: {  	[sflag:s7] =	ssyncadd.s32 $0xFFFFFE00  }
0xb8: {  	_ =	swait.ge [sflag:s7], $0x200  }
0xb9: {  	[sflag:s7] =	ssyncset.done $0x0  }
0xba: {  	[sflag:s7] =	ssyncadd.s32 $0xFFFFFE00  }
0xbb: {  	_ =	swait.ge [sflag:s7], $0x200  }
0xbc: {  	[sflag:s7] =	ssyncset.done $0x0  }
0xbd: {  	[sflag:s7] =	ssyncadd.s32 $0xFFFFFE00  }
0xbe: {  	_ =	swait.ge [sflag:s7], $0x200  }
0xbf: {  	[sflag:s7] =	ssyncset.done $0x0  }
0xc0: {  	[sflag:s7] =	ssyncadd.s32 $0xFFFFFE00  }
0xc1: {  	_ =	swait.ge [sflag:s7], $0x200  }
0xc2: {  	[sflag:s7] =	ssyncset.done $0x0  }
0xc3: {  	[sflag:s7] =	ssyncadd.s32 $0xFFFFFE00  }
0xc4: {  	_ =	swait.ge [sflag:s7], $0x200  }
0xc5: {  	[sflag:s7] =	ssyncset.done $0x0  }
0xc6: {  	[sflag:s7] =	ssyncadd.s32 $0xFFFFFE00  }
0xc7: {  	_ =	swait.ge [sflag:s7], $0x200  }
0xc8: {  	[sflag:s7] =	ssyncset.done $0x0  }
0xc9: {  	[sflag:s7] =	ssyncadd.s32 $0xFFFFFE00  }
0xca: {  	p1 =	sne.s32 s0, $0x1;
	_ =	swait.ge [sflag:s7], $0x200  }
.Ltmp2:
0xcb: {  	[sflag:s7] =	ssyncset.done $0x0;
	(pc) =	sbr.rel @p1 .LBB2_4-.Ltmp2, $4  }
0xcc: {  	[sflag:s7] =	ssyncadd.s32 $0xFFFFFE00  }
0xcd: {  	[hbm4b:s3+s4] =	stream.strided.scatter [tilespmem:s5], [sflag:$0x2], $0x2000, s16, s4, $0x38;
	[tilespmem:$0x2400] =	vst v63  }
0xce: {  	_ =	swait.ge [sflag:s2], $0x2000  }
0xcf: {  	s0 =	sadd.s32 $0xFFFFFFFF, s0;
	s1 =	rddreg [dreg:$0x5];
	[sflag:s2] =	ssyncset.done $0x0  }
0xd0: {  	s16 =	simm.s32 $0x600  }
0xd1: {  	s31 =	simm.s32 $0x800;
	s30 =	simm.s32 $0xA00;
	s29 =	simm.s32 $0x2200  }
0xd2: {  	s28 =	simm.s32 $0x2000;
	s26 =	simm.s32 $0x1E00;
	s25 =	simm.s32 $0x1C00  }
0xd3: {  	s24 =	simm.s32 $0xC00;
	s23 =	simm.s32 $0xE00;
	s22 =	simm.s32 $0x1000  }
0xd4: {  	s21 =	simm.s32 $0x1A00;
	s20 =	simm.s32 $0x1800;
	s19 =	simm.s32 $0x1600  }
0xd5: {  	s18 =	simm.s32 $0x1400;
	s17 =	simm.s32 $0x1200;
	s8 =	rddreg [dreg:$0x2]  }
.LBB2_6:
0xd6: {  	[sflag:s2] =	ssyncadd.s32 @p0 $0xFFFFE000  }
0xd7: {  	[tilespmem:s6], [sflag:$0x2] =	stream.linear.gather [hbm4b:s1+s6], $0x200, $0x38;
	[tilespmem:$0x2400] =	vst v63  }
0xd8: {  	_ =	swait.ge [sflag:s2], $0x200  }
0xd9: {  	[sflag:s2] =	ssyncset.done $0x0  }
0xda: {  	s0 =	rddreg [dreg:$0x6];
	[sflag:s2] =	ssyncadd.s32 $0xFFFFFE00  }
0xdb: {  	[tilespmem:s4], [sflag:$0x2] =	stream.linear.gather [hbm4b:s0+s6], $0x200, $0x38;
	[tilespmem:$0x2400] =	vst v63  }
0xdc: {  	_ =	swait.ge [sflag:s2], $0x200  }
0xdd: {  	[sflag:s2] =	ssyncset.done $0x0  }
0xde: {  	s0 =	rddreg [dreg:$0x3];
	[sflag:s2] =	ssyncadd.s32 $0xFFFFFE00  }
0xdf: {  	[tilespmem:s5], [sflag:$0x1] =	stream.indirect.gather [hbm4b:s0+s4], $0x1, s6, s4, $0xb8;
	[tilespmem:$0x2400] =	vst v63  }
0xe0: {  	s1 =	rddreg [dreg:$0x7]  }
0xe1: {  	[tilespmem:s16], [sflag:$0x1] =	stream.indirect.gather [hbm4b:s1+s4], $0x1, s6, s4, $0xb8;
	[tilespmem:$0x2400] =	vst v63  }
0xe2: {  	s0 =	rddreg [dreg:$0x8]  }
0xe3: {  	[tilespmem:s31], [sflag:$0x1] =	stream.indirect.gather [hbm4b:s0+s4], $0x1, s6, s4, $0xb8;
	[tilespmem:$0x2400] =	vst v63  }
0xe4: {  	s1 =	rddreg [dreg:$0x9]  }
0xe5: {  	[tilespmem:s30], [sflag:$0x1] =	stream.indirect.gather [hbm4b:s1+s4], $0x1, s6, s4, $0xb8;
	[tilespmem:$0x2400] =	vst v63  }
0xe6: {  	s16 =	rddreg [dreg:$0xa]  }
0xe7: {  	[tilespmem:s24], [sflag:$0x1] =	stream.indirect.gather [hbm4b:s16+s4], $0x1, s6, s4, $0xb8;
	[tilespmem:$0x2400] =	vst v63  }
0xe8: {  	s31 =	rddreg [dreg:$0xb]  }
0xe9: {  	[tilespmem:s23], [sflag:$0x1] =	stream.indirect.gather [hbm4b:s31+s4], $0x1, s6, s4, $0xb8;
	[tilespmem:$0x2400] =	vst v63  }
0xea: {  	s16 =	rddreg [dreg:$0xc]  }
0xeb: {  	[tilespmem:s22], [sflag:$0x1] =	stream.indirect.gather [hbm4b:s16+s4], $0x1, s6, s4, $0xb8;
	[tilespmem:$0x2400] =	vst v63  }
0xec: {  	s23 =	rddreg [dreg:$0xd]  }
0xed: {  	[tilespmem:s17], [sflag:$0x1] =	stream.indirect.gather [hbm4b:s23+s4], $0x1, s6, s4, $0xb8;
	[tilespmem:$0x2400] =	vst v63  }
0xee: {  	s24 =	rddreg [dreg:$0x4]  }
0xef: {  	[tilespmem:s18], [sflag:$0x1] =	stream.indirect.gather [hbm4b:s24+s4], $0x1, s4, s4, $0xb8;
	[tilespmem:$0x2400] =	vst v63  }
0xf0: {  	_ = 	snop  }
0xf1: {  	[tilespmem:s19], [sflag:$0x1] =	stream.indirect.gather [hbm4b:s9+s4], $0x1, s4, s4, $0xb8;
	[tilespmem:$0x2400] =	vst v63  }
0xf2: {  	_ = 	snop  }
0xf3: {  	[tilespmem:s20], [sflag:$0x1] =	stream.indirect.gather [hbm4b:s10+s4], $0x1, s4, s4, $0xb8;
	[tilespmem:$0x2400] =	vst v63  }
0xf4: {  	_ = 	snop  }
0xf5: {  	[tilespmem:s21], [sflag:$0x1] =	stream.indirect.gather [hbm4b:s11+s4], $0x1, s4, s4, $0xb8;
	[tilespmem:$0x2400] =	vst v63  }
0xf6: {  	_ = 	snop  }
0xf7: {  	[tilespmem:s25], [sflag:$0x1] =	stream.indirect.gather [hbm4b:s12+s4], $0x1, s4, s4, $0xb8;
	[tilespmem:$0x2400] =	vst v63  }
0xf8: {  	_ = 	snop  }
0xf9: {  	[tilespmem:s26], [sflag:$0x1] =	stream.indirect.gather [hbm4b:s13+s4], $0x1, s4, s4, $0xb8;
	[tilespmem:$0x2400] =	vst v63  }
0xfa: {  	_ = 	snop  }
0xfb: {  	[tilespmem:s28], [sflag:$0x1] =	stream.indirect.gather [hbm4b:s14+s4], $0x1, s4, s4, $0xb8;
	[tilespmem:$0x2400] =	vst v63  }
0xfc: {  	_ = 	snop  }
0xfd: {  	[tilespmem:s29], [sflag:$0x1] =	stream.indirect.gather [hbm4b:s15+s4], $0x1, s4, s4, $0xb8;
	[tilespmem:$0x2400] =	vst v63  }
0xfe: {  	_ =	swait.ge [sflag:s7], $0x200  }
0xff: {  	[sflag:s7] =	ssyncset.done $0x0  }
0x100: {  	[sflag:s7] =	ssyncadd.s32 $0xFFFFFE00  }
0x101: {  	_ =	swait.ge [sflag:s7], $0x200  }
0x102: {  	[sflag:s7] =	ssyncset.done $0x0  }
0x103: {  	[sflag:s7] =	ssyncadd.s32 $0xFFFFFE00  }
0x104: {  	_ =	swait.ge [sflag:s7], $0x200  }
0x105: {  	[sflag:s7] =	ssyncset.done $0x0  }
0x106: {  	[sflag:s7] =	ssyncadd.s32 $0xFFFFFE00  }
0x107: {  	_ =	swait.ge [sflag:s7], $0x200  }
0x108: {  	[sflag:s7] =	ssyncset.done $0x0  }
0x109: {  	[sflag:s7] =	ssyncadd.s32 $0xFFFFFE00  }
0x10a: {  	_ =	swait.ge [sflag:s7], $0x200  }
0x10b: {  	[sflag:s7] =	ssyncset.done $0x0  }
0x10c: {  	[sflag:s7] =	ssyncadd.s32 $0xFFFFFE00  }
0x10d: {  	_ =	swait.ge [sflag:s7], $0x200  }
0x10e: {  	[sflag:s7] =	ssyncset.done $0x0  }
0x10f: {  	[sflag:s7] =	ssyncadd.s32 $0xFFFFFE00  }
0x110: {  	_ =	swait.ge [sflag:s7], $0x200  }
0x111: {  	[sflag:s7] =	ssyncset.done $0x0  }
0x112: {  	[sflag:s7] =	ssyncadd.s32 $0xFFFFFE00  }
0x113: {  	_ =	swait.ge [sflag:s7], $0x200  }
0x114: {  	[sflag:s7] =	ssyncset.done $0x0  }
0x115: {  	[sflag:s7] =	ssyncadd.s32 $0xFFFFFE00  }
0x116: {  	_ =	swait.ge [sflag:s7], $0x200  }
0x117: {  	[sflag:s7] =	ssyncset.done $0x0  }
0x118: {  	[sflag:s7] =	ssyncadd.s32 $0xFFFFFE00  }
0x119: {  	_ =	swait.ge [sflag:s7], $0x200  }
0x11a: {  	[sflag:s7] =	ssyncset.done $0x0  }
0x11b: {  	[sflag:s7] =	ssyncadd.s32 $0xFFFFFE00  }
0x11c: {  	_ =	swait.ge [sflag:s7], $0x200  }
0x11d: {  	[sflag:s7] =	ssyncset.done $0x0  }
0x11e: {  	[sflag:s7] =	ssyncadd.s32 $0xFFFFFE00  }
0x11f: {  	_ =	swait.ge [sflag:s7], $0x200  }
0x120: {  	[sflag:s7] =	ssyncset.done $0x0  }
0x121: {  	[sflag:s7] =	ssyncadd.s32 $0xFFFFFE00  }
0x122: {  	_ =	swait.ge [sflag:s7], $0x200  }
0x123: {  	[sflag:s7] =	ssyncset.done $0x0  }
0x124: {  	[sflag:s7] =	ssyncadd.s32 $0xFFFFFE00  }
0x125: {  	_ =	swait.ge [sflag:s7], $0x200  }
0x126: {  	[sflag:s7] =	ssyncset.done $0x0  }
0x127: {  	[sflag:s7] =	ssyncadd.s32 $0xFFFFFE00  }
0x128: {  	_ =	swait.ge [sflag:s7], $0x200  }
0x129: {  	[sflag:s7] =	ssyncset.done $0x0  }
0x12a: {  	[sflag:s7] =	ssyncadd.s32 $0xFFFFFE00  }
0x12b: {  	_ =	swait.ge [sflag:s7], $0x200  }
0x12c: {  	[sflag:s7] =	ssyncset.done $0x0  }
0x12d: {  	s30 =	simm.s32 $0x4000;
	[sflag:s7] =	ssyncadd.s32 $0xFFFFFE00  }
0x12e: {  	[hbm4b:s3+s4] =	stream.strided.scatter [tilespmem:s5], [sflag:$0x2], $0x2000, s30, s4, $0x38;
	[tilespmem:$0x2400] =	vst v63  }
0x12f: {  	_ =	swait.ge [sflag:s2], $0x2000  }
0x130: {  	[sflag:s2] =	ssyncset.done $0x0  }
0x131: {  	[sflag:s2] =	ssyncadd.s32 $0xFFFFE000  }
0x132: {  	_ =	sfence.sel $0x180000  }
0x133: {  	s31 =	stileid.u32;
	[bflag:$0x0] =	sbarrier.arrive $0xFFFF  }
0x134: {  	p0 =	sne.s32 s31, $0x0;
	_ =	strace $0x9000004D  }
0x135: {  	s0 =	sadd.s32 @!p0 $0x100000, s8;
	[bflag:$0x2] =	sbarrier.arrive $0xFFFF  }
0x136: {  	[sflag:s0] =	ssyncadd.tile.s32 @!p0 $0x1;
	_ =	shalt  }
.LBB2_1:
0x137: {  	s16 =	simm.s32 $0x600  }
.Ltmp3:
0x138: {  	s31 =	simm.s32 $0x800;
	s30 =	simm.s32 $0xA00;
	(pc) =	sbr.rel .LBB2_6-.Ltmp3, $4  }
0x139: {  	s29 =	simm.s32 $0x2200;
	s28 =	simm.s32 $0x2000;
	s26 =	simm.s32 $0x1E00  }
0x13a: {  	s25 =	simm.s32 $0x1C00;
	s24 =	simm.s32 $0xC00;
	s23 =	simm.s32 $0xE00  }
0x13b: {  	s22 =	simm.s32 $0x1000;
	s21 =	simm.s32 $0x1A00;
	s20 =	simm.s32 $0x1800  }
0x13c: {  	s19 =	simm.s32 $0x1600;
	s18 =	simm.s32 $0x1400;
	s17 =	simm.s32 $0x1200  }
.LBB2_7:
0x13d: {  	s16 =	simm.s32 $0x600;
	s31 =	simm.s32 $0x800  }
.Ltmp4:
0x13e: {  	s30 =	simm.s32 $0xA00;
	s29 =	simm.s32 $0x2200;
	(pc) =	sbr.rel .LBB2_6-.Ltmp4, $4  }
0x13f: {  	s28 =	simm.s32 $0x2000;
	s26 =	simm.s32 $0x1E00;
	s25 =	simm.s32 $0x1C00  }
0x140: {  	s24 =	simm.s32 $0xC00;
	s23 =	simm.s32 $0xE00;
	s22 =	simm.s32 $0x1000  }
0x141: {  	s21 =	simm.s32 $0x1A00;
	s20 =	simm.s32 $0x1800;
	s19 =	simm.s32 $0x1600  }
0x142: {  	s18 =	simm.s32 $0x1400;
	s17 =	simm.s32 $0x1200;
	s8 =	rddreg [dreg:$0x2]  }
.Lfunc_end2:
_tile_overlayer_lowered:
.L_overlay_start_2:
0x143: {  	(tag) =	ssettag $0x2  }
0x144: {  	s0 =	rddreg [dreg:$0x0];
	s2 =	stileid.u32  }
0x145: {  	s1 =	rddreg [dreg:$0x1];
	p0 =	sne.s32 s2, $0x0  }
0x146: {  	s3 =	rddreg [dreg:$0x2];
	[bflag:$0x3] =	sbarrier.arrive $0xFFFF;
	s2 =	simm.s32 @!p0 $0x1C02  }
0x147: {  	[timem:s3], [sflag:s2] =	dma.local @!p0 [hbm:s0], s1  }
0x148: {  	s0 =	simm.s32 @!p0 $0x2  }
0x149: {  	_ =	swait.ge @!p0 [sflag:s0], s1  }
0x14a: {  	s1 =	ssub.s32 @!p0 $0x0, s1;
	[sflag:s0] =	ssyncset.done @!p0 $0x0  }
0x14b: {  	[sflag:s0] =	ssyncadd.s32 @!p0 s1  }
0x14c: {  	[bflag:$0x3] =	sbarrier.arrive $0xFFFF  }
0x14d: {  	_ =	shalt  }

// kernel: kernel.6.cloned.1.call-start
scs
__scs_entry_jumppad:
0x0: {  	(pc) =	sbr.rel $0x88, $3  }
0x1: {  	(tag) =	ssettag $0x0;
	lr =	simm.s32 $0x1  }
0x2: {  	[smem:$0x3F91] =	sst lr;
	_ =	strace $0xD0000000  }
0x3: {  	_ = 	snop  }
0x4: {  	_ = 	snop  }
0x5: {  	_ = 	snop  }
0x6: {  	_ = 	snop  }
0x7: {  	_ = 	snop  }
__scs_overlays_trampoline_lowered:
0x8: {  	[smem:$0x3FA0] =	sst s0  }
0x9: {  	[smem:$0x3FA1] =	sst s1  }
0xa: {  	[smem:$0x3FA2] =	sst s2  }
0xb: {  	[smem:$0x3FA3] =	sst s3  }
0xc: {  	[smem:$0x3FA4] =	sst s4  }
0xd: {  	[smem:$0x3FA5] =	sst s5  }
0xe: {  	[smem:$0x3FA6] =	sst s6  }
0xf: {  	[smem:$0x3FA7] =	sst s7  }
0x10: {  	[smem:$0x3FA8] =	sst s8  }
0x11: {  	[smem:$0x3FA9] =	sst s9;
	s0 =	simm.s32 @!p0 $0x0  }
0x12: {  	s1 =	sld [smem:$0x3F8F];
	s0 =	simm.s32 @p0 $0x1  }
0x13: {  	[smem:$0x3FAA] =	sst s0;
	s0 =	simm.s32 @!p1 $0x0  }
0x14: {  	s2 =	sld [smem:$0x3F8E];
	s0 =	simm.s32 @p1 $0x1  }
0x15: {  	[smem:$0x3FAB] =	sst s0;
	s0 =	simm.s32 @!p2 $0x0  }
0x16: {  	s3 =	sld [smem:$0x3FDB];
	s0 =	simm.s32 @p2 $0x1  }
0x17: {  	s4 =	simm.s32 $0x1BF5;
	[smem:$0x3FAD] =	sst s0  }
0x18: {  	s0 =	sld [smem:$0x3F90];
	_ =	swait.ge [sflag:s4], $0x0  }
0x19: {  	s7 =	sld [smem:$0x3F91]  }
0x1a: {  	s8 =	sadd.s32 $0xFFFFE003, lr  }
0x1b: {  	s9 =	sadd.s32 $0xFFFFFEF7, lr;
	s5 =	simm.s32 $0xFFFFFFFF;
	p2 =	slt.u32 s8, $0xFFFFF086  }
0x1c: {  	p1 =	slt.u32 s9, $0xF7A;
	s5 =	simm.s32 @!p2 $0x0  }
0x1d: {  	s5 =	simm.s32 @p1 $0x1;
	p0 =	seq.s32 s7, s2  }
0x1e: {  	s7 =	smul.u32 @!p0 $0xF7A, s2;
	p2 =	seq.s32 @!p0 s5, $0x0  }
0x1f: {  	s9 =	smul.u32 $0xF7A, s1;
	s8 =	simm.s32 @!p0 $0x1BF5;
	p2 =	por !p2, p0  }
0x20: {  	[sflag:s8] =	ssyncset.s32 @!p0 $0xFFFFF086;
	s6 =	sadd.s32 @!p0 s3, s7;
	s7 =	simm.s32 @!p0 $0x108  }
0x21: {  	s3 =	sadd.s32 s3, s9;
	s6 =	sadd.s32 @!p0 $0x88, s6;
	s7 =	simm.s32 @p2 $0x1082  }
0x22: {  	[simem:s7], [sflag:s8] =	dma.local @!p0 [hbm:s6], $0xF7A  }
0x23: {  	s9 =	sor.u32 $0xD0000000, s2;
	s6 =	simm.s32 $0x108;
	_ =	swait.ge @!p0 [sflag:s8], $0x0  }
0x24: {  	s3 =	sadd.s32 $0x88, s3;
	s6 =	simm.s32 @!p1 $0x1082;
	[sflag:s4] =	ssyncset.s32 $0xFFFFF086  }
0x25: {  	[simem:s6], [sflag:s4] =	dma.local [hbm:s3], $0xF7A  }
0x26: {  	[smem:$0x3F91] =	sst s1;
	(tag) =	ssettag s2;
	_ =	strace s9  }
0x27: {  	s1 =	sld [smem:$0x3FA1]  }
0x28: {  	s2 =	sld [smem:$0x3FA2]  }
0x29: {  	s4 =	sld [smem:$0x3FA4]  }
0x2a: {  	p0 =	seq.s32 s5, $0x0;
	s5 =	sld [smem:$0x3FA5]  }
0x2b: {  	s6 =	sld [smem:$0x3FA6]  }
0x2c: {  	s7 =	sld [smem:$0x3FA7]  }
0x2d: {  	s3 =	simm.s32 $0x108;
	s8 =	sld [smem:$0x3FA8]  }
0x2e: {  	s3 =	simm.s32 @!p0 $0x1082;
	s9 =	sld [smem:$0x3FA9]  }
0x2f: {  	lr =	sadd.s32 s0, s3;
	s0 =	sld [smem:$0x3FA0]  }
0x30: {  	s3 =	sld [smem:$0x3FA3]  }
0x31: {  	[smem:$0x3FAC] =	sst s10  }
0x32: {  	s10 =	sld [smem:$0x3FAA];
	_ =	sdelay $0x3  }
0x33: {  	p0 =	seq.s32 s10, $0x1;
	s10 =	sld [smem:$0x3FAC];
	_ =	sdelay $0x3  }
0x34: {  	[smem:$0x3FAC] =	sst s10  }
0x35: {  	s10 =	sld [smem:$0x3FAB];
	_ =	sdelay $0x3  }
0x36: {  	p1 =	seq.s32 s10, $0x1;
	s10 =	sld [smem:$0x3FAC];
	_ =	sdelay $0x3  }
0x37: {  	[smem:$0x3FAC] =	sst s10  }
0x38: {  	s10 =	sld [smem:$0x3FAD]  }
0x39: {  	_ = 	snop;
	(pc) =	sbr.ind lr, $3  }
0x3a: {  	_ = 	snop  }
0x3b: {  	_ = 	snop  }
0x3c: {  	p2 =	seq.s32 s10, $0x1;
	s10 =	sld [smem:$0x3FAC]  }
0x3d: {  	_ =	shalt  }
0x3e: {  	_ =	shalt  }
0x3f: {  	_ =	shalt  }
0x40: {  	_ =	shalt  }
0x41: {  	_ =	shalt  }
0x42: {  	_ =	shalt  }
0x43: {  	_ =	shalt  }
0x44: {  	_ =	shalt  }
0x45: {  	_ =	shalt  }
0x46: {  	_ =	shalt  }
0x47: {  	_ =	shalt  }
0x48: {  	_ =	shalt  }
0x49: {  	_ =	shalt  }
0x4a: {  	_ =	shalt  }
0x4b: {  	_ =	shalt  }
0x4c: {  	_ =	shalt  }
0x4d: {  	_ =	shalt  }
0x4e: {  	_ =	shalt  }
0x4f: {  	_ =	shalt  }
0x50: {  	_ =	shalt  }
0x51: {  	_ =	shalt  }
0x52: {  	_ =	shalt  }
0x53: {  	_ =	shalt  }
0x54: {  	_ =	shalt  }
0x55: {  	_ =	shalt  }
0x56: {  	_ =	shalt  }
0x57: {  	_ =	shalt  }
0x58: {  	_ =	shalt  }
0x59: {  	_ =	shalt  }
0x5a: {  	_ =	shalt  }
0x5b: {  	_ =	shalt  }
0x5c: {  	_ =	shalt  }
0x5d: {  	_ =	shalt  }
0x5e: {  	_ =	shalt  }
0x5f: {  	_ =	shalt  }
0x60: {  	_ =	shalt  }
0x61: {  	_ =	shalt  }
0x62: {  	_ =	shalt  }
0x63: {  	_ =	shalt  }
0x64: {  	_ =	shalt  }
0x65: {  	_ =	shalt  }
0x66: {  	_ =	shalt  }
0x67: {  	_ =	shalt  }
0x68: {  	_ =	shalt  }
0x69: {  	_ =	shalt  }
0x6a: {  	_ =	shalt  }
0x6b: {  	_ =	shalt  }
0x6c: {  	_ =	shalt  }
0x6d: {  	_ =	shalt  }
0x6e: {  	_ =	shalt  }
0x6f: {  	_ =	shalt  }
0x70: {  	_ =	shalt  }
0x71: {  	_ =	shalt  }
0x72: {  	_ =	shalt  }
0x73: {  	_ =	shalt  }
0x74: {  	_ =	shalt  }
0x75: {  	_ =	shalt  }
0x76: {  	_ =	shalt  }
0x77: {  	_ =	shalt  }
0x78: {  	_ =	shalt  }
0x79: {  	_ =	shalt  }
0x7a: {  	_ =	shalt  }
0x7b: {  	_ =	shalt  }
0x7c: {  	_ =	shalt  }
0x7d: {  	_ =	shalt  }
0x7e: {  	_ =	shalt  }
0x7f: {  	_ =	shalt  }
0x80: {  	_ =	shalt  }
0x81: {  	_ =	shalt  }
0x82: {  	_ =	shalt  }
0x83: {  	_ =	shalt  }
0x84: {  	_ =	shalt  }
0x85: {  	_ =	shalt  }
0x86: {  	_ =	shalt  }
0x87: {  	_ =	shalt  }
.Lfunc_end0:
.L_simem_size_0:
called_computation_lowered:
.L_overlay_start_0:
0x88: {  	s2 =	sld [smem:$0x3FD9]  }
0x89: {  	s3 =	sld [smem:$0x3FFE];
	_ =	sdelay $0x1  }
0x8a: {  	s1 =	srdreg.scid  }
0x8b: {  	s0 =	sand.u32 $0x1, s1  }
0x8c: {  	s16 =	sshll.u32 s0, $0xA;
	s2 =	sadd.s32 s3, s2  }
0x8d: {  	s2 =	sadd.s32 s2, s16  }
0x8e: {  	[smem:$0x3FB8] =	sst s2  }
0x8f: {  	_ = 	snop  }
0x90: {  	(tm) =	ssettm $0x1  }
0x91: {  	s17 =	sld [smem:$0x3FFB];
	_ =	sdelay $0x3  }
0x92: {  	_ =	strace s17  }
0x93: {  	s2 =	sld [smem:$0x3FFC];
	_ =	sdelay $0x3  }
0x94: {  	_ =	strace s2  }
0x95: {  	s2 =	sld [smem:$0x3FFD];
	_ =	sdelay $0x3  }
0x96: {  	_ =	strace s2  }
0x97: {  	_ =	strace $0x8FFFFFFF  }
0x98: {  	s18 =	sld [smem:$0x3FDB];
	_ =	sdelay $0x1  }
0x99: {  	s19 =	simm.s32 $_scs_section_size  }
0x9a: {  	s4 =	simm.s32 $_size__tile_overlayer_lowered;
	s5 =	simm.s32 $_tile_overlayer_lowered  }
0x9b: {  	s22 =	simm.s32 $0x1BFF;
	s21 =	sshll.u32 s5, $0x1;
	s2 =	sadd.s32 s19, s18  }
0x9c: {  	s6 =	simm.s32 $0x0;
	s20 =	sshll.u32 s4, $0x1;
	s4 =	sadd.s32 s21, s2  }
0x9d: {  	[timem:s6], [sflag:s22] =	dma.local [hbm:s4], s20  }
0x9e: {  	_ =	swait.ge [sflag:s22], s20  }
0x9f: {  	s3 =	ssub.s32 $0x0, s20;
	[sflag:s22] =	ssyncset.done $0x0  }
0xa0: {  	[sflag:s22] =	ssyncadd.s32 s3;
	_ =	sdelay $0x1  }
0xa1: {  	s23 =	simm.s32 $0x1B8B  }
0xa2: {  	_ =	swait.ge [sflag:s23], $0x1  }
0xa3: {  	[sflag:s23] =	ssyncset.done $0x0  }
0xa4: {  	s25 =	simm.s32 $0x1B8E;
	s24 =	sld [smem:$0x3FFE];
	[sflag:s23] =	ssyncadd.s32 $0xFFFFFFFF  }
0xa5: {  	s26 =	simm.s32 $execute0_lowered;
	[smem:$0x3FD2] =	sst s25  }
0xa6: {  	s4 =	sshll.u32 s26, $0x1;
	_ =	strace $0x80000046;
	[dreg:$0x1] =	wrdreg $0xFFFFFFFF  }
0xa7: {  	s28 =	simm.s32 $_size_execute0_lowered;
	s2 =	sadd.s32 s2, s4;
	[dreg:$0x0] =	wrdreg $0x0  }
0xa8: {  	s4 =	sshll.u32 s28, $0x1;
	[dreg:$0x2] =	wrdreg s2  }
0xa9: {  	[dreg:$0x3] =	wrdreg s4  }
0xaa: {  	[dreg:$0x4] =	wrdreg $0xC0  }
0xab: {  	_ =	task [dreg:s6], $0x5FFFF  }
0xac: {  	[dreg:$0x1] =	wrdreg $0xFFFFFFFF  }
0xad: {  	[dreg:$0x0] =	wrdreg $0x60  }
0xae: {  	[dreg:$0x2] =	wrdreg s24  }
0xaf: {  	[dreg:$0x3] =	wrdreg $0x9  }
0xb0: {  	_ =	task.clear_ibuf [dreg:s6], $0x4FFFF;
	_ =	strace $0x90000046  }
0xb1: {  	s29 =	simm.s32 $0x9;
	_ =	strace $0x80000048  }
0xb2: {  	_ =	swait.ge [sflag:s29], $0x1  }
0xb3: {  	[sflag:s29] =	ssyncadd.s32 $0xFFFFFFFF  }
0xb4: {  	_ =	strace $0x90000048  }
0xb5: {  	_ =	sfence  }
0xb6: {  	s30 =	sld [smem:$0x0];
	_ =	sdelay $0x2  }
0xb7: {  	s31 =	sshll.u32 s1, $0xD;
	s1 =	sshrl.u32 s1, $0x2  }
0xb8: {  	s3 =	sand.u32 $0x4000, s31;
	s1 =	sadd.s32 s1, s30  }
0xb9: {  	s0 =	sor.u32 s3, s0;
	s1 =	sshll.u32 s1, $0x11  }
0xba: {  	s0 =	sor.u32 s1, s0  }
0xbb: {  	s0 =	sadd.s32 $0x8F2B, s0  }
0xbc: {  	[sflag:s0] =	ssyncadd.remote.s32 $0x1  }
0xbd: {  	_ =	sfence.sel $0xFFFF  }
0xbe: {  	[dreg:$0x0] =	wrdreg $0xFFFFFFFF;
	(pc) =	sbr.abs _section_cstart, $3  }
0xbf: {  	[dreg:$0x1] =	wrdreg $0xFFFFFFFF  }
0xc0: {  	_ =	task.clear_ibuf [dreg:s6], $0x2FFFF;
	_ =	strace $0x9FFFFFFF  }
0xc1: {  	(tm) =	ssettm $0x7FFFFFFF  }
tec
execute0_lowered:
.L_overlay_start_1:
0x0: {  	(tag) =	ssettag $0x1  }
0x1: {  	s0 =	srdreg.scid  }
0x2: {  	s26 =	rddreg [dreg:$0x0];
	s1 =	stileid.u32;
	s0 =	sand.u32 $0x1, s0  }
0x3: {  	s2 =	simm.s32 $0x0;
	s3 =	sshll.u32 s1, $0x7;
	s4 =	sshll.u32 s0, $0x6  }
0x4: {  	[smem:$0x7FF] =	sst s2;
	s3 =	sor.u32 s4, s3  }
0x5: {  	s25 =	sadd.s32 $0x4000, s26;
	_ =	strace $0x80000047;
	s30 =	sadd.s32 s3, s26  }
0x6: {  	[dreg:$0x2] =	wrdreg s25;
	s3 =	simm.s32 $0x2;
	s4 =	sadd.s32 $0x3000, s30  }
0x7: {  	[tilespmem:s2], [sflag:$0x2] =	stream.linear.gather [hbm4b:s4+s2], $0x200, $0x38;
	[tilespmem:$0x1A00] =	vst v63  }
0x8: {  	_ =	swait.ge [sflag:s3], $0x200  }
0x9: {  	[sflag:s3] =	ssyncset.done $0x0  }
0xa: {  	s5 =	simm.s32 $0x200;
	s6 =	rddreg [dreg:$0x2];
	[sflag:s3] =	ssyncadd.s32 $0xFFFFFE00  }
0xb: {  	[tilespmem:s5], [sflag:$0x1] =	stream.indirect.gather [hbm4b:s6+s5], $0x1, s2, s5, $0xb8;
	[tilespmem:$0x1A00] =	vst v63  }
0xc: {  	s7 =	simm.s32 $0x400;
	s6 =	sadd.s32 $0x70D4, s26  }
0xd: {  	[tilespmem:s7], [sflag:$0x1] =	stream.indirect.gather [hbm4b:s6+s5], $0x1, s2, s5, $0xb8;
	[tilespmem:$0x1A00] =	vst v63  }
0xe: {  	s9 =	simm.s32 $0x600;
	s8 =	sadd.s32 $0xA1A8, s26  }
0xf: {  	[tilespmem:s9], [sflag:$0x1] =	stream.indirect.gather [hbm4b:s8+s5], $0x1, s2, s5, $0xb8;
	[tilespmem:$0x1A00] =	vst v63  }
0x10: {  	s11 =	simm.s32 $0x800;
	s10 =	sadd.s32 $0xD27C, s26  }
0x11: {  	[tilespmem:s11], [sflag:$0x1] =	stream.indirect.gather [hbm4b:s10+s5], $0x1, s2, s5, $0xb8;
	[tilespmem:$0x1A00] =	vst v63  }
0x12: {  	s13 =	simm.s32 $0xA00;
	s12 =	sadd.s32 $0x10350, s26  }
0x13: {  	[tilespmem:s13], [sflag:$0x1] =	stream.indirect.gather [hbm4b:s12+s5], $0x1, s2, s5, $0xb8;
	[tilespmem:$0x1A00] =	vst v63  }
0x14: {  	s15 =	simm.s32 $0xC00;
	s14 =	sadd.s32 $0x13424, s26  }
0x15: {  	[tilespmem:s15], [sflag:$0x1] =	stream.indirect.gather [hbm4b:s14+s5], $0x1, s2, s5, $0xb8;
	[tilespmem:$0x1A00] =	vst v63  }
0x16: {  	s17 =	simm.s32 $0xE00;
	s16 =	sadd.s32 $0x164F8, s26  }
0x17: {  	[tilespmem:s17], [sflag:$0x1] =	stream.indirect.gather [hbm4b:s16+s5], $0x1, s2, s5, $0xb8;
	[tilespmem:$0x1A00] =	vst v63  }
0x18: {  	s19 =	simm.s32 $0x1000;
	s18 =	sadd.s32 $0x195CC, s26  }
0x19: {  	[tilespmem:s19], [sflag:$0x1] =	stream.indirect.gather [hbm4b:s18+s5], $0x1, s2, s5, $0xb8;
	[tilespmem:$0x1A00] =	vst v63  }
0x1a: {  	s21 =	simm.s32 $0x1200;
	s20 =	sadd.s32 $0x1C6A0, s26  }
0x1b: {  	[tilespmem:s21], [sflag:$0x1] =	stream.indirect.gather [hbm4b:s20+s5], $0x1, s2, s5, $0xb8;
	[tilespmem:$0x1A00] =	vst v63  }
0x1c: {  	s23 =	simm.s32 $0x1400;
	s22 =	sadd.s32 $0x1F774, s26  }
0x1d: {  	[tilespmem:s23], [sflag:$0x1] =	stream.indirect.gather [hbm4b:s22+s5], $0x1, s2, s5, $0xb8;
	[tilespmem:$0x1A00] =	vst v63  }
0x1e: {  	s24 =	sadd.s32 $0x22848, s26;
	s25 =	simm.s32 $0x1600  }
0x1f: {  	[tilespmem:s25], [sflag:$0x1] =	stream.indirect.gather [hbm4b:s24+s5], $0x1, s2, s5, $0xb8;
	[tilespmem:$0x1A00] =	vst v63  }
0x20: {  	s28 =	simm.s32 $0x1800;
	s29 =	simm.s32 $0x1;
	s26 =	sadd.s32 $0x2591C, s26  }
0x21: {  	[tilespmem:s28], [sflag:$0x1] =	stream.indirect.gather [hbm4b:s26+s5], $0x1, s2, s5, $0xb8;
	[tilespmem:$0x1A00] =	vst v63  }
0x22: {  	_ =	swait.ge [sflag:s29], $0x200  }
0x23: {  	[sflag:s29] =	ssyncset.done $0x0  }
0x24: {  	[sflag:s29] =	ssyncadd.s32 $0xFFFFFE00  }
0x25: {  	_ =	swait.ge [sflag:s29], $0x200  }
0x26: {  	[sflag:s29] =	ssyncset.done $0x0  }
0x27: {  	[sflag:s29] =	ssyncadd.s32 $0xFFFFFE00  }
0x28: {  	_ =	swait.ge [sflag:s29], $0x200  }
0x29: {  	[sflag:s29] =	ssyncset.done $0x0  }
0x2a: {  	[sflag:s29] =	ssyncadd.s32 $0xFFFFFE00  }
0x2b: {  	_ =	swait.ge [sflag:s29], $0x200  }
0x2c: {  	[sflag:s29] =	ssyncset.done $0x0  }
0x2d: {  	[sflag:s29] =	ssyncadd.s32 $0xFFFFFE00  }
0x2e: {  	_ =	swait.ge [sflag:s29], $0x200  }
0x2f: {  	[sflag:s29] =	ssyncset.done $0x0  }
0x30: {  	[sflag:s29] =	ssyncadd.s32 $0xFFFFFE00  }
0x31: {  	_ =	swait.ge [sflag:s29], $0x200  }
0x32: {  	[sflag:s29] =	ssyncset.done $0x0  }
0x33: {  	[sflag:s29] =	ssyncadd.s32 $0xFFFFFE00  }
0x34: {  	_ =	swait.ge [sflag:s29], $0x200  }
0x35: {  	[sflag:s29] =	ssyncset.done $0x0  }
0x36: {  	[sflag:s29] =	ssyncadd.s32 $0xFFFFFE00  }
0x37: {  	_ =	swait.ge [sflag:s29], $0x200  }
0x38: {  	[sflag:s29] =	ssyncset.done $0x0  }
0x39: {  	[sflag:s29] =	ssyncadd.s32 $0xFFFFFE00  }
0x3a: {  	_ =	swait.ge [sflag:s29], $0x200  }
0x3b: {  	[sflag:s29] =	ssyncset.done $0x0  }
0x3c: {  	[sflag:s29] =	ssyncadd.s32 $0xFFFFFE00  }
0x3d: {  	_ =	swait.ge [sflag:s29], $0x200  }
0x3e: {  	[sflag:s29] =	ssyncset.done $0x0  }
0x3f: {  	s0 =	ssub.s32 $0x2, s0;
	[sflag:s29] =	ssyncadd.s32 $0xFFFFFE00  }
0x40: {  	s31 =	sshrl.u32 s0, $0x1;
	_ =	swait.ge [sflag:s29], $0x200  }
0x41: {  	s0 =	ssub.s32 s0, s31;
	[sflag:s29] =	ssyncset.done $0x0  }
0x42: {  	s0 =	smax.u32 s0, $0x1;
	[sflag:s29] =	ssyncadd.s32 $0xFFFFFE00  }
0x43: {  	p0 =	sne.s32 s0, $0x1;
	_ =	swait.ge [sflag:s29], $0x200  }
.Ltmp0:
0x44: {  	[sflag:s29] =	ssyncset.done $0x0;
	(pc) =	sbr.rel @!p0 .LBB2_2-.Ltmp0, $4  }
0x45: {  	s31 =	simm.s32 $0x4000;
	s30 =	sadd.s32 $0x28A00, s30;
	[sflag:s29] =	ssyncadd.s32 $0xFFFFFE00  }
0x46: {  	[hbm4b:s30+s5] =	stream.strided.scatter [tilespmem:s5], [sflag:$0x2], $0x1800, s31, s5, $0x38;
	[tilespmem:$0x1A00] =	vst v63  }
0x47: {  	_ =	swait.ge [sflag:s3], $0x1800  }
0x48: {  	s0 =	sadd.s32 $0xFFFFFFFF, s0;
	[sflag:s3] =	ssyncset.done $0x0  }
.LBB2_1:
0x49: {  	[sflag:s3] =	ssyncadd.s32 $0xFFFFE800  }
0x4a: {  	[tilespmem:s2], [sflag:$0x2] =	stream.linear.gather [hbm4b:s4+s2], $0x200, $0x38;
	[tilespmem:$0x1A00] =	vst v63  }
0x4b: {  	_ =	swait.ge [sflag:s3], $0x200  }
0x4c: {  	[sflag:s3] =	ssyncset.done $0x0  }
0x4d: {  	s1 =	rddreg [dreg:$0x2];
	[sflag:s3] =	ssyncadd.s32 $0xFFFFFE00  }
0x4e: {  	[tilespmem:s5], [sflag:$0x1] =	stream.indirect.gather [hbm4b:s1+s5], $0x1, s2, s5, $0xb8;
	[tilespmem:$0x1A00] =	vst v63  }
0x4f: {  	_ = 	snop  }
0x50: {  	[tilespmem:s7], [sflag:$0x1] =	stream.indirect.gather [hbm4b:s6+s5], $0x1, s2, s5, $0xb8;
	[tilespmem:$0x1A00] =	vst v63  }
0x51: {  	_ = 	snop  }
0x52: {  	[tilespmem:s9], [sflag:$0x1] =	stream.indirect.gather [hbm4b:s8+s5], $0x1, s2, s5, $0xb8;
	[tilespmem:$0x1A00] =	vst v63  }
0x53: {  	_ = 	snop  }
0x54: {  	[tilespmem:s11], [sflag:$0x1] =	stream.indirect.gather [hbm4b:s10+s5], $0x1, s2, s5, $0xb8;
	[tilespmem:$0x1A00] =	vst v63  }
0x55: {  	_ = 	snop  }
0x56: {  	[tilespmem:s13], [sflag:$0x1] =	stream.indirect.gather [hbm4b:s12+s5], $0x1, s2, s5, $0xb8;
	[tilespmem:$0x1A00] =	vst v63  }
0x57: {  	_ = 	snop  }
0x58: {  	[tilespmem:s15], [sflag:$0x1] =	stream.indirect.gather [hbm4b:s14+s5], $0x1, s2, s5, $0xb8;
	[tilespmem:$0x1A00] =	vst v63  }
0x59: {  	_ = 	snop  }
0x5a: {  	[tilespmem:s17], [sflag:$0x1] =	stream.indirect.gather [hbm4b:s16+s5], $0x1, s2, s5, $0xb8;
	[tilespmem:$0x1A00] =	vst v63  }
0x5b: {  	_ = 	snop  }
0x5c: {  	[tilespmem:s19], [sflag:$0x1] =	stream.indirect.gather [hbm4b:s18+s5], $0x1, s2, s5, $0xb8;
	[tilespmem:$0x1A00] =	vst v63  }
0x5d: {  	_ = 	snop  }
0x5e: {  	[tilespmem:s21], [sflag:$0x1] =	stream.indirect.gather [hbm4b:s20+s5], $0x1, s2, s5, $0xb8;
	[tilespmem:$0x1A00] =	vst v63  }
0x5f: {  	_ = 	snop  }
0x60: {  	[tilespmem:s23], [sflag:$0x1] =	stream.indirect.gather [hbm4b:s22+s5], $0x1, s2, s5, $0xb8;
	[tilespmem:$0x1A00] =	vst v63  }
0x61: {  	_ = 	snop  }
0x62: {  	[tilespmem:s25], [sflag:$0x1] =	stream.indirect.gather [hbm4b:s24+s5], $0x1, s2, s5, $0xb8;
	[tilespmem:$0x1A00] =	vst v63  }
0x63: {  	_ = 	snop  }
0x64: {  	[tilespmem:s28], [sflag:$0x1] =	stream.indirect.gather [hbm4b:s26+s5], $0x1, s2, s5, $0xb8;
	[tilespmem:$0x1A00] =	vst v63  }
0x65: {  	_ =	swait.ge [sflag:s29], $0x200  }
0x66: {  	[sflag:s29] =	ssyncset.done $0x0  }
0x67: {  	[sflag:s29] =	ssyncadd.s32 $0xFFFFFE00  }
0x68: {  	_ =	swait.ge [sflag:s29], $0x200  }
0x69: {  	[sflag:s29] =	ssyncset.done $0x0  }
0x6a: {  	[sflag:s29] =	ssyncadd.s32 $0xFFFFFE00  }
0x6b: {  	_ =	swait.ge [sflag:s29], $0x200  }
0x6c: {  	[sflag:s29] =	ssyncset.done $0x0  }
0x6d: {  	[sflag:s29] =	ssyncadd.s32 $0xFFFFFE00  }
0x6e: {  	_ =	swait.ge [sflag:s29], $0x200  }
0x6f: {  	[sflag:s29] =	ssyncset.done $0x0  }
0x70: {  	[sflag:s29] =	ssyncadd.s32 $0xFFFFFE00  }
0x71: {  	_ =	swait.ge [sflag:s29], $0x200  }
0x72: {  	[sflag:s29] =	ssyncset.done $0x0  }
0x73: {  	[sflag:s29] =	ssyncadd.s32 $0xFFFFFE00  }
0x74: {  	_ =	swait.ge [sflag:s29], $0x200  }
0x75: {  	[sflag:s29] =	ssyncset.done $0x0  }
0x76: {  	[sflag:s29] =	ssyncadd.s32 $0xFFFFFE00  }
0x77: {  	_ =	swait.ge [sflag:s29], $0x200  }
0x78: {  	[sflag:s29] =	ssyncset.done $0x0  }
0x79: {  	[sflag:s29] =	ssyncadd.s32 $0xFFFFFE00  }
0x7a: {  	_ =	swait.ge [sflag:s29], $0x200  }
0x7b: {  	[sflag:s29] =	ssyncset.done $0x0  }
0x7c: {  	[sflag:s29] =	ssyncadd.s32 $0xFFFFFE00  }
0x7d: {  	_ =	swait.ge [sflag:s29], $0x200  }
0x7e: {  	[sflag:s29] =	ssyncset.done $0x0  }
0x7f: {  	[sflag:s29] =	ssyncadd.s32 $0xFFFFFE00  }
0x80: {  	_ =	swait.ge [sflag:s29], $0x200  }
0x81: {  	[sflag:s29] =	ssyncset.done $0x0  }
0x82: {  	[sflag:s29] =	ssyncadd.s32 $0xFFFFFE00  }
0x83: {  	_ =	swait.ge [sflag:s29], $0x200  }
0x84: {  	[sflag:s29] =	ssyncset.done $0x0  }
0x85: {  	[sflag:s29] =	ssyncadd.s32 $0xFFFFFE00  }
0x86: {  	p0 =	sne.s32 s0, $0x1;
	_ =	swait.ge [sflag:s29], $0x200  }
.Ltmp1:
0x87: {  	[sflag:s29] =	ssyncset.done $0x0;
	(pc) =	sbr.rel @p0 .LBB2_1-.Ltmp1, $4  }
0x88: {  	[sflag:s29] =	ssyncadd.s32 $0xFFFFFE00  }
0x89: {  	[hbm4b:s30+s5] =	stream.strided.scatter [tilespmem:s5], [sflag:$0x2], $0x1800, s31, s5, $0x38;
	[tilespmem:$0x1A00] =	vst v63  }
0x8a: {  	_ =	swait.ge [sflag:s3], $0x1800  }
0x8b: {  	s0 =	sadd.s32 $0xFFFFFFFF, s0;
	[sflag:s3] =	ssyncset.done $0x0  }
.LBB2_2:
0x8c: {  	[sflag:s3] =	ssyncadd.s32 $0xFFFFE800  }
0x8d: {  	_ =	sfence.sel $0x180000  }
0x8e: {  	[bflag:$0x0] =	sbarrier.arrive $0xFFFF  }
0x8f: {  	_ =	strace $0x90000047  }
0x90: {  	s0 =	stileid.u32;
	[bflag:$0x2] =	sbarrier.arrive $0xFFFF  }
0x91: {  	p0 =	sne.s32 s0, $0x0;
	s0 =	rddreg [dreg:$0x1]  }
0x92: {  	s0 =	sadd.s32 @!p0 $0x100000, s0  }
0x93: {  	[sflag:s0] =	ssyncadd.tile.s32 @!p0 $0x1;
	_ =	shalt  }
.Lfunc_end2:
_tile_overlayer_lowered:
.L_overlay_start_2:
0x94: {  	(tag) =	ssettag $0x2  }
0x95: {  	s0 =	rddreg [dreg:$0x0];
	s2 =	stileid.u32  }
0x96: {  	s1 =	rddreg [dreg:$0x1];
	p0 =	sne.s32 s2, $0x0  }
0x97: {  	s3 =	rddreg [dreg:$0x2];
	[bflag:$0x3] =	sbarrier.arrive $0xFFFF;
	s2 =	simm.s32 @!p0 $0x1C02  }
0x98: {  	[timem:s3], [sflag:s2] =	dma.local @!p0 [hbm:s0], s1  }
0x99: {  	s0 =	simm.s32 @!p0 $0x2  }
0x9a: {  	_ =	swait.ge @!p0 [sflag:s0], s1  }
0x9b: {  	s1 =	ssub.s32 @!p0 $0x0, s1;
	[sflag:s0] =	ssyncset.done @!p0 $0x0  }
0x9c: {  	[sflag:s0] =	ssyncadd.s32 @!p0 s1  }
0x9d: {  	[bflag:$0x3] =	sbarrier.arrive $0xFFFF  }
0x9e: {  	_ =	shalt  }

// kernel: kernel.9.cloned.1.call-start
scs
__scs_entry_jumppad:
0x0: {  	(pc) =	sbr.rel $0x88, $3  }
0x1: {  	(tag) =	ssettag $0x0;
	lr =	simm.s32 $0x1  }
0x2: {  	[smem:$0x3F91] =	sst lr;
	_ =	strace $0xD0000000  }
0x3: {  	_ = 	snop  }
0x4: {  	_ = 	snop  }
0x5: {  	_ = 	snop  }
0x6: {  	_ = 	snop  }
0x7: {  	_ = 	snop  }
__scs_overlays_trampoline_lowered:
0x8: {  	[smem:$0x3FA0] =	sst s0  }
0x9: {  	[smem:$0x3FA1] =	sst s1  }
0xa: {  	[smem:$0x3FA2] =	sst s2  }
0xb: {  	[smem:$0x3FA3] =	sst s3  }
0xc: {  	[smem:$0x3FA4] =	sst s4  }
0xd: {  	[smem:$0x3FA5] =	sst s5  }
0xe: {  	[smem:$0x3FA6] =	sst s6  }
0xf: {  	[smem:$0x3FA7] =	sst s7  }
0x10: {  	[smem:$0x3FA8] =	sst s8  }
0x11: {  	[smem:$0x3FA9] =	sst s9;
	s0 =	simm.s32 @!p0 $0x0  }
0x12: {  	s1 =	sld [smem:$0x3F8F];
	s0 =	simm.s32 @p0 $0x1  }
0x13: {  	[smem:$0x3FAA] =	sst s0;
	s0 =	simm.s32 @!p1 $0x0  }
0x14: {  	s2 =	sld [smem:$0x3F8E];
	s0 =	simm.s32 @p1 $0x1  }
0x15: {  	[smem:$0x3FAB] =	sst s0;
	s0 =	simm.s32 @!p2 $0x0  }
0x16: {  	s3 =	sld [smem:$0x3FDB];
	s0 =	simm.s32 @p2 $0x1  }
0x17: {  	s4 =	simm.s32 $0x1BF5;
	[smem:$0x3FAD] =	sst s0  }
0x18: {  	s0 =	sld [smem:$0x3F90];
	_ =	swait.ge [sflag:s4], $0x0  }
0x19: {  	s7 =	sld [smem:$0x3F91]  }
0x1a: {  	s8 =	sadd.s32 $0xFFFFE003, lr  }
0x1b: {  	s9 =	sadd.s32 $0xFFFFFEF7, lr;
	s5 =	simm.s32 $0xFFFFFFFF;
	p2 =	slt.u32 s8, $0xFFFFF086  }
0x1c: {  	p1 =	slt.u32 s9, $0xF7A;
	s5 =	simm.s32 @!p2 $0x0  }
0x1d: {  	s5 =	simm.s32 @p1 $0x1;
	p0 =	seq.s32 s7, s2  }
0x1e: {  	s7 =	smul.u32 @!p0 $0xF7A, s2;
	p2 =	seq.s32 @!p0 s5, $0x0  }
0x1f: {  	s9 =	smul.u32 $0xF7A, s1;
	s8 =	simm.s32 @!p0 $0x1BF5;
	p2 =	por !p2, p0  }
0x20: {  	[sflag:s8] =	ssyncset.s32 @!p0 $0xFFFFF086;
	s6 =	sadd.s32 @!p0 s3, s7;
	s7 =	simm.s32 @!p0 $0x108  }
0x21: {  	s3 =	sadd.s32 s3, s9;
	s6 =	sadd.s32 @!p0 $0x88, s6;
	s7 =	simm.s32 @p2 $0x1082  }
0x22: {  	[simem:s7], [sflag:s8] =	dma.local @!p0 [hbm:s6], $0xF7A  }
0x23: {  	s9 =	sor.u32 $0xD0000000, s2;
	s6 =	simm.s32 $0x108;
	_ =	swait.ge @!p0 [sflag:s8], $0x0  }
0x24: {  	s3 =	sadd.s32 $0x88, s3;
	s6 =	simm.s32 @!p1 $0x1082;
	[sflag:s4] =	ssyncset.s32 $0xFFFFF086  }
0x25: {  	[simem:s6], [sflag:s4] =	dma.local [hbm:s3], $0xF7A  }
0x26: {  	[smem:$0x3F91] =	sst s1;
	(tag) =	ssettag s2;
	_ =	strace s9  }
0x27: {  	s1 =	sld [smem:$0x3FA1]  }
0x28: {  	s2 =	sld [smem:$0x3FA2]  }
0x29: {  	s4 =	sld [smem:$0x3FA4]  }
0x2a: {  	p0 =	seq.s32 s5, $0x0;
	s5 =	sld [smem:$0x3FA5]  }
0x2b: {  	s6 =	sld [smem:$0x3FA6]  }
0x2c: {  	s7 =	sld [smem:$0x3FA7]  }
0x2d: {  	s3 =	simm.s32 $0x108;
	s8 =	sld [smem:$0x3FA8]  }
0x2e: {  	s3 =	simm.s32 @!p0 $0x1082;
	s9 =	sld [smem:$0x3FA9]  }
0x2f: {  	lr =	sadd.s32 s0, s3;
	s0 =	sld [smem:$0x3FA0]  }
0x30: {  	s3 =	sld [smem:$0x3FA3]  }
0x31: {  	[smem:$0x3FAC] =	sst s10  }
0x32: {  	s10 =	sld [smem:$0x3FAA];
	_ =	sdelay $0x3  }
0x33: {  	p0 =	seq.s32 s10, $0x1;
	s10 =	sld [smem:$0x3FAC];
	_ =	sdelay $0x3  }
0x34: {  	[smem:$0x3FAC] =	sst s10  }
0x35: {  	s10 =	sld [smem:$0x3FAB];
	_ =	sdelay $0x3  }
0x36: {  	p1 =	seq.s32 s10, $0x1;
	s10 =	sld [smem:$0x3FAC];
	_ =	sdelay $0x3  }
0x37: {  	[smem:$0x3FAC] =	sst s10  }
0x38: {  	s10 =	sld [smem:$0x3FAD]  }
0x39: {  	_ = 	snop;
	(pc) =	sbr.ind lr, $3  }
0x3a: {  	_ = 	snop  }
0x3b: {  	_ = 	snop  }
0x3c: {  	p2 =	seq.s32 s10, $0x1;
	s10 =	sld [smem:$0x3FAC]  }
0x3d: {  	_ =	shalt  }
0x3e: {  	_ =	shalt  }
0x3f: {  	_ =	shalt  }
0x40: {  	_ =	shalt  }
0x41: {  	_ =	shalt  }
0x42: {  	_ =	shalt  }
0x43: {  	_ =	shalt  }
0x44: {  	_ =	shalt  }
0x45: {  	_ =	shalt  }
0x46: {  	_ =	shalt  }
0x47: {  	_ =	shalt  }
0x48: {  	_ =	shalt  }
0x49: {  	_ =	shalt  }
0x4a: {  	_ =	shalt  }
0x4b: {  	_ =	shalt  }
0x4c: {  	_ =	shalt  }
0x4d: {  	_ =	shalt  }
0x4e: {  	_ =	shalt  }
0x4f: {  	_ =	shalt  }
0x50: {  	_ =	shalt  }
0x51: {  	_ =	shalt  }
0x52: {  	_ =	shalt  }
0x53: {  	_ =	shalt  }
0x54: {  	_ =	shalt  }
0x55: {  	_ =	shalt  }
0x56: {  	_ =	shalt  }
0x57: {  	_ =	shalt  }
0x58: {  	_ =	shalt  }
0x59: {  	_ =	shalt  }
0x5a: {  	_ =	shalt  }
0x5b: {  	_ =	shalt  }
0x5c: {  	_ =	shalt  }
0x5d: {  	_ =	shalt  }
0x5e: {  	_ =	shalt  }
0x5f: {  	_ =	shalt  }
0x60: {  	_ =	shalt  }
0x61: {  	_ =	shalt  }
0x62: {  	_ =	shalt  }
0x63: {  	_ =	shalt  }
0x64: {  	_ =	shalt  }
0x65: {  	_ =	shalt  }
0x66: {  	_ =	shalt  }
0x67: {  	_ =	shalt  }
0x68: {  	_ =	shalt  }
0x69: {  	_ =	shalt  }
0x6a: {  	_ =	shalt  }
0x6b: {  	_ =	shalt  }
0x6c: {  	_ =	shalt  }
0x6d: {  	_ =	shalt  }
0x6e: {  	_ =	shalt  }
0x6f: {  	_ =	shalt  }
0x70: {  	_ =	shalt  }
0x71: {  	_ =	shalt  }
0x72: {  	_ =	shalt  }
0x73: {  	_ =	shalt  }
0x74: {  	_ =	shalt  }
0x75: {  	_ =	shalt  }
0x76: {  	_ =	shalt  }
0x77: {  	_ =	shalt  }
0x78: {  	_ =	shalt  }
0x79: {  	_ =	shalt  }
0x7a: {  	_ =	shalt  }
0x7b: {  	_ =	shalt  }
0x7c: {  	_ =	shalt  }
0x7d: {  	_ =	shalt  }
0x7e: {  	_ =	shalt  }
0x7f: {  	_ =	shalt  }
0x80: {  	_ =	shalt  }
0x81: {  	_ =	shalt  }
0x82: {  	_ =	shalt  }
0x83: {  	_ =	shalt  }
0x84: {  	_ =	shalt  }
0x85: {  	_ =	shalt  }
0x86: {  	_ =	shalt  }
0x87: {  	_ =	shalt  }
.Lfunc_end0:
.L_simem_size_0:
called_computation.1_lowered:
.L_overlay_start_0:
0x88: {  	s2 =	sld [smem:$0x3FD9]  }
0x89: {  	s3 =	sld [smem:$0x3FFE];
	_ =	sdelay $0x1  }
0x8a: {  	s1 =	srdreg.scid  }
0x8b: {  	s0 =	sand.u32 $0x1, s1  }
0x8c: {  	s17 =	sshll.u32 s0, $0xA;
	s2 =	sadd.s32 s3, s2  }
0x8d: {  	s2 =	sadd.s32 s2, s17  }
0x8e: {  	[smem:$0x3FB8] =	sst s2  }
0x8f: {  	_ = 	snop  }
0x90: {  	(tm) =	ssettm $0x1  }
0x91: {  	s18 =	sld [smem:$0x3FFB];
	_ =	sdelay $0x3  }
0x92: {  	_ =	strace s18  }
0x93: {  	s2 =	sld [smem:$0x3FFC];
	_ =	sdelay $0x3  }
0x94: {  	_ =	strace s2  }
0x95: {  	s2 =	sld [smem:$0x3FFD];
	_ =	sdelay $0x3  }
0x96: {  	_ =	strace s2  }
0x97: {  	_ =	strace $0x8FFFFFFF  }
0x98: {  	s19 =	sld [smem:$0x3FDB];
	_ =	sdelay $0x1  }
0x99: {  	s20 =	simm.s32 $_scs_section_size  }
0x9a: {  	s4 =	simm.s32 $_size__tile_overlayer_lowered;
	s5 =	simm.s32 $_tile_overlayer_lowered  }
0x9b: {  	s6 =	simm.s32 $0x1BFF;
	s21 =	sshll.u32 s5, $0x1;
	s3 =	sadd.s32 s20, s19  }
0x9c: {  	s22 =	simm.s32 $0x0;
	s4 =	sshll.u32 s4, $0x1;
	s5 =	sadd.s32 s21, s3  }
0x9d: {  	[timem:s22], [sflag:s6] =	dma.local [hbm:s5], s4  }
0x9e: {  	_ =	swait.ge [sflag:s6], s4  }
0x9f: {  	s4 =	ssub.s32 $0x0, s4;
	[sflag:s6] =	ssyncset.done $0x0  }
0xa0: {  	[sflag:s6] =	ssyncadd.s32 s4;
	_ =	sdelay $0x1  }
0xa1: {  	s23 =	simm.s32 $0x1B8B  }
0xa2: {  	_ =	swait.ge [sflag:s23], $0x1  }
0xa3: {  	[sflag:s23] =	ssyncset.done $0x0  }
0xa4: {  	[sflag:s23] =	ssyncadd.s32 $0xFFFFFFFF  }
0xa5: {  	s4 =	sld [smem:$0x0]  }
0xa6: {  	s5 =	sand.u32 $0xFFFFFFFE, s1  }
0xa7: {  	p0 =	sne.s32 s1, s5  }
0xa8: {  	s5 =	sshll.u32 @p0 s5, $0xE  }
0xa9: {  	s5 =	sadd.s32 @p0 $0x11B8D, s5;
	s6 =	sshll.u32 @p0 s4, $0x11  }
0xaa: {  	s5 =	sor.u32 @p0 s6, s5  }
0xab: {  	[sflag:s5] =	ssyncadd.remote.s32 @p0 $0x1;
	_ =	sdelay $0x1  }
0xac: {  	s5 =	simm.s32 @p0 $0x1B8D  }
0xad: {  	_ =	swait.eq @p0 [sflag:s5], $0x1  }
0xae: {  	[sflag:s5] =	ssyncadd.s32 @p0 $0xFFFFFFFF  }
0xaf: {  	s6 =	sshll.u32 @!p0 s1, $0xE  }
0xb0: {  	s6 =	sor.u32 @!p0 $0x4000, s6;
	s5 =	simm.s32 @!p0 $0x1B8D  }
0xb1: {  	s4 =	sshll.u32 @!p0 s4, $0x11;
	s6 =	sadd.s32 @!p0 $0x11B8D, s6;
	_ =	swait.eq @!p0 [sflag:s5], $0x1  }
0xb2: {  	s4 =	sor.u32 @!p0 s4, s6;
	[sflag:s5] =	ssyncadd.s32 @!p0 $0xFFFFFFFF  }
0xb3: {  	s25 =	simm.s32 $0x1B8E;
	s24 =	sld [smem:$0x3FFE];
	[sflag:s4] =	ssyncadd.remote.s32 @!p0 $0x1  }
0xb4: {  	s26 =	simm.s32 $execute0_lowered;
	[smem:$0x3FD2] =	sst s25  }
0xb5: {  	s5 =	sshll.u32 s26, $0x1;
	_ =	strace $0x80000049;
	[dreg:$0x1] =	wrdreg $0xFFFFFFFF  }
0xb6: {  	s28 =	simm.s32 $_size_execute0_lowered;
	s3 =	sadd.s32 s3, s5;
	[dreg:$0x0] =	wrdreg $0x0  }
0xb7: {  	s5 =	sshll.u32 s28, $0x1;
	[dreg:$0x2] =	wrdreg s3  }
0xb8: {  	[dreg:$0x3] =	wrdreg s5  }
0xb9: {  	[dreg:$0x4] =	wrdreg $0xC0  }
0xba: {  	_ =	task [dreg:s22], $0x5FFFF  }
0xbb: {  	[dreg:$0x1] =	wrdreg $0xFFFFFFFF  }
0xbc: {  	[dreg:$0x0] =	wrdreg $0x60  }
0xbd: {  	[dreg:$0x2] =	wrdreg s24  }
0xbe: {  	[dreg:$0x3] =	wrdreg $0xA  }
0xbf: {  	_ =	task.clear_ibuf [dreg:s22], $0x4FFFF;
	_ =	strace $0x90000049  }
0xc0: {  	s29 =	simm.s32 $0xA;
	_ =	strace $0x8000004B  }
0xc1: {  	_ =	swait.ge [sflag:s29], $0x1  }
0xc2: {  	[sflag:s29] =	ssyncadd.s32 $0xFFFFFFFF  }
0xc3: {  	_ =	strace $0x9000004B  }
0xc4: {  	_ =	sfence  }
0xc5: {  	s30 =	sld [smem:$0x0];
	_ =	sdelay $0x2  }
0xc6: {  	s31 =	sshll.u32 s1, $0xD;
	s1 =	sshrl.u32 s1, $0x2  }
0xc7: {  	s4 =	sand.u32 $0x4000, s31;
	s1 =	sadd.s32 s1, s30  }
0xc8: {  	s0 =	sor.u32 s4, s0;
	s1 =	sshll.u32 s1, $0x11  }
0xc9: {  	s0 =	sor.u32 s1, s0  }
0xca: {  	s0 =	sadd.s32 $0x8F2B, s0  }
0xcb: {  	[sflag:s0] =	ssyncadd.remote.s32 $0x1  }
0xcc: {  	_ =	sfence.sel $0xFFFF  }
0xcd: {  	[dreg:$0x0] =	wrdreg $0xFFFFFFFF;
	(pc) =	sbr.abs _section_cstart, $3  }
0xce: {  	[dreg:$0x1] =	wrdreg $0xFFFFFFFF  }
0xcf: {  	_ =	task.clear_ibuf [dreg:s22], $0x2FFFF;
	_ =	strace $0x9FFFFFFF  }
0xd0: {  	(tm) =	ssettm $0x7FFFFFFF  }
0xd1: {  	_ =	shalt  }
tec
execute0_lowered:
.L_overlay_start_1:
0x0: {  	(tag) =	ssettag $0x1  }
0x1: {  	s0 =	srdreg.scid  }
0x2: {  	s26 =	rddreg [dreg:$0x0];
	s1 =	stileid.u32;
	s0 =	sand.u32 $0x1, s0  }
0x3: {  	s2 =	simm.s32 $0x0;
	s3 =	sshll.u32 s1, $0x7;
	s4 =	sshll.u32 s0, $0x6  }
0x4: {  	[smem:$0x7FF] =	sst s2;
	s3 =	sor.u32 s4, s3  }
0x5: {  	s25 =	sadd.s32 $0x2EA00, s26;
	_ =	strace $0x8000004A;
	s30 =	sadd.s32 s3, s26  }
0x6: {  	[dreg:$0x2] =	wrdreg s25;
	s3 =	simm.s32 $0x2;
	s4 =	sadd.s32 $0x3000, s30  }
0x7: {  	[tilespmem:s2], [sflag:$0x2] =	stream.linear.gather [hbm4b:s4+s2], $0x200, $0x38;
	[tilespmem:$0x1A00] =	vst v63  }
0x8: {  	_ =	swait.ge [sflag:s3], $0x200  }
0x9: {  	[sflag:s3] =	ssyncset.done $0x0  }
0xa: {  	s5 =	simm.s32 $0x200;
	s6 =	rddreg [dreg:$0x2];
	[sflag:s3] =	ssyncadd.s32 $0xFFFFFE00  }
0xb: {  	[tilespmem:s5], [sflag:$0x1] =	stream.indirect.gather [hbm4b:s6+s5], $0x1, s2, s5, $0xb8;
	[tilespmem:$0x1A00] =	vst v63  }
0xc: {  	s7 =	simm.s32 $0x400;
	s6 =	sadd.s32 $0x31AD4, s26  }
0xd: {  	[tilespmem:s7], [sflag:$0x1] =	stream.indirect.gather [hbm4b:s6+s5], $0x1, s2, s5, $0xb8;
	[tilespmem:$0x1A00] =	vst v63  }
0xe: {  	s9 =	simm.s32 $0x600;
	s8 =	sadd.s32 $0x34BA8, s26  }
0xf: {  	[tilespmem:s9], [sflag:$0x1] =	stream.indirect.gather [hbm4b:s8+s5], $0x1, s2, s5, $0xb8;
	[tilespmem:$0x1A00] =	vst v63  }
0x10: {  	s11 =	simm.s32 $0x800;
	s10 =	sadd.s32 $0x37C7C, s26  }
0x11: {  	[tilespmem:s11], [sflag:$0x1] =	stream.indirect.gather [hbm4b:s10+s5], $0x1, s2, s5, $0xb8;
	[tilespmem:$0x1A00] =	vst v63  }
0x12: {  	s13 =	simm.s32 $0xA00;
	s12 =	sadd.s32 $0x3AD50, s26  }
0x13: {  	[tilespmem:s13], [sflag:$0x1] =	stream.indirect.gather [hbm4b:s12+s5], $0x1, s2, s5, $0xb8;
	[tilespmem:$0x1A00] =	vst v63  }
0x14: {  	s15 =	simm.s32 $0xC00;
	s14 =	sadd.s32 $0x3DE24, s26  }
0x15: {  	[tilespmem:s15], [sflag:$0x1] =	stream.indirect.gather [hbm4b:s14+s5], $0x1, s2, s5, $0xb8;
	[tilespmem:$0x1A00] =	vst v63  }
0x16: {  	s17 =	simm.s32 $0xE00;
	s16 =	sadd.s32 $0x40EF8, s26  }
0x17: {  	[tilespmem:s17], [sflag:$0x1] =	stream.indirect.gather [hbm4b:s16+s5], $0x1, s2, s5, $0xb8;
	[tilespmem:$0x1A00] =	vst v63  }
0x18: {  	s19 =	simm.s32 $0x1000;
	s18 =	sadd.s32 $0x43FCC, s26  }
0x19: {  	[tilespmem:s19], [sflag:$0x1] =	stream.indirect.gather [hbm4b:s18+s5], $0x1, s2, s5, $0xb8;
	[tilespmem:$0x1A00] =	vst v63  }
0x1a: {  	s21 =	simm.s32 $0x1200;
	s20 =	sadd.s32 $0x470A0, s26  }
0x1b: {  	[tilespmem:s21], [sflag:$0x1] =	stream.indirect.gather [hbm4b:s20+s5], $0x1, s2, s5, $0xb8;
	[tilespmem:$0x1A00] =	vst v63  }
0x1c: {  	s23 =	simm.s32 $0x1400;
	s22 =	sadd.s32 $0x4A174, s26  }
0x1d: {  	[tilespmem:s23], [sflag:$0x1] =	stream.indirect.gather [hbm4b:s22+s5], $0x1, s2, s5, $0xb8;
	[tilespmem:$0x1A00] =	vst v63  }
0x1e: {  	s24 =	sadd.s32 $0x4D248, s26;
	s25 =	simm.s32 $0x1600  }
0x1f: {  	[tilespmem:s25], [sflag:$0x1] =	stream.indirect.gather [hbm4b:s24+s5], $0x1, s2, s5, $0xb8;
	[tilespmem:$0x1A00] =	vst v63  }
0x20: {  	s28 =	simm.s32 $0x1800;
	s29 =	simm.s32 $0x1;
	s26 =	sadd.s32 $0x5031C, s26  }
0x21: {  	[tilespmem:s28], [sflag:$0x1] =	stream.indirect.gather [hbm4b:s26+s5], $0x1, s2, s5, $0xb8;
	[tilespmem:$0x1A00] =	vst v63  }
0x22: {  	_ =	swait.ge [sflag:s29], $0x200  }
0x23: {  	[sflag:s29] =	ssyncset.done $0x0  }
0x24: {  	[sflag:s29] =	ssyncadd.s32 $0xFFFFFE00  }
0x25: {  	_ =	swait.ge [sflag:s29], $0x200  }
0x26: {  	[sflag:s29] =	ssyncset.done $0x0  }
0x27: {  	[sflag:s29] =	ssyncadd.s32 $0xFFFFFE00  }
0x28: {  	_ =	swait.ge [sflag:s29], $0x200  }
0x29: {  	[sflag:s29] =	ssyncset.done $0x0  }
0x2a: {  	[sflag:s29] =	ssyncadd.s32 $0xFFFFFE00  }
0x2b: {  	_ =	swait.ge [sflag:s29], $0x200  }
0x2c: {  	[sflag:s29] =	ssyncset.done $0x0  }
0x2d: {  	[sflag:s29] =	ssyncadd.s32 $0xFFFFFE00  }
0x2e: {  	_ =	swait.ge [sflag:s29], $0x200  }
0x2f: {  	[sflag:s29] =	ssyncset.done $0x0  }
0x30: {  	[sflag:s29] =	ssyncadd.s32 $0xFFFFFE00  }
0x31: {  	_ =	swait.ge [sflag:s29], $0x200  }
0x32: {  	[sflag:s29] =	ssyncset.done $0x0  }
0x33: {  	[sflag:s29] =	ssyncadd.s32 $0xFFFFFE00  }
0x34: {  	_ =	swait.ge [sflag:s29], $0x200  }
0x35: {  	[sflag:s29] =	ssyncset.done $0x0  }
0x36: {  	[sflag:s29] =	ssyncadd.s32 $0xFFFFFE00  }
0x37: {  	_ =	swait.ge [sflag:s29], $0x200  }
0x38: {  	[sflag:s29] =	ssyncset.done $0x0  }
0x39: {  	[sflag:s29] =	ssyncadd.s32 $0xFFFFFE00  }
0x3a: {  	_ =	swait.ge [sflag:s29], $0x200  }
0x3b: {  	[sflag:s29] =	ssyncset.done $0x0  }
0x3c: {  	[sflag:s29] =	ssyncadd.s32 $0xFFFFFE00  }
0x3d: {  	_ =	swait.ge [sflag:s29], $0x200  }
0x3e: {  	[sflag:s29] =	ssyncset.done $0x0  }
0x3f: {  	s0 =	ssub.s32 $0x2, s0;
	[sflag:s29] =	ssyncadd.s32 $0xFFFFFE00  }
0x40: {  	s31 =	sshrl.u32 s0, $0x1;
	_ =	swait.ge [sflag:s29], $0x200  }
0x41: {  	s0 =	ssub.s32 s0, s31;
	[sflag:s29] =	ssyncset.done $0x0  }
0x42: {  	s0 =	smax.u32 s0, $0x1;
	[sflag:s29] =	ssyncadd.s32 $0xFFFFFE00  }
0x43: {  	p0 =	sne.s32 s0, $0x1;
	_ =	swait.ge [sflag:s29], $0x200  }
.Ltmp0:
0x44: {  	[sflag:s29] =	ssyncset.done $0x0;
	(pc) =	sbr.rel @!p0 .LBB2_2-.Ltmp0, $4  }
0x45: {  	s31 =	simm.s32 $0x4000;
	s30 =	sadd.s32 $0x53400, s30;
	[sflag:s29] =	ssyncadd.s32 $0xFFFFFE00  }
0x46: {  	[hbm4b:s30+s5] =	stream.strided.scatter [tilespmem:s5], [sflag:$0x2], $0x1800, s31, s5, $0x38;
	[tilespmem:$0x1A00] =	vst v63  }
0x47: {  	_ =	swait.ge [sflag:s3], $0x1800  }
0x48: {  	s0 =	sadd.s32 $0xFFFFFFFF, s0;
	[sflag:s3] =	ssyncset.done $0x0  }
.LBB2_1:
0x49: {  	[sflag:s3] =	ssyncadd.s32 $0xFFFFE800  }
0x4a: {  	[tilespmem:s2], [sflag:$0x2] =	stream.linear.gather [hbm4b:s4+s2], $0x200, $0x38;
	[tilespmem:$0x1A00] =	vst v63  }
0x4b: {  	_ =	swait.ge [sflag:s3], $0x200  }
0x4c: {  	[sflag:s3] =	ssyncset.done $0x0  }
0x4d: {  	s1 =	rddreg [dreg:$0x2];
	[sflag:s3] =	ssyncadd.s32 $0xFFFFFE00  }
0x4e: {  	[tilespmem:s5], [sflag:$0x1] =	stream.indirect.gather [hbm4b:s1+s5], $0x1, s2, s5, $0xb8;
	[tilespmem:$0x1A00] =	vst v63  }
0x4f: {  	_ = 	snop  }
0x50: {  	[tilespmem:s7], [sflag:$0x1] =	stream.indirect.gather [hbm4b:s6+s5], $0x1, s2, s5, $0xb8;
	[tilespmem:$0x1A00] =	vst v63  }
0x51: {  	_ = 	snop  }
0x52: {  	[tilespmem:s9], [sflag:$0x1] =	stream.indirect.gather [hbm4b:s8+s5], $0x1, s2, s5, $0xb8;
	[tilespmem:$0x1A00] =	vst v63  }
0x53: {  	_ = 	snop  }
0x54: {  	[tilespmem:s11], [sflag:$0x1] =	stream.indirect.gather [hbm4b:s10+s5], $0x1, s2, s5, $0xb8;
	[tilespmem:$0x1A00] =	vst v63  }
0x55: {  	_ = 	snop  }
0x56: {  	[tilespmem:s13], [sflag:$0x1] =	stream.indirect.gather [hbm4b:s12+s5], $0x1, s2, s5, $0xb8;
	[tilespmem:$0x1A00] =	vst v63  }
0x57: {  	_ = 	snop  }
0x58: {  	[tilespmem:s15], [sflag:$0x1] =	stream.indirect.gather [hbm4b:s14+s5], $0x1, s2, s5, $0xb8;
	[tilespmem:$0x1A00] =	vst v63  }
0x59: {  	_ = 	snop  }
0x5a: {  	[tilespmem:s17], [sflag:$0x1] =	stream.indirect.gather [hbm4b:s16+s5], $0x1, s2, s5, $0xb8;
	[tilespmem:$0x1A00] =	vst v63  }
0x5b: {  	_ = 	snop  }
0x5c: {  	[tilespmem:s19], [sflag:$0x1] =	stream.indirect.gather [hbm4b:s18+s5], $0x1, s2, s5, $0xb8;
	[tilespmem:$0x1A00] =	vst v63  }
0x5d: {  	_ = 	snop  }
0x5e: {  	[tilespmem:s21], [sflag:$0x1] =	stream.indirect.gather [hbm4b:s20+s5], $0x1, s2, s5, $0xb8;
	[tilespmem:$0x1A00] =	vst v63  }
0x5f: {  	_ = 	snop  }
0x60: {  	[tilespmem:s23], [sflag:$0x1] =	stream.indirect.gather [hbm4b:s22+s5], $0x1, s2, s5, $0xb8;
	[tilespmem:$0x1A00] =	vst v63  }
0x61: {  	_ = 	snop  }
0x62: {  	[tilespmem:s25], [sflag:$0x1] =	stream.indirect.gather [hbm4b:s24+s5], $0x1, s2, s5, $0xb8;
	[tilespmem:$0x1A00] =	vst v63  }
0x63: {  	_ = 	snop  }
0x64: {  	[tilespmem:s28], [sflag:$0x1] =	stream.indirect.gather [hbm4b:s26+s5], $0x1, s2, s5, $0xb8;
	[tilespmem:$0x1A00] =	vst v63  }
0x65: {  	_ =	swait.ge [sflag:s29], $0x200  }
0x66: {  	[sflag:s29] =	ssyncset.done $0x0  }
0x67: {  	[sflag:s29] =	ssyncadd.s32 $0xFFFFFE00  }
0x68: {  	_ =	swait.ge [sflag:s29], $0x200  }
0x69: {  	[sflag:s29] =	ssyncset.done $0x0  }
0x6a: {  	[sflag:s29] =	ssyncadd.s32 $0xFFFFFE00  }
0x6b: {  	_ =	swait.ge [sflag:s29], $0x200  }
0x6c: {  	[sflag:s29] =	ssyncset.done $0x0  }
0x6d: {  	[sflag:s29] =	ssyncadd.s32 $0xFFFFFE00  }
0x6e: {  	_ =	swait.ge [sflag:s29], $0x200  }
0x6f: {  	[sflag:s29] =	ssyncset.done $0x0  }
0x70: {  	[sflag:s29] =	ssyncadd.s32 $0xFFFFFE00  }
0x71: {  	_ =	swait.ge [sflag:s29], $0x200  }
0x72: {  	[sflag:s29] =	ssyncset.done $0x0  }
0x73: {  	[sflag:s29] =	ssyncadd.s32 $0xFFFFFE00  }
0x74: {  	_ =	swait.ge [sflag:s29], $0x200  }
0x75: {  	[sflag:s29] =	ssyncset.done $0x0  }
0x76: {  	[sflag:s29] =	ssyncadd.s32 $0xFFFFFE00  }
0x77: {  	_ =	swait.ge [sflag:s29], $0x200  }
0x78: {  	[sflag:s29] =	ssyncset.done $0x0  }
0x79: {  	[sflag:s29] =	ssyncadd.s32 $0xFFFFFE00  }
0x7a: {  	_ =	swait.ge [sflag:s29], $0x200  }
0x7b: {  	[sflag:s29] =	ssyncset.done $0x0  }
0x7c: {  	[sflag:s29] =	ssyncadd.s32 $0xFFFFFE00  }
0x7d: {  	_ =	swait.ge [sflag:s29], $0x200  }
0x7e: {  	[sflag:s29] =	ssyncset.done $0x0  }
0x7f: {  	[sflag:s29] =	ssyncadd.s32 $0xFFFFFE00  }
0x80: {  	_ =	swait.ge [sflag:s29], $0x200  }
0x81: {  	[sflag:s29] =	ssyncset.done $0x0  }
0x82: {  	[sflag:s29] =	ssyncadd.s32 $0xFFFFFE00  }
0x83: {  	_ =	swait.ge [sflag:s29], $0x200  }
0x84: {  	[sflag:s29] =	ssyncset.done $0x0  }
0x85: {  	[sflag:s29] =	ssyncadd.s32 $0xFFFFFE00  }
0x86: {  	p0 =	sne.s32 s0, $0x1;
	_ =	swait.ge [sflag:s29], $0x200  }
.Ltmp1:
0x87: {  	[sflag:s29] =	ssyncset.done $0x0;
	(pc) =	sbr.rel @p0 .LBB2_1-.Ltmp1, $4  }
0x88: {  	[sflag:s29] =	ssyncadd.s32 $0xFFFFFE00  }
0x89: {  	[hbm4b:s30+s5] =	stream.strided.scatter [tilespmem:s5], [sflag:$0x2], $0x1800, s31, s5, $0x38;
	[tilespmem:$0x1A00] =	vst v63  }
0x8a: {  	_ =	swait.ge [sflag:s3], $0x1800  }
0x8b: {  	s0 =	sadd.s32 $0xFFFFFFFF, s0;
	[sflag:s3] =	ssyncset.done $0x0  }
.LBB2_2:
0x8c: {  	[sflag:s3] =	ssyncadd.s32 $0xFFFFE800  }
0x8d: {  	_ =	sfence.sel $0x180000  }
0x8e: {  	[bflag:$0x0] =	sbarrier.arrive $0xFFFF  }
0x8f: {  	_ =	strace $0x9000004A  }
0x90: {  	s0 =	stileid.u32;
	[bflag:$0x2] =	sbarrier.arrive $0xFFFF  }
0x91: {  	p0 =	sne.s32 s0, $0x0;
	s0 =	rddreg [dreg:$0x1]  }
0x92: {  	s0 =	sadd.s32 @!p0 $0x100000, s0  }
0x93: {  	[sflag:s0] =	ssyncadd.tile.s32 @!p0 $0x1;
	_ =	shalt  }
.Lfunc_end2:
_tile_overlayer_lowered:
.L_overlay_start_2:
0x94: {  	(tag) =	ssettag $0x2  }
0x95: {  	s0 =	rddreg [dreg:$0x0];
	s2 =	stileid.u32  }
0x96: {  	s1 =	rddreg [dreg:$0x1];
	p0 =	sne.s32 s2, $0x0  }
0x97: {  	s3 =	rddreg [dreg:$0x2];
	[bflag:$0x3] =	sbarrier.arrive $0xFFFF;
	s2 =	simm.s32 @!p0 $0x1C02  }
0x98: {  	[timem:s3], [sflag:s2] =	dma.local @!p0 [hbm:s0], s1  }
0x99: {  	s0 =	simm.s32 @!p0 $0x2  }
0x9a: {  	_ =	swait.ge @!p0 [sflag:s0], s1  }
0x9b: {  	s1 =	ssub.s32 @!p0 $0x0, s1;
	[sflag:s0] =	ssyncset.done @!p0 $0x0  }
0x9c: {  	[sflag:s0] =	ssyncadd.s32 @!p0 s1  }
0x9d: {  	[bflag:$0x3] =	sbarrier.arrive $0xFFFF  }
0x9e: {  	_ =	shalt  }

</sc_bundles>
